<compile_context>
chip_gen: v7x
topology: tpu7x:2x2x1
jax: 0.10.2.dev20260603
libtpu: 0.0.44.dev20260713+nightly
codegen_flags: <defaults>
</compile_context>

<pallas_src>
import jax
import jax.numpy as jnp
from jax import lax
from jax.experimental import pallas as pl
from jax.experimental.pallas import tpu as pltpu
from jax.experimental.pallas import tpu_sc as plsc

_NC = 2
_NS = 16
_NW = _NC * _NS
_CHUNK = 80


def _pad_rows(N):
    return -(-N // (_NS * 8)) * (_NS * 8)


def _sc_agg_kernel(N, E, D, with_deg):
    EW = E // _NW
    n = EW // _CHUNK
    NP = _pad_rows(N)
    RW = NP // _NS
    assert EW * _NW == E and n * _CHUNK == EW

    mesh = plsc.VectorSubcoreMesh(core_axis_name="c", subcore_axis_name="s")

    out_type = [jax.ShapeDtypeStruct((_NC, NP, D), jnp.float32)]
    if with_deg:
        out_type.append(jax.ShapeDtypeStruct((_NC, NP, 128), jnp.float32))

    scratch = [
        pltpu.VMEM((_CHUNK,), jnp.int32),
        pltpu.VMEM((_CHUNK,), jnp.int32),
        pltpu.VMEM((_CHUNK,), jnp.int32),
        pltpu.VMEM((_CHUNK,), jnp.int32),
        pltpu.VMEM((_CHUNK,), jnp.int32),
        pltpu.VMEM((_CHUNK,), jnp.int32),
        pltpu.VMEM((_CHUNK, D), jnp.float32),
        pltpu.VMEM((_CHUNK, D), jnp.float32),
        pltpu.VMEM_SHARED((NP, D), jnp.float32),
        pltpu.SemaphoreType.DMA,
        pltpu.SemaphoreType.DMA,
        pltpu.SemaphoreType.DMA,
        pltpu.SemaphoreType.DMA,
        pltpu.SemaphoreType.DMA,
    ]

    n_zcopy = RW // _CHUNK
    z_tail = RW - n_zcopy * _CHUNK

    def body(*refs):
        if with_deg:
            (table, srci, dsti, zeros_h, ones_h,
             out_acc, out_deg,
             sa0, sa1, sa2, da0, da1, da2, rows0, rows1, acc_sh,
             sem0, sem1, semi0, semi1, semi2) = refs
        else:
            (table, srci, dsti, zeros_h,
             out_acc,
             sa0, sa1, sa2, da0, da1, da2, rows0, rows1, acc_sh,
             sem0, sem1, semi0, semi1, semi2) = refs
        c = lax.axis_index("c")
        s = lax.axis_index("s")
        w = c * _NS + s

        def off(i):
            return w * EW + i * _CHUNK

        def zero_acc():
            base = s * RW
            for k in range(n_zcopy):
                pltpu.sync_copy(rows1,
                                acc_sh.at[pl.ds(base + k * _CHUNK, _CHUNK)])
            if z_tail:
                pltpu.sync_copy(
                    rows1.at[pl.ds(0, z_tail)],
                    acc_sh.at[pl.ds(base + n_zcopy * _CHUNK, z_tail)])

        def load_pair(i, sa, da, semi):
            pltpu.async_copy(srci.at[pl.ds(off(i), _CHUNK)], sa, semi)
            pltpu.async_copy(dsti.at[pl.ds(off(i), _CHUNK)], da, semi)

        def wait_pair(sa, da, semi):
            pltpu.make_async_copy(srci.at[pl.ds(0, _CHUNK)], sa, semi).wait()
            pltpu.make_async_copy(dsti.at[pl.ds(0, _CHUNK)], da, semi).wait()

        def load_dst(i, da, semi):
            pltpu.async_copy(dsti.at[pl.ds(off(i), _CHUNK)], da, semi)

        def wait_dst(da, semi):
            pltpu.make_async_copy(dsti.at[pl.ds(0, _CHUNK)], da, semi).wait()

        def wait_rows(buf, sem):
            pltpu.make_async_copy(table.at[pl.ds(0, _CHUNK)], buf, sem).wait()

        pltpu.sync_copy(zeros_h, rows1)

        if with_deg:
            pltpu.sync_copy(ones_h, rows0)
            zero_acc()
            plsc.subcore_barrier()

            pltpu.sync_copy(dsti.at[pl.ds(off(0), _CHUNK)], da0)
            load_dst(1, da1, semi1)

            def deg_pair(t, carry):
                i0 = 2 * t

                @pl.when(t > 0)
                def _():
                    wait_dst(da0, semi0)

                pltpu.sync_copy(rows0, acc_sh.at[da0], add=True)

                @pl.when(i0 + 2 < n)
                def _():
                    load_dst(i0 + 2, da0, semi0)

                @pl.when(i0 + 1 < n)
                def _():
                    wait_dst(da1, semi1)
                    pltpu.sync_copy(rows0, acc_sh.at[da1], add=True)

                    @pl.when(i0 + 3 < n)
                    def _():
                        load_dst(i0 + 3, da1, semi1)

                return carry

            lax.fori_loop(0, (n + 1) // 2, deg_pair, 0)
            plsc.subcore_barrier()
            pltpu.sync_copy(acc_sh.at[pl.ds(s * RW, RW)],
                            out_deg.at[c, pl.ds(s * RW, RW)])
            plsc.subcore_barrier()

        zero_acc()
        plsc.subcore_barrier()

        pltpu.sync_copy(srci.at[pl.ds(off(0), _CHUNK)], sa0)
        pltpu.sync_copy(dsti.at[pl.ds(off(0), _CHUNK)], da0)
        load_pair(1, sa1, da1, semi1)
        load_pair(2, sa2, da2, semi2)
        pltpu.async_copy(table.at[sa0], rows0, sem0)

        sas = (sa0, sa1, sa2)
        das = (da0, da1, da2)
        semis = (semi0, semi1, semi2)
        rr = (rows0, rows1)
        ss = (sem0, sem1)

        def feat_six(u, carry):
            base = 6 * u
            for j in range(6):
                i = base + j
                p3 = j % 3
                q3 = (j + 1) % 3
                b = j % 2

                @pl.when(i < n)
                def _(i=i, p3=p3, q3=q3, b=b):
                    @pl.when(i + 1 < n)
                    def _():
                        wait_pair(sas[q3], das[q3], semis[q3])
                        pltpu.async_copy(table.at[sas[q3]],
                                         rr[1 - b], ss[1 - b])

                    wait_rows(rr[b], ss[b])
                    pltpu.sync_copy(rr[b], acc_sh.at[das[p3]], add=True)

                    @pl.when(i + 3 < n)
                    def _():
                        load_pair(i + 3, sas[p3], das[p3], semis[p3])

            return carry

        lax.fori_loop(0, (n + 5) // 6, feat_six, 0)
        plsc.subcore_barrier()

        pltpu.sync_copy(acc_sh.at[pl.ds(s * RW, RW)],
                        out_acc.at[c, pl.ds(s * RW, RW)])

    return pl.kernel(body, out_type=out_type, mesh=mesh, scratch_types=scratch)


def _tc_layer(N, D, DO, relu, with_deg):
    R = 2000
    grid = (N // R,)

    def body(*refs):
        if with_deg:
            (x_r, a0_r, a1_r, d0_r, d1_r, ws_r, wn_r, b_r, o_r, inv_r) = refs
            deg = d0_r[:, 0:1] + d1_r[:, 0:1]
            inv = 1.0 / jnp.maximum(deg, 1.0)
            inv_r[...] = inv
        else:
            (x_r, a0_r, a1_r, inv_in_r, ws_r, wn_r, b_r, o_r) = refs
            inv = inv_in_r[...]
        hn = (a0_r[...] + a1_r[...]) * inv
        acc = jnp.dot(x_r[...], ws_r[...], preferred_element_type=jnp.float32)
        acc = acc + jnp.dot(hn, wn_r[...], preferred_element_type=jnp.float32)
        acc = acc + b_r[...]
        if relu:
            acc = jnp.maximum(acc, 0.0)
        o_r[...] = acc

    def row_blk(d):
        return pl.BlockSpec((R, d), lambda i: (i, 0))

    def full(shape):
        return pl.BlockSpec(shape, lambda i: (0,) * len(shape))

    if with_deg:
        in_specs = [row_blk(D), row_blk(D), row_blk(D), row_blk(128),
                    row_blk(128),
                    full((D, DO)), full((D, DO)), full((1, DO))]
        out_shape = [jax.ShapeDtypeStruct((N, DO), jnp.float32),
                     jax.ShapeDtypeStruct((N, 1), jnp.float32)]
        out_specs = [row_blk(DO), row_blk(1)]
    else:
        in_specs = [row_blk(D), row_blk(D), row_blk(D), row_blk(1),
                    full((D, DO)), full((D, DO)), full((1, DO))]
        out_shape = jax.ShapeDtypeStruct((N, DO), jnp.float32)
        out_specs = row_blk(DO)

    return pl.pallas_call(
        body, grid=grid, in_specs=in_specs, out_specs=out_specs,
        out_shape=out_shape)


def kernel(x, edge_index, W_self1, W_neigh1, b1, W_self2, W_neigh2, b2):
    N, D = x.shape
    E = edge_index.shape[1]
    n_cls = W_self2.shape[1]

    src = edge_index[0].astype(jnp.int32)
    dst = edge_index[1].astype(jnp.int32)

    zeros_h = jnp.zeros((_CHUNK, D), jnp.float32)
    ones_h = jnp.ones((_CHUNK, 128), jnp.float32)

    sc1 = _sc_agg_kernel(N, E, D, with_deg=True)
    sc2 = _sc_agg_kernel(N, E, D, with_deg=False)
    tc1 = _tc_layer(N, D, D, relu=True, with_deg=True)
    tc2 = _tc_layer(N, D, D, relu=False, with_deg=False)

    acc1, degp = sc1(x, src, dst, zeros_h, ones_h)
    h, inv = tc1(x, acc1[0], acc1[1], degp[0], degp[1],
                 W_self1, W_neigh1, b1.reshape(1, D))

    acc2 = sc2(h, src, dst, zeros_h)
    if isinstance(acc2, (list, tuple)):
        acc2 = acc2[0]
    W_self2p = jnp.pad(W_self2, ((0, 0), (0, D - n_cls)))
    W_neigh2p = jnp.pad(W_neigh2, ((0, 0), (0, D - n_cls)))
    b2p = jnp.pad(b2, (0, D - n_cls)).reshape(1, D)
    outp = tc2(h, acc2[0], acc2[1], inv, W_self2p, W_neigh2p, b2p)
    return outp[:, :n_cls]

# --- scband reference (transcript-rebuilt; emitter-appended) ---
"""Pipeline reference for scband-spsage-26388279067153 (READ-ONLY COPY).

The authoritative reference and input builder live on the scoring server;
editing this copy changes nothing except your own understanding.
"""

import jax, jax.numpy as jnp
import numpy as np

N = 10000
E = 320000
D_IN = 128
D_H = 128
N_CLS = 47


def setup_inputs(seed: int = 0) -> dict:
    key = jax.random.key(seed)
    ks = jax.random.split(key, 9)
    x = jax.random.normal(ks[0], (N, D_IN), dtype=jnp.float32)
    edge_index = jnp.asarray(
        jax.random.randint(ks[1], (2, E), 0, N), dtype=jnp.int64
    )
    # SAGEConv layer 1: in_feats=128 -> n_hidden=128 ('mean' aggregator)
    W_self1 = jax.random.normal(ks[2], (D_IN, D_H), dtype=jnp.float32) * (1.0 / np.sqrt(D_IN))
    W_neigh1 = jax.random.normal(ks[3], (D_IN, D_H), dtype=jnp.float32) * (1.0 / np.sqrt(D_IN))
    b1 = jnp.zeros((D_H,), dtype=jnp.float32)
    # SAGEConv layer 2: n_hidden=128 -> n_classes=47 ('mean' aggregator)
    W_self2 = jax.random.normal(ks[4], (D_H, N_CLS), dtype=jnp.float32) * (1.0 / np.sqrt(D_H))
    W_neigh2 = jax.random.normal(ks[5], (D_H, N_CLS), dtype=jnp.float32) * (1.0 / np.sqrt(D_H))
    b2 = jnp.zeros((N_CLS,), dtype=jnp.float32)
    return {
        "x": x,
        "edge_index": edge_index,
        "W_self1": W_self1,
        "W_neigh1": W_neigh1,
        "b1": b1,
        "W_self2": W_self2,
        "W_neigh2": W_neigh2,
        "b2": b2,
    }


def _sage_conv(h, src, dst, W_self, W_neigh, b, n_nodes):
    # DGL SAGEConv with 'mean' aggregator:
    #   h_neigh[v] = mean_{u -> v} h[u]
    #   rst = fc_self(h_dst) + fc_neigh(h_neigh) + bias
    ones = jnp.ones((src.shape[0],), dtype=jnp.float32)
    deg = jax.ops.segment_sum(ones, dst, num_segments=n_nodes)
    agg = jax.ops.segment_sum(h[src], dst, num_segments=n_nodes)
    h_neigh = agg / jnp.clip(deg, 1.0)[:, None]
    return h @ W_self + h_neigh @ W_neigh + b


def reference(x, edge_index, W_self1, W_neigh1, b1, W_self2, W_neigh2, b2):
    src = edge_index[0]
    dst = edge_index[1]
    # layer 0 (SPSAGEConv, 'mean') + activation; dropout is identity in eval
    h = _sage_conv(x, src, dst, W_self1, W_neigh1, b1, N)
    h = jax.nn.relu(h)
    # final layer (SAGEConv, 'mean') -> class logits, no activation
    out = _sage_conv(h, src, dst, W_self2, W_neigh2, b2, N)
    return out

if __name__ == "__main__":
    import jax
    _d = setup_inputs()
    print(jax.jit(kernel)(*tuple(_d.values())))

</pallas_src>

<mosaic_0001>
#map = affine_map<(d0, d1) -> (0, 0)>
#map1 = affine_map<(d0, d1) -> (0)>
#map2 = affine_map<(d0, d1) -> (0, 0, 0)>
module attributes {stable_mosaic.version = 14 : i64} {
  func.func @body(%arg0: i32, %arg1: i32, %arg2: memref<10000x128xf32, #tpu.memory_space<hbm>>, %arg3: memref<320000xi32, #tpu.memory_space<hbm>>, %arg4: memref<320000xi32, #tpu.memory_space<hbm>>, %arg5: memref<80x128xf32, #tpu.memory_space<hbm>>, %arg6: memref<80x128xf32, #tpu.memory_space<hbm>>, %arg7: memref<2x10112x128xf32, #tpu.memory_space<hbm>>, %arg8: memref<2x10112x128xf32, #tpu.memory_space<hbm>>, %arg9: memref<80xi32, #tpu.memory_space<vmem>>, %arg10: memref<80xi32, #tpu.memory_space<vmem>>, %arg11: memref<80xi32, #tpu.memory_space<vmem>>, %arg12: memref<80xi32, #tpu.memory_space<vmem>>, %arg13: memref<80xi32, #tpu.memory_space<vmem>>, %arg14: memref<80xi32, #tpu.memory_space<vmem>>, %arg15: memref<80x128xf32, #tpu.memory_space<vmem>>, %arg16: memref<80x128xf32, #tpu.memory_space<vmem>>, %arg17: memref<10112x128xf32, #tpu.memory_space<vmem_shared>>, %arg18: memref<!tpu.dma_semaphore, #tpu.memory_space<semaphore_mem>>, %arg19: memref<!tpu.dma_semaphore, #tpu.memory_space<semaphore_mem>>, %arg20: memref<!tpu.dma_semaphore, #tpu.memory_space<semaphore_mem>>, %arg21: memref<!tpu.dma_semaphore, #tpu.memory_space<semaphore_mem>>, %arg22: memref<!tpu.dma_semaphore, #tpu.memory_space<semaphore_mem>>) attributes {dimension_semantics = [#tpu.dimension_semantics<core_parallel>, #tpu.dimension_semantics<subcore_parallel>], iteration_bounds = array<i64: 2, 16>, scalar_prefetch = 0 : i64, scratch_operands = 14 : i64, tpu.core_type = #tpu.core_type<sc_vector_subcore>, window_params = [{transform_indices = #map}, {transform_indices = #map1}, {transform_indices = #map1}, {transform_indices = #map}, {transform_indices = #map}, {transform_indices = #map2}, {transform_indices = #map2}]} {
    %mul3A = arith.constant 16 : i32
    %mul3A_0 = arith.muli %arg0, %mul3A : i32
    %add3A = arith.addi %mul3A_0, %arg1 : i32
    "tpu.region"() ({
      %run_scoped3A = tpu.sem_alloc : memref<!tpu.dma_semaphore, #tpu.memory_space<semaphore_mem>>
      tpu.enqueue_dma source(%arg5 : memref<80x128xf32, #tpu.memory_space<hbm>>) target(%arg16 : memref<80x128xf32, #tpu.memory_space<vmem>>) target_semaphore(%run_scoped3A : memref<!tpu.dma_semaphore, #tpu.memory_space<semaphore_mem>>)
      tpu.wait_dma2 semaphore(%run_scoped3A : memref<!tpu.dma_semaphore, #tpu.memory_space<semaphore_mem>>) src(%arg5 : memref<80x128xf32, #tpu.memory_space<hbm>>) dst(%arg16 : memref<80x128xf32, #tpu.memory_space<vmem>>)
      tpu.yield
    }) : () -> ()
    "tpu.region"() ({
      %run_scoped3A = tpu.sem_alloc : memref<!tpu.dma_semaphore, #tpu.memory_space<semaphore_mem>>
      tpu.enqueue_dma source(%arg6 : memref<80x128xf32, #tpu.memory_space<hbm>>) target(%arg15 : memref<80x128xf32, #tpu.memory_space<vmem>>) target_semaphore(%run_scoped3A : memref<!tpu.dma_semaphore, #tpu.memory_space<semaphore_mem>>)
      tpu.wait_dma2 semaphore(%run_scoped3A : memref<!tpu.dma_semaphore, #tpu.memory_space<semaphore_mem>>) src(%arg6 : memref<80x128xf32, #tpu.memory_space<hbm>>) dst(%arg15 : memref<80x128xf32, #tpu.memory_space<vmem>>)
      tpu.yield
    }) : () -> ()
    %mul3A_1 = arith.constant 632 : i32
    %mul3A_2 = arith.muli %arg1, %mul3A_1 : i32
    %add3A_3 = arith.constant 0 : i32
    %add3A_4 = arith.addi %mul3A_2, %add3A_3 : i32
    "tpu.region"() ({
      %run_scoped3A = tpu.sem_alloc : memref<!tpu.dma_semaphore, #tpu.memory_space<semaphore_mem>>
      %dma_start3A_104 = arith.constant 0 : i32
      %dma_start3A_105 = tpu.memref_slice %arg17[%add3A_4, %dma_start3A_104] : memref<10112x128xf32, #tpu.memory_space<vmem_shared>> -> memref<80x128xf32, #tpu.memory_space<vmem_shared>>
      %dma_start3A_106 = arith.constant 0 : i32
      %dma_start3A_107 = tpu.memref_slice %arg17[%add3A_4, %dma_start3A_106] : memref<10112x128xf32, #tpu.memory_space<vmem_shared>> -> memref<80x128xf32, #tpu.memory_space<vmem_shared>>
      tpu.enqueue_dma source(%arg16 : memref<80x128xf32, #tpu.memory_space<vmem>>) target(%dma_start3A_107 : memref<80x128xf32, #tpu.memory_space<vmem_shared>>) target_semaphore(%run_scoped3A : memref<!tpu.dma_semaphore, #tpu.memory_space<semaphore_mem>>)
      %dma_wait3A = arith.constant 0 : i32
      %dma_wait3A_108 = tpu.memref_slice %arg17[%add3A_4, %dma_wait3A] : memref<10112x128xf32, #tpu.memory_space<vmem_shared>> -> memref<80x128xf32, #tpu.memory_space<vmem_shared>>
      %dma_wait3A_109 = arith.constant 0 : i32
      %dma_wait3A_110 = tpu.memref_slice %arg17[%add3A_4, %dma_wait3A_109] : memref<10112x128xf32, #tpu.memory_space<vmem_shared>> -> memref<80x128xf32, #tpu.memory_space<vmem_shared>>
      tpu.wait_dma2 semaphore(%run_scoped3A : memref<!tpu.dma_semaphore, #tpu.memory_space<semaphore_mem>>) src(%arg16 : memref<80x128xf32, #tpu.memory_space<vmem>>) dst(%dma_wait3A_110 : memref<80x128xf32, #tpu.memory_space<vmem_shared>>)
      tpu.yield
    }) : () -> ()
    %add3A_5 = arith.constant 80 : i32
    %add3A_6 = arith.addi %mul3A_2, %add3A_5 : i32
    "tpu.region"() ({
      %run_scoped3A = tpu.sem_alloc : memref<!tpu.dma_semaphore, #tpu.memory_space<semaphore_mem>>
      %dma_start3A_104 = arith.constant 0 : i32
      %dma_start3A_105 = tpu.memref_slice %arg17[%add3A_6, %dma_start3A_104] : memref<10112x128xf32, #tpu.memory_space<vmem_shared>> -> memref<80x128xf32, #tpu.memory_space<vmem_shared>>
      %dma_start3A_106 = arith.constant 0 : i32
      %dma_start3A_107 = tpu.memref_slice %arg17[%add3A_6, %dma_start3A_106] : memref<10112x128xf32, #tpu.memory_space<vmem_shared>> -> memref<80x128xf32, #tpu.memory_space<vmem_shared>>
      tpu.enqueue_dma source(%arg16 : memref<80x128xf32, #tpu.memory_space<vmem>>) target(%dma_start3A_107 : memref<80x128xf32, #tpu.memory_space<vmem_shared>>) target_semaphore(%run_scoped3A : memref<!tpu.dma_semaphore, #tpu.memory_space<semaphore_mem>>)
      %dma_wait3A = arith.constant 0 : i32
      %dma_wait3A_108 = tpu.memref_slice %arg17[%add3A_6, %dma_wait3A] : memref<10112x128xf32, #tpu.memory_space<vmem_shared>> -> memref<80x128xf32, #tpu.memory_space<vmem_shared>>
      %dma_wait3A_109 = arith.constant 0 : i32
      %dma_wait3A_110 = tpu.memref_slice %arg17[%add3A_6, %dma_wait3A_109] : memref<10112x128xf32, #tpu.memory_space<vmem_shared>> -> memref<80x128xf32, #tpu.memory_space<vmem_shared>>
      tpu.wait_dma2 semaphore(%run_scoped3A : memref<!tpu.dma_semaphore, #tpu.memory_space<semaphore_mem>>) src(%arg16 : memref<80x128xf32, #tpu.memory_space<vmem>>) dst(%dma_wait3A_110 : memref<80x128xf32, #tpu.memory_space<vmem_shared>>)
      tpu.yield
    }) : () -> ()
    %add3A_7 = arith.constant 160 : i32
    %add3A_8 = arith.addi %mul3A_2, %add3A_7 : i32
    "tpu.region"() ({
      %run_scoped3A = tpu.sem_alloc : memref<!tpu.dma_semaphore, #tpu.memory_space<semaphore_mem>>
      %dma_start3A_104 = arith.constant 0 : i32
      %dma_start3A_105 = tpu.memref_slice %arg17[%add3A_8, %dma_start3A_104] : memref<10112x128xf32, #tpu.memory_space<vmem_shared>> -> memref<80x128xf32, #tpu.memory_space<vmem_shared>>
      %dma_start3A_106 = arith.constant 0 : i32
      %dma_start3A_107 = tpu.memref_slice %arg17[%add3A_8, %dma_start3A_106] : memref<10112x128xf32, #tpu.memory_space<vmem_shared>> -> memref<80x128xf32, #tpu.memory_space<vmem_shared>>
      tpu.enqueue_dma source(%arg16 : memref<80x128xf32, #tpu.memory_space<vmem>>) target(%dma_start3A_107 : memref<80x128xf32, #tpu.memory_space<vmem_shared>>) target_semaphore(%run_scoped3A : memref<!tpu.dma_semaphore, #tpu.memory_space<semaphore_mem>>)
      %dma_wait3A = arith.constant 0 : i32
      %dma_wait3A_108 = tpu.memref_slice %arg17[%add3A_8, %dma_wait3A] : memref<10112x128xf32, #tpu.memory_space<vmem_shared>> -> memref<80x128xf32, #tpu.memory_space<vmem_shared>>
      %dma_wait3A_109 = arith.constant 0 : i32
      %dma_wait3A_110 = tpu.memref_slice %arg17[%add3A_8, %dma_wait3A_109] : memref<10112x128xf32, #tpu.memory_space<vmem_shared>> -> memref<80x128xf32, #tpu.memory_space<vmem_shared>>
      tpu.wait_dma2 semaphore(%run_scoped3A : memref<!tpu.dma_semaphore, #tpu.memory_space<semaphore_mem>>) src(%arg16 : memref<80x128xf32, #tpu.memory_space<vmem>>) dst(%dma_wait3A_110 : memref<80x128xf32, #tpu.memory_space<vmem_shared>>)
      tpu.yield
    }) : () -> ()
    %add3A_9 = arith.constant 240 : i32
    %add3A_10 = arith.addi %mul3A_2, %add3A_9 : i32
    "tpu.region"() ({
      %run_scoped3A = tpu.sem_alloc : memref<!tpu.dma_semaphore, #tpu.memory_space<semaphore_mem>>
      %dma_start3A_104 = arith.constant 0 : i32
      %dma_start3A_105 = tpu.memref_slice %arg17[%add3A_10, %dma_start3A_104] : memref<10112x128xf32, #tpu.memory_space<vmem_shared>> -> memref<80x128xf32, #tpu.memory_space<vmem_shared>>
      %dma_start3A_106 = arith.constant 0 : i32
      %dma_start3A_107 = tpu.memref_slice %arg17[%add3A_10, %dma_start3A_106] : memref<10112x128xf32, #tpu.memory_space<vmem_shared>> -> memref<80x128xf32, #tpu.memory_space<vmem_shared>>
      tpu.enqueue_dma source(%arg16 : memref<80x128xf32, #tpu.memory_space<vmem>>) target(%dma_start3A_107 : memref<80x128xf32, #tpu.memory_space<vmem_shared>>) target_semaphore(%run_scoped3A : memref<!tpu.dma_semaphore, #tpu.memory_space<semaphore_mem>>)
      %dma_wait3A = arith.constant 0 : i32
      %dma_wait3A_108 = tpu.memref_slice %arg17[%add3A_10, %dma_wait3A] : memref<10112x128xf32, #tpu.memory_space<vmem_shared>> -> memref<80x128xf32, #tpu.memory_space<vmem_shared>>
      %dma_wait3A_109 = arith.constant 0 : i32
      %dma_wait3A_110 = tpu.memref_slice %arg17[%add3A_10, %dma_wait3A_109] : memref<10112x128xf32, #tpu.memory_space<vmem_shared>> -> memref<80x128xf32, #tpu.memory_space<vmem_shared>>
      tpu.wait_dma2 semaphore(%run_scoped3A : memref<!tpu.dma_semaphore, #tpu.memory_space<semaphore_mem>>) src(%arg16 : memref<80x128xf32, #tpu.memory_space<vmem>>) dst(%dma_wait3A_110 : memref<80x128xf32, #tpu.memory_space<vmem_shared>>)
      tpu.yield
    }) : () -> ()
    %add3A_11 = arith.constant 320 : i32
    %add3A_12 = arith.addi %mul3A_2, %add3A_11 : i32
    "tpu.region"() ({
      %run_scoped3A = tpu.sem_alloc : memref<!tpu.dma_semaphore, #tpu.memory_space<semaphore_mem>>
      %dma_start3A_104 = arith.constant 0 : i32
      %dma_start3A_105 = tpu.memref_slice %arg17[%add3A_12, %dma_start3A_104] : memref<10112x128xf32, #tpu.memory_space<vmem_shared>> -> memref<80x128xf32, #tpu.memory_space<vmem_shared>>
      %dma_start3A_106 = arith.constant 0 : i32
      %dma_start3A_107 = tpu.memref_slice %arg17[%add3A_12, %dma_start3A_106] : memref<10112x128xf32, #tpu.memory_space<vmem_shared>> -> memref<80x128xf32, #tpu.memory_space<vmem_shared>>
      tpu.enqueue_dma source(%arg16 : memref<80x128xf32, #tpu.memory_space<vmem>>) target(%dma_start3A_107 : memref<80x128xf32, #tpu.memory_space<vmem_shared>>) target_semaphore(%run_scoped3A : memref<!tpu.dma_semaphore, #tpu.memory_space<semaphore_mem>>)
      %dma_wait3A = arith.constant 0 : i32
      %dma_wait3A_108 = tpu.memref_slice %arg17[%add3A_12, %dma_wait3A] : memref<10112x128xf32, #tpu.memory_space<vmem_shared>> -> memref<80x128xf32, #tpu.memory_space<vmem_shared>>
      %dma_wait3A_109 = arith.constant 0 : i32
      %dma_wait3A_110 = tpu.memref_slice %arg17[%add3A_12, %dma_wait3A_109] : memref<10112x128xf32, #tpu.memory_space<vmem_shared>> -> memref<80x128xf32, #tpu.memory_space<vmem_shared>>
      tpu.wait_dma2 semaphore(%run_scoped3A : memref<!tpu.dma_semaphore, #tpu.memory_space<semaphore_mem>>) src(%arg16 : memref<80x128xf32, #tpu.memory_space<vmem>>) dst(%dma_wait3A_110 : memref<80x128xf32, #tpu.memory_space<vmem_shared>>)
      tpu.yield
    }) : () -> ()
    %add3A_13 = arith.constant 400 : i32
    %add3A_14 = arith.addi %mul3A_2, %add3A_13 : i32
    "tpu.region"() ({
      %run_scoped3A = tpu.sem_alloc : memref<!tpu.dma_semaphore, #tpu.memory_space<semaphore_mem>>
      %dma_start3A_104 = arith.constant 0 : i32
      %dma_start3A_105 = tpu.memref_slice %arg17[%add3A_14, %dma_start3A_104] : memref<10112x128xf32, #tpu.memory_space<vmem_shared>> -> memref<80x128xf32, #tpu.memory_space<vmem_shared>>
      %dma_start3A_106 = arith.constant 0 : i32
      %dma_start3A_107 = tpu.memref_slice %arg17[%add3A_14, %dma_start3A_106] : memref<10112x128xf32, #tpu.memory_space<vmem_shared>> -> memref<80x128xf32, #tpu.memory_space<vmem_shared>>
      tpu.enqueue_dma source(%arg16 : memref<80x128xf32, #tpu.memory_space<vmem>>) target(%dma_start3A_107 : memref<80x128xf32, #tpu.memory_space<vmem_shared>>) target_semaphore(%run_scoped3A : memref<!tpu.dma_semaphore, #tpu.memory_space<semaphore_mem>>)
      %dma_wait3A = arith.constant 0 : i32
      %dma_wait3A_108 = tpu.memref_slice %arg17[%add3A_14, %dma_wait3A] : memref<10112x128xf32, #tpu.memory_space<vmem_shared>> -> memref<80x128xf32, #tpu.memory_space<vmem_shared>>
      %dma_wait3A_109 = arith.constant 0 : i32
      %dma_wait3A_110 = tpu.memref_slice %arg17[%add3A_14, %dma_wait3A_109] : memref<10112x128xf32, #tpu.memory_space<vmem_shared>> -> memref<80x128xf32, #tpu.memory_space<vmem_shared>>
      tpu.wait_dma2 semaphore(%run_scoped3A : memref<!tpu.dma_semaphore, #tpu.memory_space<semaphore_mem>>) src(%arg16 : memref<80x128xf32, #tpu.memory_space<vmem>>) dst(%dma_wait3A_110 : memref<80x128xf32, #tpu.memory_space<vmem_shared>>)
      tpu.yield
    }) : () -> ()
    %add3A_15 = arith.constant 480 : i32
    %add3A_16 = arith.addi %mul3A_2, %add3A_15 : i32
    "tpu.region"() ({
      %run_scoped3A = tpu.sem_alloc : memref<!tpu.dma_semaphore, #tpu.memory_space<semaphore_mem>>
      %dma_start3A_104 = arith.constant 0 : i32
      %dma_start3A_105 = tpu.memref_slice %arg17[%add3A_16, %dma_start3A_104] : memref<10112x128xf32, #tpu.memory_space<vmem_shared>> -> memref<80x128xf32, #tpu.memory_space<vmem_shared>>
      %dma_start3A_106 = arith.constant 0 : i32
      %dma_start3A_107 = tpu.memref_slice %arg17[%add3A_16, %dma_start3A_106] : memref<10112x128xf32, #tpu.memory_space<vmem_shared>> -> memref<80x128xf32, #tpu.memory_space<vmem_shared>>
      tpu.enqueue_dma source(%arg16 : memref<80x128xf32, #tpu.memory_space<vmem>>) target(%dma_start3A_107 : memref<80x128xf32, #tpu.memory_space<vmem_shared>>) target_semaphore(%run_scoped3A : memref<!tpu.dma_semaphore, #tpu.memory_space<semaphore_mem>>)
      %dma_wait3A = arith.constant 0 : i32
      %dma_wait3A_108 = tpu.memref_slice %arg17[%add3A_16, %dma_wait3A] : memref<10112x128xf32, #tpu.memory_space<vmem_shared>> -> memref<80x128xf32, #tpu.memory_space<vmem_shared>>
      %dma_wait3A_109 = arith.constant 0 : i32
      %dma_wait3A_110 = tpu.memref_slice %arg17[%add3A_16, %dma_wait3A_109] : memref<10112x128xf32, #tpu.memory_space<vmem_shared>> -> memref<80x128xf32, #tpu.memory_space<vmem_shared>>
      tpu.wait_dma2 semaphore(%run_scoped3A : memref<!tpu.dma_semaphore, #tpu.memory_space<semaphore_mem>>) src(%arg16 : memref<80x128xf32, #tpu.memory_space<vmem>>) dst(%dma_wait3A_110 : memref<80x128xf32, #tpu.memory_space<vmem_shared>>)
      tpu.yield
    }) : () -> ()
    %add3A_17 = arith.constant 560 : i32
    %add3A_18 = arith.addi %mul3A_2, %add3A_17 : i32
    "tpu.region"() ({
      %run_scoped3A = tpu.sem_alloc : memref<!tpu.dma_semaphore, #tpu.memory_space<semaphore_mem>>
      %dma_start3A_104 = arith.constant 0 : i32
      %dma_start3A_105 = arith.constant 0 : i32
      %dma_start3A_106 = tpu.memref_slice %arg16[%dma_start3A_104, %dma_start3A_105] : memref<80x128xf32, #tpu.memory_space<vmem>> -> memref<72x128xf32, #tpu.memory_space<vmem>>
      %dma_start3A_107 = arith.constant 0 : i32
      %dma_start3A_108 = tpu.memref_slice %arg17[%add3A_18, %dma_start3A_107] : memref<10112x128xf32, #tpu.memory_space<vmem_shared>> -> memref<72x128xf32, #tpu.memory_space<vmem_shared>>
      %dma_start3A_109 = arith.constant 0 : i32
      %dma_start3A_110 = tpu.memref_slice %arg17[%add3A_18, %dma_start3A_109] : memref<10112x128xf32, #tpu.memory_space<vmem_shared>> -> memref<72x128xf32, #tpu.memory_space<vmem_shared>>
      %dma_start3A_111 = arith.constant 0 : i32
      %dma_start3A_112 = arith.constant 0 : i32
      %dma_start3A_113 = tpu.memref_slice %arg16[%dma_start3A_111, %dma_start3A_112] : memref<80x128xf32, #tpu.memory_space<vmem>> -> memref<72x128xf32, #tpu.memory_space<vmem>>
      tpu.enqueue_dma source(%dma_start3A_113 : memref<72x128xf32, #tpu.memory_space<vmem>>) target(%dma_start3A_110 : memref<72x128xf32, #tpu.memory_space<vmem_shared>>) target_semaphore(%run_scoped3A : memref<!tpu.dma_semaphore, #tpu.memory_space<semaphore_mem>>)
      %dma_wait3A = arith.constant 0 : i32
      %dma_wait3A_114 = arith.constant 0 : i32
      %dma_wait3A_115 = tpu.memref_slice %arg16[%dma_wait3A, %dma_wait3A_114] : memref<80x128xf32, #tpu.memory_space<vmem>> -> memref<72x128xf32, #tpu.memory_space<vmem>>
      %dma_wait3A_116 = arith.constant 0 : i32
      %dma_wait3A_117 = tpu.memref_slice %arg17[%add3A_18, %dma_wait3A_116] : memref<10112x128xf32, #tpu.memory_space<vmem_shared>> -> memref<72x128xf32, #tpu.memory_space<vmem_shared>>
      %dma_wait3A_118 = arith.constant 0 : i32
      %dma_wait3A_119 = tpu.memref_slice %arg17[%add3A_18, %dma_wait3A_118] : memref<10112x128xf32, #tpu.memory_space<vmem_shared>> -> memref<72x128xf32, #tpu.memory_space<vmem_shared>>
      %dma_wait3A_120 = arith.constant 0 : i32
      %dma_wait3A_121 = arith.constant 0 : i32
      %dma_wait3A_122 = tpu.memref_slice %arg16[%dma_wait3A_120, %dma_wait3A_121] : memref<80x128xf32, #tpu.memory_space<vmem>> -> memref<72x128xf32, #tpu.memory_space<vmem>>
      tpu.wait_dma2 semaphore(%run_scoped3A : memref<!tpu.dma_semaphore, #tpu.memory_space<semaphore_mem>>) src(%dma_wait3A_122 : memref<72x128xf32, #tpu.memory_space<vmem>>) dst(%dma_wait3A_119 : memref<72x128xf32, #tpu.memory_space<vmem_shared>>)
      tpu.yield
    }) : () -> ()
    %barrier3A = arith.constant 0 : index
    tpu.barrier barrier_id(%barrier3A)
    %mul3A_19 = arith.constant 10000 : i32
    %mul3A_20 = arith.muli %add3A, %mul3A_19 : i32
    %add3A_21 = arith.constant 0 : i32
    %add3A_22 = arith.addi %mul3A_20, %add3A_21 : i32
    "tpu.region"() ({
      %run_scoped3A = tpu.sem_alloc : memref<!tpu.dma_semaphore, #tpu.memory_space<semaphore_mem>>
      %dma_start3A_104 = tpu.memref_slice %arg4[%add3A_22] : memref<320000xi32, #tpu.memory_space<hbm>> -> memref<80xi32, #tpu.memory_space<hbm>>
      %dma_start3A_105 = tpu.memref_slice %arg4[%add3A_22] : memref<320000xi32, #tpu.memory_space<hbm>> -> memref<80xi32, #tpu.memory_space<hbm>>
      tpu.enqueue_dma source(%dma_start3A_105 : memref<80xi32, #tpu.memory_space<hbm>>) target(%arg12 : memref<80xi32, #tpu.memory_space<vmem>>) target_semaphore(%run_scoped3A : memref<!tpu.dma_semaphore, #tpu.memory_space<semaphore_mem>>)
      %dma_wait3A = tpu.memref_slice %arg4[%add3A_22] : memref<320000xi32, #tpu.memory_space<hbm>> -> memref<80xi32, #tpu.memory_space<hbm>>
      %dma_wait3A_106 = tpu.memref_slice %arg4[%add3A_22] : memref<320000xi32, #tpu.memory_space<hbm>> -> memref<80xi32, #tpu.memory_space<hbm>>
      tpu.wait_dma2 semaphore(%run_scoped3A : memref<!tpu.dma_semaphore, #tpu.memory_space<semaphore_mem>>) src(%dma_wait3A_106 : memref<80xi32, #tpu.memory_space<hbm>>) dst(%arg12 : memref<80xi32, #tpu.memory_space<vmem>>)
      tpu.yield
    }) : () -> ()
    %mul3A_23 = arith.constant 10000 : i32
    %mul3A_24 = arith.muli %add3A, %mul3A_23 : i32
    %add3A_25 = arith.constant 80 : i32
    %add3A_26 = arith.addi %mul3A_24, %add3A_25 : i32
    %dma_start3A = tpu.memref_slice %arg4[%add3A_26] : memref<320000xi32, #tpu.memory_space<hbm>> -> memref<80xi32, #tpu.memory_space<hbm>>
    %dma_start3A_27 = tpu.memref_slice %arg4[%add3A_26] : memref<320000xi32, #tpu.memory_space<hbm>> -> memref<80xi32, #tpu.memory_space<hbm>>
    tpu.enqueue_dma source(%dma_start3A_27 : memref<80xi32, #tpu.memory_space<hbm>>) target(%arg13 : memref<80xi32, #tpu.memory_space<vmem>>) target_semaphore(%arg21 : memref<!tpu.dma_semaphore, #tpu.memory_space<semaphore_mem>>)
    %scan3A = arith.constant 0 : i32
    %scan3A_28 = arith.constant 0 : i32
    %scan3A_29 = arith.constant 63 : i32
    %scan3A_30 = arith.addi %scan3A_28, %scan3A_29 : i32
    %scan3A_31 = arith.constant 1 : i32
    scf.for %scan3A_104 = %scan3A_28 to %scan3A_30 step %scan3A_31  : i32 {
      %mul3A_105 = arith.constant 2 : i32
      %mul3A_106 = arith.muli %mul3A_105, %scan3A_104 : i32
      %gt3A = arith.constant 0 : i32
      %gt3A_107 = arith.cmpi sgt, %scan3A_104, %gt3A : i32
      %convert_element_type3A = arith.extui %gt3A_107 : i1 to i32
      %cond3A = arith.constant 0 : i32
      %cond3A_108 = arith.cmpi ne, %convert_element_type3A, %cond3A : i32
      scf.if %cond3A_108 {
        %dma_wait3A = arith.constant 0 : i32
        %dma_wait3A_122 = tpu.memref_slice %arg4[%dma_wait3A] : memref<320000xi32, #tpu.memory_space<hbm>> -> memref<80xi32, #tpu.memory_space<hbm>>
        %dma_wait3A_123 = arith.constant 0 : i32
        %dma_wait3A_124 = tpu.memref_slice %arg4[%dma_wait3A_123] : memref<320000xi32, #tpu.memory_space<hbm>> -> memref<80xi32, #tpu.memory_space<hbm>>
        tpu.wait_dma2 semaphore(%arg20 : memref<!tpu.dma_semaphore, #tpu.memory_space<semaphore_mem>>) src(%dma_wait3A_124 : memref<80xi32, #tpu.memory_space<hbm>>) dst(%arg12 : memref<80xi32, #tpu.memory_space<vmem>>)
      } else {
      }
      "tpu.region"() ({
        %run_scoped3A = tpu.sem_alloc : memref<!tpu.dma_semaphore, #tpu.memory_space<semaphore_mem>>
        %dma_start3A_122 = arith.constant 0 : i32
        %dma_start3A_123 = arith.constant 0 : i32
        %dma_start3A_124 = tpu.memref_slice %arg17[%dma_start3A_122, %dma_start3A_123] : memref<10112x128xf32, #tpu.memory_space<vmem_shared>> -> memref<10112x128xf32, #tpu.memory_space<vmem_shared>>
        tpu.enqueue_indirect_dma source(%arg15 : memref<80x128xf32, #tpu.memory_space<vmem>>) target(%dma_start3A_124 : memref<10112x128xf32, #tpu.memory_space<vmem_shared>>) offsets(%arg12 : memref<80xi32, #tpu.memory_space<vmem>>) semaphore(%run_scoped3A : memref<!tpu.dma_semaphore, #tpu.memory_space<semaphore_mem>>) {add = true}
        %dma_wait3A = arith.constant 0 : i32
        %dma_wait3A_125 = arith.constant 0 : i32
        %dma_wait3A_126 = tpu.memref_slice %arg17[%dma_wait3A, %dma_wait3A_125] : memref<10112x128xf32, #tpu.memory_space<vmem_shared>> -> memref<10112x128xf32, #tpu.memory_space<vmem_shared>>
        tpu.wait_indirect_dma semaphore(%run_scoped3A : memref<!tpu.dma_semaphore, #tpu.memory_space<semaphore_mem>>) src(%arg15 : memref<80x128xf32, #tpu.memory_space<vmem>>) dst(%dma_wait3A_126 : memref<10112x128xf32, #tpu.memory_space<vmem_shared>>)
        tpu.yield
      }) : () -> ()
      %add3A_109 = arith.constant 2 : i32
      %add3A_110 = arith.addi %mul3A_106, %add3A_109 : i32
      %lt3A = arith.constant 125 : i32
      %lt3A_111 = arith.cmpi slt, %add3A_110, %lt3A : i32
      %convert_element_type3A_112 = arith.extui %lt3A_111 : i1 to i32
      %cond3A_113 = arith.constant 0 : i32
      %cond3A_114 = arith.cmpi ne, %convert_element_type3A_112, %cond3A_113 : i32
      scf.if %cond3A_114 {
        %add3A_122 = arith.constant 2 : i32
        %add3A_123 = arith.addi %mul3A_106, %add3A_122 : i32
        %mul3A_124 = arith.constant 10000 : i32
        %mul3A_125 = arith.muli %add3A, %mul3A_124 : i32
        %mul3A_126 = arith.constant 80 : i32
        %mul3A_127 = arith.muli %add3A_123, %mul3A_126 : i32
        %add3A_128 = arith.addi %mul3A_125, %mul3A_127 : i32
        %dma_start3A_129 = tpu.memref_slice %arg4[%add3A_128] : memref<320000xi32, #tpu.memory_space<hbm>> -> memref<80xi32, #tpu.memory_space<hbm>>
        %dma_start3A_130 = tpu.memref_slice %arg4[%add3A_128] : memref<320000xi32, #tpu.memory_space<hbm>> -> memref<80xi32, #tpu.memory_space<hbm>>
        tpu.enqueue_dma source(%dma_start3A_130 : memref<80xi32, #tpu.memory_space<hbm>>) target(%arg12 : memref<80xi32, #tpu.memory_space<vmem>>) target_semaphore(%arg20 : memref<!tpu.dma_semaphore, #tpu.memory_space<semaphore_mem>>)
      } else {
      }
      %add3A_115 = arith.constant 1 : i32
      %add3A_116 = arith.addi %mul3A_106, %add3A_115 : i32
      %lt3A_117 = arith.constant 125 : i32
      %lt3A_118 = arith.cmpi slt, %add3A_116, %lt3A_117 : i32
      %convert_element_type3A_119 = arith.extui %lt3A_118 : i1 to i32
      %cond3A_120 = arith.constant 0 : i32
      %cond3A_121 = arith.cmpi ne, %convert_element_type3A_119, %cond3A_120 : i32
      scf.if %cond3A_121 {
        %dma_wait3A = arith.constant 0 : i32
        %dma_wait3A_122 = tpu.memref_slice %arg4[%dma_wait3A] : memref<320000xi32, #tpu.memory_space<hbm>> -> memref<80xi32, #tpu.memory_space<hbm>>
        %dma_wait3A_123 = arith.constant 0 : i32
        %dma_wait3A_124 = tpu.memref_slice %arg4[%dma_wait3A_123] : memref<320000xi32, #tpu.memory_space<hbm>> -> memref<80xi32, #tpu.memory_space<hbm>>
        tpu.wait_dma2 semaphore(%arg21 : memref<!tpu.dma_semaphore, #tpu.memory_space<semaphore_mem>>) src(%dma_wait3A_124 : memref<80xi32, #tpu.memory_space<hbm>>) dst(%arg13 : memref<80xi32, #tpu.memory_space<vmem>>)
        "tpu.region"() ({
          %run_scoped3A = tpu.sem_alloc : memref<!tpu.dma_semaphore, #tpu.memory_space<semaphore_mem>>
          %dma_start3A_132 = arith.constant 0 : i32
          %dma_start3A_133 = arith.constant 0 : i32
          %dma_start3A_134 = tpu.memref_slice %arg17[%dma_start3A_132, %dma_start3A_133] : memref<10112x128xf32, #tpu.memory_space<vmem_shared>> -> memref<10112x128xf32, #tpu.memory_space<vmem_shared>>
          tpu.enqueue_indirect_dma source(%arg15 : memref<80x128xf32, #tpu.memory_space<vmem>>) target(%dma_start3A_134 : memref<10112x128xf32, #tpu.memory_space<vmem_shared>>) offsets(%arg13 : memref<80xi32, #tpu.memory_space<vmem>>) semaphore(%run_scoped3A : memref<!tpu.dma_semaphore, #tpu.memory_space<semaphore_mem>>) {add = true}
          %dma_wait3A_135 = arith.constant 0 : i32
          %dma_wait3A_136 = arith.constant 0 : i32
          %dma_wait3A_137 = tpu.memref_slice %arg17[%dma_wait3A_135, %dma_wait3A_136] : memref<10112x128xf32, #tpu.memory_space<vmem_shared>> -> memref<10112x128xf32, #tpu.memory_space<vmem_shared>>
          tpu.wait_indirect_dma semaphore(%run_scoped3A : memref<!tpu.dma_semaphore, #tpu.memory_space<semaphore_mem>>) src(%arg15 : memref<80x128xf32, #tpu.memory_space<vmem>>) dst(%dma_wait3A_137 : memref<10112x128xf32, #tpu.memory_space<vmem_shared>>)
          tpu.yield
        }) : () -> ()
        %add3A_125 = arith.constant 3 : i32
        %add3A_126 = arith.addi %mul3A_106, %add3A_125 : i32
        %lt3A_127 = arith.constant 125 : i32
        %lt3A_128 = arith.cmpi slt, %add3A_126, %lt3A_127 : i32
        %convert_element_type3A_129 = arith.extui %lt3A_128 : i1 to i32
        %cond3A_130 = arith.constant 0 : i32
        %cond3A_131 = arith.cmpi ne, %convert_element_type3A_129, %cond3A_130 : i32
        scf.if %cond3A_131 {
          %add3A_132 = arith.constant 3 : i32
          %add3A_133 = arith.addi %mul3A_106, %add3A_132 : i32
          %mul3A_134 = arith.constant 10000 : i32
          %mul3A_135 = arith.muli %add3A, %mul3A_134 : i32
          %mul3A_136 = arith.constant 80 : i32
          %mul3A_137 = arith.muli %add3A_133, %mul3A_136 : i32
          %add3A_138 = arith.addi %mul3A_135, %mul3A_137 : i32
          %dma_start3A_139 = tpu.memref_slice %arg4[%add3A_138] : memref<320000xi32, #tpu.memory_space<hbm>> -> memref<80xi32, #tpu.memory_space<hbm>>
          %dma_start3A_140 = tpu.memref_slice %arg4[%add3A_138] : memref<320000xi32, #tpu.memory_space<hbm>> -> memref<80xi32, #tpu.memory_space<hbm>>
          tpu.enqueue_dma source(%dma_start3A_140 : memref<80xi32, #tpu.memory_space<hbm>>) target(%arg13 : memref<80xi32, #tpu.memory_space<vmem>>) target_semaphore(%arg21 : memref<!tpu.dma_semaphore, #tpu.memory_space<semaphore_mem>>)
        } else {
        }
      } else {
      }
    }
    %scan3A_32 = arith.constant 63 : i32
    %barrier3A_33 = arith.constant 0 : index
    tpu.barrier barrier_id(%barrier3A_33)
    %mul3A_34 = arith.constant 632 : i32
    %mul3A_35 = arith.muli %arg1, %mul3A_34 : i32
    %mul3A_36 = arith.constant 632 : i32
    %mul3A_37 = arith.muli %arg1, %mul3A_36 : i32
    "tpu.region"() ({
      %run_scoped3A = tpu.sem_alloc : memref<!tpu.dma_semaphore, #tpu.memory_space<semaphore_mem>>
      %dma_start3A_104 = arith.constant 0 : i32
      %dma_start3A_105 = tpu.memref_slice %arg8[%arg0, %mul3A_37, %dma_start3A_104] : memref<2x10112x128xf32, #tpu.memory_space<hbm>> -> memref<1x632x128xf32, #tpu.memory_space<hbm>>
      %dma_start3A_106 = tpu.memref_squeeze %dma_start3A_105 : memref<1x632x128xf32, #tpu.memory_space<hbm>> -> memref<632x128xf32, #tpu.memory_space<hbm>>
      %dma_start3A_107 = arith.constant 0 : i32
      %dma_start3A_108 = tpu.memref_slice %arg17[%mul3A_35, %dma_start3A_107] : memref<10112x128xf32, #tpu.memory_space<vmem_shared>> -> memref<632x128xf32, #tpu.memory_space<vmem_shared>>
      tpu.enqueue_dma source(%dma_start3A_108 : memref<632x128xf32, #tpu.memory_space<vmem_shared>>) target(%dma_start3A_106 : memref<632x128xf32, #tpu.memory_space<hbm>>) target_semaphore(%run_scoped3A : memref<!tpu.dma_semaphore, #tpu.memory_space<semaphore_mem>>)
      %dma_wait3A = arith.constant 0 : i32
      %dma_wait3A_109 = tpu.memref_slice %arg8[%arg0, %mul3A_37, %dma_wait3A] : memref<2x10112x128xf32, #tpu.memory_space<hbm>> -> memref<1x632x128xf32, #tpu.memory_space<hbm>>
      %dma_wait3A_110 = tpu.memref_squeeze %dma_wait3A_109 : memref<1x632x128xf32, #tpu.memory_space<hbm>> -> memref<632x128xf32, #tpu.memory_space<hbm>>
      %dma_wait3A_111 = arith.constant 0 : i32
      %dma_wait3A_112 = tpu.memref_slice %arg17[%mul3A_35, %dma_wait3A_111] : memref<10112x128xf32, #tpu.memory_space<vmem_shared>> -> memref<632x128xf32, #tpu.memory_space<vmem_shared>>
      tpu.wait_dma2 semaphore(%run_scoped3A : memref<!tpu.dma_semaphore, #tpu.memory_space<semaphore_mem>>) src(%dma_wait3A_112 : memref<632x128xf32, #tpu.memory_space<vmem_shared>>) dst(%dma_wait3A_110 : memref<632x128xf32, #tpu.memory_space<hbm>>)
      tpu.yield
    }) : () -> ()
    %barrier3A_38 = arith.constant 0 : index
    tpu.barrier barrier_id(%barrier3A_38)
    %mul3A_39 = arith.constant 632 : i32
    %mul3A_40 = arith.muli %arg1, %mul3A_39 : i32
    %add3A_41 = arith.constant 0 : i32
    %add3A_42 = arith.addi %mul3A_40, %add3A_41 : i32
    "tpu.region"() ({
      %run_scoped3A = tpu.sem_alloc : memref<!tpu.dma_semaphore, #tpu.memory_space<semaphore_mem>>
      %dma_start3A_104 = arith.constant 0 : i32
      %dma_start3A_105 = tpu.memref_slice %arg17[%add3A_42, %dma_start3A_104] : memref<10112x128xf32, #tpu.memory_space<vmem_shared>> -> memref<80x128xf32, #tpu.memory_space<vmem_shared>>
      %dma_start3A_106 = arith.constant 0 : i32
      %dma_start3A_107 = tpu.memref_slice %arg17[%add3A_42, %dma_start3A_106] : memref<10112x128xf32, #tpu.memory_space<vmem_shared>> -> memref<80x128xf32, #tpu.memory_space<vmem_shared>>
      tpu.enqueue_dma source(%arg16 : memref<80x128xf32, #tpu.memory_space<vmem>>) target(%dma_start3A_107 : memref<80x128xf32, #tpu.memory_space<vmem_shared>>) target_semaphore(%run_scoped3A : memref<!tpu.dma_semaphore, #tpu.memory_space<semaphore_mem>>)
      %dma_wait3A = arith.constant 0 : i32
      %dma_wait3A_108 = tpu.memref_slice %arg17[%add3A_42, %dma_wait3A] : memref<10112x128xf32, #tpu.memory_space<vmem_shared>> -> memref<80x128xf32, #tpu.memory_space<vmem_shared>>
      %dma_wait3A_109 = arith.constant 0 : i32
      %dma_wait3A_110 = tpu.memref_slice %arg17[%add3A_42, %dma_wait3A_109] : memref<10112x128xf32, #tpu.memory_space<vmem_shared>> -> memref<80x128xf32, #tpu.memory_space<vmem_shared>>
      tpu.wait_dma2 semaphore(%run_scoped3A : memref<!tpu.dma_semaphore, #tpu.memory_space<semaphore_mem>>) src(%arg16 : memref<80x128xf32, #tpu.memory_space<vmem>>) dst(%dma_wait3A_110 : memref<80x128xf32, #tpu.memory_space<vmem_shared>>)
      tpu.yield
    }) : () -> ()
    %add3A_43 = arith.constant 80 : i32
    %add3A_44 = arith.addi %mul3A_40, %add3A_43 : i32
    "tpu.region"() ({
      %run_scoped3A = tpu.sem_alloc : memref<!tpu.dma_semaphore, #tpu.memory_space<semaphore_mem>>
      %dma_start3A_104 = arith.constant 0 : i32
      %dma_start3A_105 = tpu.memref_slice %arg17[%add3A_44, %dma_start3A_104] : memref<10112x128xf32, #tpu.memory_space<vmem_shared>> -> memref<80x128xf32, #tpu.memory_space<vmem_shared>>
      %dma_start3A_106 = arith.constant 0 : i32
      %dma_start3A_107 = tpu.memref_slice %arg17[%add3A_44, %dma_start3A_106] : memref<10112x128xf32, #tpu.memory_space<vmem_shared>> -> memref<80x128xf32, #tpu.memory_space<vmem_shared>>
      tpu.enqueue_dma source(%arg16 : memref<80x128xf32, #tpu.memory_space<vmem>>) target(%dma_start3A_107 : memref<80x128xf32, #tpu.memory_space<vmem_shared>>) target_semaphore(%run_scoped3A : memref<!tpu.dma_semaphore, #tpu.memory_space<semaphore_mem>>)
      %dma_wait3A = arith.constant 0 : i32
      %dma_wait3A_108 = tpu.memref_slice %arg17[%add3A_44, %dma_wait3A] : memref<10112x128xf32, #tpu.memory_space<vmem_shared>> -> memref<80x128xf32, #tpu.memory_space<vmem_shared>>
      %dma_wait3A_109 = arith.constant 0 : i32
      %dma_wait3A_110 = tpu.memref_slice %arg17[%add3A_44, %dma_wait3A_109] : memref<10112x128xf32, #tpu.memory_space<vmem_shared>> -> memref<80x128xf32, #tpu.memory_space<vmem_shared>>
      tpu.wait_dma2 semaphore(%run_scoped3A : memref<!tpu.dma_semaphore, #tpu.memory_space<semaphore_mem>>) src(%arg16 : memref<80x128xf32, #tpu.memory_space<vmem>>) dst(%dma_wait3A_110 : memref<80x128xf32, #tpu.memory_space<vmem_shared>>)
      tpu.yield
    }) : () -> ()
    %add3A_45 = arith.constant 160 : i32
    %add3A_46 = arith.addi %mul3A_40, %add3A_45 : i32
    "tpu.region"() ({
      %run_scoped3A = tpu.sem_alloc : memref<!tpu.dma_semaphore, #tpu.memory_space<semaphore_mem>>
      %dma_start3A_104 = arith.constant 0 : i32
      %dma_start3A_105 = tpu.memref_slice %arg17[%add3A_46, %dma_start3A_104] : memref<10112x128xf32, #tpu.memory_space<vmem_shared>> -> memref<80x128xf32, #tpu.memory_space<vmem_shared>>
      %dma_start3A_106 = arith.constant 0 : i32
      %dma_start3A_107 = tpu.memref_slice %arg17[%add3A_46, %dma_start3A_106] : memref<10112x128xf32, #tpu.memory_space<vmem_shared>> -> memref<80x128xf32, #tpu.memory_space<vmem_shared>>
      tpu.enqueue_dma source(%arg16 : memref<80x128xf32, #tpu.memory_space<vmem>>) target(%dma_start3A_107 : memref<80x128xf32, #tpu.memory_space<vmem_shared>>) target_semaphore(%run_scoped3A : memref<!tpu.dma_semaphore, #tpu.memory_space<semaphore_mem>>)
      %dma_wait3A = arith.constant 0 : i32
      %dma_wait3A_108 = tpu.memref_slice %arg17[%add3A_46, %dma_wait3A] : memref<10112x128xf32, #tpu.memory_space<vmem_shared>> -> memref<80x128xf32, #tpu.memory_space<vmem_shared>>
      %dma_wait3A_109 = arith.constant 0 : i32
      %dma_wait3A_110 = tpu.memref_slice %arg17[%add3A_46, %dma_wait3A_109] : memref<10112x128xf32, #tpu.memory_space<vmem_shared>> -> memref<80x128xf32, #tpu.memory_space<vmem_shared>>
      tpu.wait_dma2 semaphore(%run_scoped3A : memref<!tpu.dma_semaphore, #tpu.memory_space<semaphore_mem>>) src(%arg16 : memref<80x128xf32, #tpu.memory_space<vmem>>) dst(%dma_wait3A_110 : memref<80x128xf32, #tpu.memory_space<vmem_shared>>)
      tpu.yield
    }) : () -> ()
    %add3A_47 = arith.constant 240 : i32
    %add3A_48 = arith.addi %mul3A_40, %add3A_47 : i32
    "tpu.region"() ({
      %run_scoped3A = tpu.sem_alloc : memref<!tpu.dma_semaphore, #tpu.memory_space<semaphore_mem>>
      %dma_start3A_104 = arith.constant 0 : i32
      %dma_start3A_105 = tpu.memref_slice %arg17[%add3A_48, %dma_start3A_104] : memref<10112x128xf32, #tpu.memory_space<vmem_shared>> -> memref<80x128xf32, #tpu.memory_space<vmem_shared>>
      %dma_start3A_106 = arith.constant 0 : i32
      %dma_start3A_107 = tpu.memref_slice %arg17[%add3A_48, %dma_start3A_106] : memref<10112x128xf32, #tpu.memory_space<vmem_shared>> -> memref<80x128xf32, #tpu.memory_space<vmem_shared>>
      tpu.enqueue_dma source(%arg16 : memref<80x128xf32, #tpu.memory_space<vmem>>) target(%dma_start3A_107 : memref<80x128xf32, #tpu.memory_space<vmem_shared>>) target_semaphore(%run_scoped3A : memref<!tpu.dma_semaphore, #tpu.memory_space<semaphore_mem>>)
      %dma_wait3A = arith.constant 0 : i32
      %dma_wait3A_108 = tpu.memref_slice %arg17[%add3A_48, %dma_wait3A] : memref<10112x128xf32, #tpu.memory_space<vmem_shared>> -> memref<80x128xf32, #tpu.memory_space<vmem_shared>>
      %dma_wait3A_109 = arith.constant 0 : i32
      %dma_wait3A_110 = tpu.memref_slice %arg17[%add3A_48, %dma_wait3A_109] : memref<10112x128xf32, #tpu.memory_space<vmem_shared>> -> memref<80x128xf32, #tpu.memory_space<vmem_shared>>
      tpu.wait_dma2 semaphore(%run_scoped3A : memref<!tpu.dma_semaphore, #tpu.memory_space<semaphore_mem>>) src(%arg16 : memref<80x128xf32, #tpu.memory_space<vmem>>) dst(%dma_wait3A_110 : memref<80x128xf32, #tpu.memory_space<vmem_shared>>)
      tpu.yield
    }) : () -> ()
    %add3A_49 = arith.constant 320 : i32
    %add3A_50 = arith.addi %mul3A_40, %add3A_49 : i32
    "tpu.region"() ({
      %run_scoped3A = tpu.sem_alloc : memref<!tpu.dma_semaphore, #tpu.memory_space<semaphore_mem>>
      %dma_start3A_104 = arith.constant 0 : i32
      %dma_start3A_105 = tpu.memref_slice %arg17[%add3A_50, %dma_start3A_104] : memref<10112x128xf32, #tpu.memory_space<vmem_shared>> -> memref<80x128xf32, #tpu.memory_space<vmem_shared>>
      %dma_start3A_106 = arith.constant 0 : i32
      %dma_start3A_107 = tpu.memref_slice %arg17[%add3A_50, %dma_start3A_106] : memref<10112x128xf32, #tpu.memory_space<vmem_shared>> -> memref<80x128xf32, #tpu.memory_space<vmem_shared>>
      tpu.enqueue_dma source(%arg16 : memref<80x128xf32, #tpu.memory_space<vmem>>) target(%dma_start3A_107 : memref<80x128xf32, #tpu.memory_space<vmem_shared>>) target_semaphore(%run_scoped3A : memref<!tpu.dma_semaphore, #tpu.memory_space<semaphore_mem>>)
      %dma_wait3A = arith.constant 0 : i32
      %dma_wait3A_108 = tpu.memref_slice %arg17[%add3A_50, %dma_wait3A] : memref<10112x128xf32, #tpu.memory_space<vmem_shared>> -> memref<80x128xf32, #tpu.memory_space<vmem_shared>>
      %dma_wait3A_109 = arith.constant 0 : i32
      %dma_wait3A_110 = tpu.memref_slice %arg17[%add3A_50, %dma_wait3A_109] : memref<10112x128xf32, #tpu.memory_space<vmem_shared>> -> memref<80x128xf32, #tpu.memory_space<vmem_shared>>
      tpu.wait_dma2 semaphore(%run_scoped3A : memref<!tpu.dma_semaphore, #tpu.memory_space<semaphore_mem>>) src(%arg16 : memref<80x128xf32, #tpu.memory_space<vmem>>) dst(%dma_wait3A_110 : memref<80x128xf32, #tpu.memory_space<vmem_shared>>)
      tpu.yield
    }) : () -> ()
    %add3A_51 = arith.constant 400 : i32
    %add3A_52 = arith.addi %mul3A_40, %add3A_51 : i32
    "tpu.region"() ({
      %run_scoped3A = tpu.sem_alloc : memref<!tpu.dma_semaphore, #tpu.memory_space<semaphore_mem>>
      %dma_start3A_104 = arith.constant 0 : i32
      %dma_start3A_105 = tpu.memref_slice %arg17[%add3A_52, %dma_start3A_104] : memref<10112x128xf32, #tpu.memory_space<vmem_shared>> -> memref<80x128xf32, #tpu.memory_space<vmem_shared>>
      %dma_start3A_106 = arith.constant 0 : i32
      %dma_start3A_107 = tpu.memref_slice %arg17[%add3A_52, %dma_start3A_106] : memref<10112x128xf32, #tpu.memory_space<vmem_shared>> -> memref<80x128xf32, #tpu.memory_space<vmem_shared>>
      tpu.enqueue_dma source(%arg16 : memref<80x128xf32, #tpu.memory_space<vmem>>) target(%dma_start3A_107 : memref<80x128xf32, #tpu.memory_space<vmem_shared>>) target_semaphore(%run_scoped3A : memref<!tpu.dma_semaphore, #tpu.memory_space<semaphore_mem>>)
      %dma_wait3A = arith.constant 0 : i32
      %dma_wait3A_108 = tpu.memref_slice %arg17[%add3A_52, %dma_wait3A] : memref<10112x128xf32, #tpu.memory_space<vmem_shared>> -> memref<80x128xf32, #tpu.memory_space<vmem_shared>>
      %dma_wait3A_109 = arith.constant 0 : i32
      %dma_wait3A_110 = tpu.memref_slice %arg17[%add3A_52, %dma_wait3A_109] : memref<10112x128xf32, #tpu.memory_space<vmem_shared>> -> memref<80x128xf32, #tpu.memory_space<vmem_shared>>
      tpu.wait_dma2 semaphore(%run_scoped3A : memref<!tpu.dma_semaphore, #tpu.memory_space<semaphore_mem>>) src(%arg16 : memref<80x128xf32, #tpu.memory_space<vmem>>) dst(%dma_wait3A_110 : memref<80x128xf32, #tpu.memory_space<vmem_shared>>)
      tpu.yield
    }) : () -> ()
    %add3A_53 = arith.constant 480 : i32
    %add3A_54 = arith.addi %mul3A_40, %add3A_53 : i32
    "tpu.region"() ({
      %run_scoped3A = tpu.sem_alloc : memref<!tpu.dma_semaphore, #tpu.memory_space<semaphore_mem>>
      %dma_start3A_104 = arith.constant 0 : i32
      %dma_start3A_105 = tpu.memref_slice %arg17[%add3A_54, %dma_start3A_104] : memref<10112x128xf32, #tpu.memory_space<vmem_shared>> -> memref<80x128xf32, #tpu.memory_space<vmem_shared>>
      %dma_start3A_106 = arith.constant 0 : i32
      %dma_start3A_107 = tpu.memref_slice %arg17[%add3A_54, %dma_start3A_106] : memref<10112x128xf32, #tpu.memory_space<vmem_shared>> -> memref<80x128xf32, #tpu.memory_space<vmem_shared>>
      tpu.enqueue_dma source(%arg16 : memref<80x128xf32, #tpu.memory_space<vmem>>) target(%dma_start3A_107 : memref<80x128xf32, #tpu.memory_space<vmem_shared>>) target_semaphore(%run_scoped3A : memref<!tpu.dma_semaphore, #tpu.memory_space<semaphore_mem>>)
      %dma_wait3A = arith.constant 0 : i32
      %dma_wait3A_108 = tpu.memref_slice %arg17[%add3A_54, %dma_wait3A] : memref<10112x128xf32, #tpu.memory_space<vmem_shared>> -> memref<80x128xf32, #tpu.memory_space<vmem_shared>>
      %dma_wait3A_109 = arith.constant 0 : i32
      %dma_wait3A_110 = tpu.memref_slice %arg17[%add3A_54, %dma_wait3A_109] : memref<10112x128xf32, #tpu.memory_space<vmem_shared>> -> memref<80x128xf32, #tpu.memory_space<vmem_shared>>
      tpu.wait_dma2 semaphore(%run_scoped3A : memref<!tpu.dma_semaphore, #tpu.memory_space<semaphore_mem>>) src(%arg16 : memref<80x128xf32, #tpu.memory_space<vmem>>) dst(%dma_wait3A_110 : memref<80x128xf32, #tpu.memory_space<vmem_shared>>)
      tpu.yield
    }) : () -> ()
    %add3A_55 = arith.constant 560 : i32
    %add3A_56 = arith.addi %mul3A_40, %add3A_55 : i32
    "tpu.region"() ({
      %run_scoped3A = tpu.sem_alloc : memref<!tpu.dma_semaphore, #tpu.memory_space<semaphore_mem>>
      %dma_start3A_104 = arith.constant 0 : i32
      %dma_start3A_105 = arith.constant 0 : i32
      %dma_start3A_106 = tpu.memref_slice %arg16[%dma_start3A_104, %dma_start3A_105] : memref<80x128xf32, #tpu.memory_space<vmem>> -> memref<72x128xf32, #tpu.memory_space<vmem>>
      %dma_start3A_107 = arith.constant 0 : i32
      %dma_start3A_108 = tpu.memref_slice %arg17[%add3A_56, %dma_start3A_107] : memref<10112x128xf32, #tpu.memory_space<vmem_shared>> -> memref<72x128xf32, #tpu.memory_space<vmem_shared>>
      %dma_start3A_109 = arith.constant 0 : i32
      %dma_start3A_110 = tpu.memref_slice %arg17[%add3A_56, %dma_start3A_109] : memref<10112x128xf32, #tpu.memory_space<vmem_shared>> -> memref<72x128xf32, #tpu.memory_space<vmem_shared>>
      %dma_start3A_111 = arith.constant 0 : i32
      %dma_start3A_112 = arith.constant 0 : i32
      %dma_start3A_113 = tpu.memref_slice %arg16[%dma_start3A_111, %dma_start3A_112] : memref<80x128xf32, #tpu.memory_space<vmem>> -> memref<72x128xf32, #tpu.memory_space<vmem>>
      tpu.enqueue_dma source(%dma_start3A_113 : memref<72x128xf32, #tpu.memory_space<vmem>>) target(%dma_start3A_110 : memref<72x128xf32, #tpu.memory_space<vmem_shared>>) target_semaphore(%run_scoped3A : memref<!tpu.dma_semaphore, #tpu.memory_space<semaphore_mem>>)
      %dma_wait3A = arith.constant 0 : i32
      %dma_wait3A_114 = arith.constant 0 : i32
      %dma_wait3A_115 = tpu.memref_slice %arg16[%dma_wait3A, %dma_wait3A_114] : memref<80x128xf32, #tpu.memory_space<vmem>> -> memref<72x128xf32, #tpu.memory_space<vmem>>
      %dma_wait3A_116 = arith.constant 0 : i32
      %dma_wait3A_117 = tpu.memref_slice %arg17[%add3A_56, %dma_wait3A_116] : memref<10112x128xf32, #tpu.memory_space<vmem_shared>> -> memref<72x128xf32, #tpu.memory_space<vmem_shared>>
      %dma_wait3A_118 = arith.constant 0 : i32
      %dma_wait3A_119 = tpu.memref_slice %arg17[%add3A_56, %dma_wait3A_118] : memref<10112x128xf32, #tpu.memory_space<vmem_shared>> -> memref<72x128xf32, #tpu.memory_space<vmem_shared>>
      %dma_wait3A_120 = arith.constant 0 : i32
      %dma_wait3A_121 = arith.constant 0 : i32
      %dma_wait3A_122 = tpu.memref_slice %arg16[%dma_wait3A_120, %dma_wait3A_121] : memref<80x128xf32, #tpu.memory_space<vmem>> -> memref<72x128xf32, #tpu.memory_space<vmem>>
      tpu.wait_dma2 semaphore(%run_scoped3A : memref<!tpu.dma_semaphore, #tpu.memory_space<semaphore_mem>>) src(%dma_wait3A_122 : memref<72x128xf32, #tpu.memory_space<vmem>>) dst(%dma_wait3A_119 : memref<72x128xf32, #tpu.memory_space<vmem_shared>>)
      tpu.yield
    }) : () -> ()
    %barrier3A_57 = arith.constant 0 : index
    tpu.barrier barrier_id(%barrier3A_57)
    %mul3A_58 = arith.constant 10000 : i32
    %mul3A_59 = arith.muli %add3A, %mul3A_58 : i32
    %add3A_60 = arith.constant 0 : i32
    %add3A_61 = arith.addi %mul3A_59, %add3A_60 : i32
    "tpu.region"() ({
      %run_scoped3A = tpu.sem_alloc : memref<!tpu.dma_semaphore, #tpu.memory_space<semaphore_mem>>
      %dma_start3A_104 = tpu.memref_slice %arg3[%add3A_61] : memref<320000xi32, #tpu.memory_space<hbm>> -> memref<80xi32, #tpu.memory_space<hbm>>
      %dma_start3A_105 = tpu.memref_slice %arg3[%add3A_61] : memref<320000xi32, #tpu.memory_space<hbm>> -> memref<80xi32, #tpu.memory_space<hbm>>
      tpu.enqueue_dma source(%dma_start3A_105 : memref<80xi32, #tpu.memory_space<hbm>>) target(%arg9 : memref<80xi32, #tpu.memory_space<vmem>>) target_semaphore(%run_scoped3A : memref<!tpu.dma_semaphore, #tpu.memory_space<semaphore_mem>>)
      %dma_wait3A = tpu.memref_slice %arg3[%add3A_61] : memref<320000xi32, #tpu.memory_space<hbm>> -> memref<80xi32, #tpu.memory_space<hbm>>
      %dma_wait3A_106 = tpu.memref_slice %arg3[%add3A_61] : memref<320000xi32, #tpu.memory_space<hbm>> -> memref<80xi32, #tpu.memory_space<hbm>>
      tpu.wait_dma2 semaphore(%run_scoped3A : memref<!tpu.dma_semaphore, #tpu.memory_space<semaphore_mem>>) src(%dma_wait3A_106 : memref<80xi32, #tpu.memory_space<hbm>>) dst(%arg9 : memref<80xi32, #tpu.memory_space<vmem>>)
      tpu.yield
    }) : () -> ()
    %mul3A_62 = arith.constant 10000 : i32
    %mul3A_63 = arith.muli %add3A, %mul3A_62 : i32
    %add3A_64 = arith.constant 0 : i32
    %add3A_65 = arith.addi %mul3A_63, %add3A_64 : i32
    "tpu.region"() ({
      %run_scoped3A = tpu.sem_alloc : memref<!tpu.dma_semaphore, #tpu.memory_space<semaphore_mem>>
      %dma_start3A_104 = tpu.memref_slice %arg4[%add3A_65] : memref<320000xi32, #tpu.memory_space<hbm>> -> memref<80xi32, #tpu.memory_space<hbm>>
      %dma_start3A_105 = tpu.memref_slice %arg4[%add3A_65] : memref<320000xi32, #tpu.memory_space<hbm>> -> memref<80xi32, #tpu.memory_space<hbm>>
      tpu.enqueue_dma source(%dma_start3A_105 : memref<80xi32, #tpu.memory_space<hbm>>) target(%arg12 : memref<80xi32, #tpu.memory_space<vmem>>) target_semaphore(%run_scoped3A : memref<!tpu.dma_semaphore, #tpu.memory_space<semaphore_mem>>)
      %dma_wait3A = tpu.memref_slice %arg4[%add3A_65] : memref<320000xi32, #tpu.memory_space<hbm>> -> memref<80xi32, #tpu.memory_space<hbm>>
      %dma_wait3A_106 = tpu.memref_slice %arg4[%add3A_65] : memref<320000xi32, #tpu.memory_space<hbm>> -> memref<80xi32, #tpu.memory_space<hbm>>
      tpu.wait_dma2 semaphore(%run_scoped3A : memref<!tpu.dma_semaphore, #tpu.memory_space<semaphore_mem>>) src(%dma_wait3A_106 : memref<80xi32, #tpu.memory_space<hbm>>) dst(%arg12 : memref<80xi32, #tpu.memory_space<vmem>>)
      tpu.yield
    }) : () -> ()
    %mul3A_66 = arith.constant 10000 : i32
    %mul3A_67 = arith.muli %add3A, %mul3A_66 : i32
    %add3A_68 = arith.constant 80 : i32
    %add3A_69 = arith.addi %mul3A_67, %add3A_68 : i32
    %dma_start3A_70 = tpu.memref_slice %arg3[%add3A_69] : memref<320000xi32, #tpu.memory_space<hbm>> -> memref<80xi32, #tpu.memory_space<hbm>>
    %dma_start3A_71 = tpu.memref_slice %arg3[%add3A_69] : memref<320000xi32, #tpu.memory_space<hbm>> -> memref<80xi32, #tpu.memory_space<hbm>>
    tpu.enqueue_dma source(%dma_start3A_71 : memref<80xi32, #tpu.memory_space<hbm>>) target(%arg10 : memref<80xi32, #tpu.memory_space<vmem>>) target_semaphore(%arg21 : memref<!tpu.dma_semaphore, #tpu.memory_space<semaphore_mem>>)
    %mul3A_72 = arith.constant 10000 : i32
    %mul3A_73 = arith.muli %add3A, %mul3A_72 : i32
    %add3A_74 = arith.constant 80 : i32
    %add3A_75 = arith.addi %mul3A_73, %add3A_74 : i32
    %dma_start3A_76 = tpu.memref_slice %arg4[%add3A_75] : memref<320000xi32, #tpu.memory_space<hbm>> -> memref<80xi32, #tpu.memory_space<hbm>>
    %dma_start3A_77 = tpu.memref_slice %arg4[%add3A_75] : memref<320000xi32, #tpu.memory_space<hbm>> -> memref<80xi32, #tpu.memory_space<hbm>>
    tpu.enqueue_dma source(%dma_start3A_77 : memref<80xi32, #tpu.memory_space<hbm>>) target(%arg13 : memref<80xi32, #tpu.memory_space<vmem>>) target_semaphore(%arg21 : memref<!tpu.dma_semaphore, #tpu.memory_space<semaphore_mem>>)
    %mul3A_78 = arith.constant 10000 : i32
    %mul3A_79 = arith.muli %add3A, %mul3A_78 : i32
    %add3A_80 = arith.constant 160 : i32
    %add3A_81 = arith.addi %mul3A_79, %add3A_80 : i32
    %dma_start3A_82 = tpu.memref_slice %arg3[%add3A_81] : memref<320000xi32, #tpu.memory_space<hbm>> -> memref<80xi32, #tpu.memory_space<hbm>>
    %dma_start3A_83 = tpu.memref_slice %arg3[%add3A_81] : memref<320000xi32, #tpu.memory_space<hbm>> -> memref<80xi32, #tpu.memory_space<hbm>>
    tpu.enqueue_dma source(%dma_start3A_83 : memref<80xi32, #tpu.memory_space<hbm>>) target(%arg11 : memref<80xi32, #tpu.memory_space<vmem>>) target_semaphore(%arg22 : memref<!tpu.dma_semaphore, #tpu.memory_space<semaphore_mem>>)
    %mul3A_84 = arith.constant 10000 : i32
    %mul3A_85 = arith.muli %add3A, %mul3A_84 : i32
    %add3A_86 = arith.constant 160 : i32
    %add3A_87 = arith.addi %mul3A_85, %add3A_86 : i32
    %dma_start3A_88 = tpu.memref_slice %arg4[%add3A_87] : memref<320000xi32, #tpu.memory_space<hbm>> -> memref<80xi32, #tpu.memory_space<hbm>>
    %dma_start3A_89 = tpu.memref_slice %arg4[%add3A_87] : memref<320000xi32, #tpu.memory_space<hbm>> -> memref<80xi32, #tpu.memory_space<hbm>>
    tpu.enqueue_dma source(%dma_start3A_89 : memref<80xi32, #tpu.memory_space<hbm>>) target(%arg14 : memref<80xi32, #tpu.memory_space<vmem>>) target_semaphore(%arg22 : memref<!tpu.dma_semaphore, #tpu.memory_space<semaphore_mem>>)
    %dma_start3A_90 = arith.constant 0 : i32
    %dma_start3A_91 = arith.constant 0 : i32
    %dma_start3A_92 = tpu.memref_slice %arg2[%dma_start3A_90, %dma_start3A_91] : memref<10000x128xf32, #tpu.memory_space<hbm>> -> memref<10000x128xf32, #tpu.memory_space<hbm>>
    tpu.enqueue_indirect_dma source(%dma_start3A_92 : memref<10000x128xf32, #tpu.memory_space<hbm>>) target(%arg15 : memref<80x128xf32, #tpu.memory_space<vmem>>) offsets(%arg9 : memref<80xi32, #tpu.memory_space<vmem>>) semaphore(%arg18 : memref<!tpu.dma_semaphore, #tpu.memory_space<semaphore_mem>>)
    %scan3A_93 = arith.constant 0 : i32
    %scan3A_94 = arith.constant 0 : i32
    %scan3A_95 = arith.constant 21 : i32
    %scan3A_96 = arith.addi %scan3A_94, %scan3A_95 : i32
    %scan3A_97 = arith.constant 1 : i32
    scf.for %scan3A_104 = %scan3A_94 to %scan3A_96 step %scan3A_97  : i32 {
      %mul3A_105 = arith.constant 6 : i32
      %mul3A_106 = arith.muli %mul3A_105, %scan3A_104 : i32
      %add3A_107 = arith.constant 0 : i32
      %add3A_108 = arith.addi %mul3A_106, %add3A_107 : i32
      %lt3A = arith.constant 125 : i32
      %lt3A_109 = arith.cmpi slt, %add3A_108, %lt3A : i32
      %convert_element_type3A = arith.extui %lt3A_109 : i1 to i32
      %cond3A = arith.constant 0 : i32
      %cond3A_110 = arith.cmpi ne, %convert_element_type3A, %cond3A : i32
      scf.if %cond3A_110 {
        %add3A_146 = arith.constant 1 : i32
        %add3A_147 = arith.addi %add3A_108, %add3A_146 : i32
        %lt3A_148 = arith.constant 125 : i32
        %lt3A_149 = arith.cmpi slt, %add3A_147, %lt3A_148 : i32
        %convert_element_type3A_150 = arith.extui %lt3A_149 : i1 to i32
        %cond3A_151 = arith.constant 0 : i32
        %cond3A_152 = arith.cmpi ne, %convert_element_type3A_150, %cond3A_151 : i32
        scf.if %cond3A_152 {
          %dma_wait3A_165 = arith.constant 0 : i32
          %dma_wait3A_166 = tpu.memref_slice %arg3[%dma_wait3A_165] : memref<320000xi32, #tpu.memory_space<hbm>> -> memref<80xi32, #tpu.memory_space<hbm>>
          %dma_wait3A_167 = arith.constant 0 : i32
          %dma_wait3A_168 = tpu.memref_slice %arg3[%dma_wait3A_167] : memref<320000xi32, #tpu.memory_space<hbm>> -> memref<80xi32, #tpu.memory_space<hbm>>
          tpu.wait_dma2 semaphore(%arg21 : memref<!tpu.dma_semaphore, #tpu.memory_space<semaphore_mem>>) src(%dma_wait3A_168 : memref<80xi32, #tpu.memory_space<hbm>>) dst(%arg10 : memref<80xi32, #tpu.memory_space<vmem>>)
          %dma_wait3A_169 = arith.constant 0 : i32
          %dma_wait3A_170 = tpu.memref_slice %arg4[%dma_wait3A_169] : memref<320000xi32, #tpu.memory_space<hbm>> -> memref<80xi32, #tpu.memory_space<hbm>>
          %dma_wait3A_171 = arith.constant 0 : i32
          %dma_wait3A_172 = tpu.memref_slice %arg4[%dma_wait3A_171] : memref<320000xi32, #tpu.memory_space<hbm>> -> memref<80xi32, #tpu.memory_space<hbm>>
          tpu.wait_dma2 semaphore(%arg21 : memref<!tpu.dma_semaphore, #tpu.memory_space<semaphore_mem>>) src(%dma_wait3A_172 : memref<80xi32, #tpu.memory_space<hbm>>) dst(%arg13 : memref<80xi32, #tpu.memory_space<vmem>>)
          %dma_start3A_173 = arith.constant 0 : i32
          %dma_start3A_174 = arith.constant 0 : i32
          %dma_start3A_175 = tpu.memref_slice %arg2[%dma_start3A_173, %dma_start3A_174] : memref<10000x128xf32, #tpu.memory_space<hbm>> -> memref<10000x128xf32, #tpu.memory_space<hbm>>
          tpu.enqueue_indirect_dma source(%dma_start3A_175 : memref<10000x128xf32, #tpu.memory_space<hbm>>) target(%arg16 : memref<80x128xf32, #tpu.memory_space<vmem>>) offsets(%arg10 : memref<80xi32, #tpu.memory_space<vmem>>) semaphore(%arg19 : memref<!tpu.dma_semaphore, #tpu.memory_space<semaphore_mem>>)
        } else {
        }
        %dma_wait3A = arith.constant 0 : i32
        %dma_wait3A_153 = arith.constant 0 : i32
        %dma_wait3A_154 = tpu.memref_slice %arg2[%dma_wait3A, %dma_wait3A_153] : memref<10000x128xf32, #tpu.memory_space<hbm>> -> memref<80x128xf32, #tpu.memory_space<hbm>>
        %dma_wait3A_155 = arith.constant 0 : i32
        %dma_wait3A_156 = arith.constant 0 : i32
        %dma_wait3A_157 = tpu.memref_slice %arg2[%dma_wait3A_155, %dma_wait3A_156] : memref<10000x128xf32, #tpu.memory_space<hbm>> -> memref<80x128xf32, #tpu.memory_space<hbm>>
        tpu.wait_dma2 semaphore(%arg18 : memref<!tpu.dma_semaphore, #tpu.memory_space<semaphore_mem>>) src(%dma_wait3A_157 : memref<80x128xf32, #tpu.memory_space<hbm>>) dst(%arg15 : memref<80x128xf32, #tpu.memory_space<vmem>>)
        "tpu.region"() ({
          %run_scoped3A = tpu.sem_alloc : memref<!tpu.dma_semaphore, #tpu.memory_space<semaphore_mem>>
          %dma_start3A_165 = arith.constant 0 : i32
          %dma_start3A_166 = arith.constant 0 : i32
          %dma_start3A_167 = tpu.memref_slice %arg17[%dma_start3A_165, %dma_start3A_166] : memref<10112x128xf32, #tpu.memory_space<vmem_shared>> -> memref<10112x128xf32, #tpu.memory_space<vmem_shared>>
          tpu.enqueue_indirect_dma source(%arg15 : memref<80x128xf32, #tpu.memory_space<vmem>>) target(%dma_start3A_167 : memref<10112x128xf32, #tpu.memory_space<vmem_shared>>) offsets(%arg12 : memref<80xi32, #tpu.memory_space<vmem>>) semaphore(%run_scoped3A : memref<!tpu.dma_semaphore, #tpu.memory_space<semaphore_mem>>) {add = true}
          %dma_wait3A_168 = arith.constant 0 : i32
          %dma_wait3A_169 = arith.constant 0 : i32
          %dma_wait3A_170 = tpu.memref_slice %arg17[%dma_wait3A_168, %dma_wait3A_169] : memref<10112x128xf32, #tpu.memory_space<vmem_shared>> -> memref<10112x128xf32, #tpu.memory_space<vmem_shared>>
          tpu.wait_indirect_dma semaphore(%run_scoped3A : memref<!tpu.dma_semaphore, #tpu.memory_space<semaphore_mem>>) src(%arg15 : memref<80x128xf32, #tpu.memory_space<vmem>>) dst(%dma_wait3A_170 : memref<10112x128xf32, #tpu.memory_space<vmem_shared>>)
          tpu.yield
        }) : () -> ()
        %add3A_158 = arith.constant 3 : i32
        %add3A_159 = arith.addi %add3A_108, %add3A_158 : i32
        %lt3A_160 = arith.constant 125 : i32
        %lt3A_161 = arith.cmpi slt, %add3A_159, %lt3A_160 : i32
        %convert_element_type3A_162 = arith.extui %lt3A_161 : i1 to i32
        %cond3A_163 = arith.constant 0 : i32
        %cond3A_164 = arith.cmpi ne, %convert_element_type3A_162, %cond3A_163 : i32
        scf.if %cond3A_164 {
          %add3A_165 = arith.constant 3 : i32
          %add3A_166 = arith.addi %add3A_108, %add3A_165 : i32
          %mul3A_167 = arith.constant 10000 : i32
          %mul3A_168 = arith.muli %add3A, %mul3A_167 : i32
          %mul3A_169 = arith.constant 80 : i32
          %mul3A_170 = arith.muli %add3A_166, %mul3A_169 : i32
          %add3A_171 = arith.addi %mul3A_168, %mul3A_170 : i32
          %dma_start3A_172 = tpu.memref_slice %arg3[%add3A_171] : memref<320000xi32, #tpu.memory_space<hbm>> -> memref<80xi32, #tpu.memory_space<hbm>>
          %dma_start3A_173 = tpu.memref_slice %arg3[%add3A_171] : memref<320000xi32, #tpu.memory_space<hbm>> -> memref<80xi32, #tpu.memory_space<hbm>>
          tpu.enqueue_dma source(%dma_start3A_173 : memref<80xi32, #tpu.memory_space<hbm>>) target(%arg9 : memref<80xi32, #tpu.memory_space<vmem>>) target_semaphore(%arg20 : memref<!tpu.dma_semaphore, #tpu.memory_space<semaphore_mem>>)
          %mul3A_174 = arith.constant 10000 : i32
          %mul3A_175 = arith.muli %add3A, %mul3A_174 : i32
          %mul3A_176 = arith.constant 80 : i32
          %mul3A_177 = arith.muli %add3A_166, %mul3A_176 : i32
          %add3A_178 = arith.addi %mul3A_175, %mul3A_177 : i32
          %dma_start3A_179 = tpu.memref_slice %arg4[%add3A_178] : memref<320000xi32, #tpu.memory_space<hbm>> -> memref<80xi32, #tpu.memory_space<hbm>>
          %dma_start3A_180 = tpu.memref_slice %arg4[%add3A_178] : memref<320000xi32, #tpu.memory_space<hbm>> -> memref<80xi32, #tpu.memory_space<hbm>>
          tpu.enqueue_dma source(%dma_start3A_180 : memref<80xi32, #tpu.memory_space<hbm>>) target(%arg12 : memref<80xi32, #tpu.memory_space<vmem>>) target_semaphore(%arg20 : memref<!tpu.dma_semaphore, #tpu.memory_space<semaphore_mem>>)
        } else {
        }
      } else {
      }
      %add3A_111 = arith.constant 1 : i32
      %add3A_112 = arith.addi %mul3A_106, %add3A_111 : i32
      %lt3A_113 = arith.constant 125 : i32
      %lt3A_114 = arith.cmpi slt, %add3A_112, %lt3A_113 : i32
      %convert_element_type3A_115 = arith.extui %lt3A_114 : i1 to i32
      %cond3A_116 = arith.constant 0 : i32
      %cond3A_117 = arith.cmpi ne, %convert_element_type3A_115, %cond3A_116 : i32
      scf.if %cond3A_117 {
        %add3A_146 = arith.constant 1 : i32
        %add3A_147 = arith.addi %add3A_112, %add3A_146 : i32
        %lt3A_148 = arith.constant 125 : i32
        %lt3A_149 = arith.cmpi slt, %add3A_147, %lt3A_148 : i32
        %convert_element_type3A_150 = arith.extui %lt3A_149 : i1 to i32
        %cond3A_151 = arith.constant 0 : i32
        %cond3A_152 = arith.cmpi ne, %convert_element_type3A_150, %cond3A_151 : i32
        scf.if %cond3A_152 {
          %dma_wait3A_165 = arith.constant 0 : i32
          %dma_wait3A_166 = tpu.memref_slice %arg3[%dma_wait3A_165] : memref<320000xi32, #tpu.memory_space<hbm>> -> memref<80xi32, #tpu.memory_space<hbm>>
          %dma_wait3A_167 = arith.constant 0 : i32
          %dma_wait3A_168 = tpu.memref_slice %arg3[%dma_wait3A_167] : memref<320000xi32, #tpu.memory_space<hbm>> -> memref<80xi32, #tpu.memory_space<hbm>>
          tpu.wait_dma2 semaphore(%arg22 : memref<!tpu.dma_semaphore, #tpu.memory_space<semaphore_mem>>) src(%dma_wait3A_168 : memref<80xi32, #tpu.memory_space<hbm>>) dst(%arg11 : memref<80xi32, #tpu.memory_space<vmem>>)
          %dma_wait3A_169 = arith.constant 0 : i32
          %dma_wait3A_170 = tpu.memref_slice %arg4[%dma_wait3A_169] : memref<320000xi32, #tpu.memory_space<hbm>> -> memref<80xi32, #tpu.memory_space<hbm>>
          %dma_wait3A_171 = arith.constant 0 : i32
          %dma_wait3A_172 = tpu.memref_slice %arg4[%dma_wait3A_171] : memref<320000xi32, #tpu.memory_space<hbm>> -> memref<80xi32, #tpu.memory_space<hbm>>
          tpu.wait_dma2 semaphore(%arg22 : memref<!tpu.dma_semaphore, #tpu.memory_space<semaphore_mem>>) src(%dma_wait3A_172 : memref<80xi32, #tpu.memory_space<hbm>>) dst(%arg14 : memref<80xi32, #tpu.memory_space<vmem>>)
          %dma_start3A_173 = arith.constant 0 : i32
          %dma_start3A_174 = arith.constant 0 : i32
          %dma_start3A_175 = tpu.memref_slice %arg2[%dma_start3A_173, %dma_start3A_174] : memref<10000x128xf32, #tpu.memory_space<hbm>> -> memref<10000x128xf32, #tpu.memory_space<hbm>>
          tpu.enqueue_indirect_dma source(%dma_start3A_175 : memref<10000x128xf32, #tpu.memory_space<hbm>>) target(%arg15 : memref<80x128xf32, #tpu.memory_space<vmem>>) offsets(%arg11 : memref<80xi32, #tpu.memory_space<vmem>>) semaphore(%arg18 : memref<!tpu.dma_semaphore, #tpu.memory_space<semaphore_mem>>)
        } else {
        }
        %dma_wait3A = arith.constant 0 : i32
        %dma_wait3A_153 = arith.constant 0 : i32
        %dma_wait3A_154 = tpu.memref_slice %arg2[%dma_wait3A, %dma_wait3A_153] : memref<10000x128xf32, #tpu.memory_space<hbm>> -> memref<80x128xf32, #tpu.memory_space<hbm>>
        %dma_wait3A_155 = arith.constant 0 : i32
        %dma_wait3A_156 = arith.constant 0 : i32
        %dma_wait3A_157 = tpu.memref_slice %arg2[%dma_wait3A_155, %dma_wait3A_156] : memref<10000x128xf32, #tpu.memory_space<hbm>> -> memref<80x128xf32, #tpu.memory_space<hbm>>
        tpu.wait_dma2 semaphore(%arg19 : memref<!tpu.dma_semaphore, #tpu.memory_space<semaphore_mem>>) src(%dma_wait3A_157 : memref<80x128xf32, #tpu.memory_space<hbm>>) dst(%arg16 : memref<80x128xf32, #tpu.memory_space<vmem>>)
        "tpu.region"() ({
          %run_scoped3A = tpu.sem_alloc : memref<!tpu.dma_semaphore, #tpu.memory_space<semaphore_mem>>
          %dma_start3A_165 = arith.constant 0 : i32
          %dma_start3A_166 = arith.constant 0 : i32
          %dma_start3A_167 = tpu.memref_slice %arg17[%dma_start3A_165, %dma_start3A_166] : memref<10112x128xf32, #tpu.memory_space<vmem_shared>> -> memref<10112x128xf32, #tpu.memory_space<vmem_shared>>
          tpu.enqueue_indirect_dma source(%arg16 : memref<80x128xf32, #tpu.memory_space<vmem>>) target(%dma_start3A_167 : memref<10112x128xf32, #tpu.memory_space<vmem_shared>>) offsets(%arg13 : memref<80xi32, #tpu.memory_space<vmem>>) semaphore(%run_scoped3A : memref<!tpu.dma_semaphore, #tpu.memory_space<semaphore_mem>>) {add = true}
          %dma_wait3A_168 = arith.constant 0 : i32
          %dma_wait3A_169 = arith.constant 0 : i32
          %dma_wait3A_170 = tpu.memref_slice %arg17[%dma_wait3A_168, %dma_wait3A_169] : memref<10112x128xf32, #tpu.memory_space<vmem_shared>> -> memref<10112x128xf32, #tpu.memory_space<vmem_shared>>
          tpu.wait_indirect_dma semaphore(%run_scoped3A : memref<!tpu.dma_semaphore, #tpu.memory_space<semaphore_mem>>) src(%arg16 : memref<80x128xf32, #tpu.memory_space<vmem>>) dst(%dma_wait3A_170 : memref<10112x128xf32, #tpu.memory_space<vmem_shared>>)
          tpu.yield
        }) : () -> ()
        %add3A_158 = arith.constant 3 : i32
        %add3A_159 = arith.addi %add3A_112, %add3A_158 : i32
        %lt3A_160 = arith.constant 125 : i32
        %lt3A_161 = arith.cmpi slt, %add3A_159, %lt3A_160 : i32
        %convert_element_type3A_162 = arith.extui %lt3A_161 : i1 to i32
        %cond3A_163 = arith.constant 0 : i32
        %cond3A_164 = arith.cmpi ne, %convert_element_type3A_162, %cond3A_163 : i32
        scf.if %cond3A_164 {
          %add3A_165 = arith.constant 3 : i32
          %add3A_166 = arith.addi %add3A_112, %add3A_165 : i32
          %mul3A_167 = arith.constant 10000 : i32
          %mul3A_168 = arith.muli %add3A, %mul3A_167 : i32
          %mul3A_169 = arith.constant 80 : i32
          %mul3A_170 = arith.muli %add3A_166, %mul3A_169 : i32
          %add3A_171 = arith.addi %mul3A_168, %mul3A_170 : i32
          %dma_start3A_172 = tpu.memref_slice %arg3[%add3A_171] : memref<320000xi32, #tpu.memory_space<hbm>> -> memref<80xi32, #tpu.memory_space<hbm>>
          %dma_start3A_173 = tpu.memref_slice %arg3[%add3A_171] : memref<320000xi32, #tpu.memory_space<hbm>> -> memref<80xi32, #tpu.memory_space<hbm>>
          tpu.enqueue_dma source(%dma_start3A_173 : memref<80xi32, #tpu.memory_space<hbm>>) target(%arg10 : memref<80xi32, #tpu.memory_space<vmem>>) target_semaphore(%arg21 : memref<!tpu.dma_semaphore, #tpu.memory_space<semaphore_mem>>)
          %mul3A_174 = arith.constant 10000 : i32
          %mul3A_175 = arith.muli %add3A, %mul3A_174 : i32
          %mul3A_176 = arith.constant 80 : i32
          %mul3A_177 = arith.muli %add3A_166, %mul3A_176 : i32
          %add3A_178 = arith.addi %mul3A_175, %mul3A_177 : i32
          %dma_start3A_179 = tpu.memref_slice %arg4[%add3A_178] : memref<320000xi32, #tpu.memory_space<hbm>> -> memref<80xi32, #tpu.memory_space<hbm>>
          %dma_start3A_180 = tpu.memref_slice %arg4[%add3A_178] : memref<320000xi32, #tpu.memory_space<hbm>> -> memref<80xi32, #tpu.memory_space<hbm>>
          tpu.enqueue_dma source(%dma_start3A_180 : memref<80xi32, #tpu.memory_space<hbm>>) target(%arg13 : memref<80xi32, #tpu.memory_space<vmem>>) target_semaphore(%arg21 : memref<!tpu.dma_semaphore, #tpu.memory_space<semaphore_mem>>)
        } else {
        }
      } else {
      }
      %add3A_118 = arith.constant 2 : i32
      %add3A_119 = arith.addi %mul3A_106, %add3A_118 : i32
      %lt3A_120 = arith.constant 125 : i32
      %lt3A_121 = arith.cmpi slt, %add3A_119, %lt3A_120 : i32
      %convert_element_type3A_122 = arith.extui %lt3A_121 : i1 to i32
      %cond3A_123 = arith.constant 0 : i32
      %cond3A_124 = arith.cmpi ne, %convert_element_type3A_122, %cond3A_123 : i32
      scf.if %cond3A_124 {
        %add3A_146 = arith.constant 1 : i32
        %add3A_147 = arith.addi %add3A_119, %add3A_146 : i32
        %lt3A_148 = arith.constant 125 : i32
        %lt3A_149 = arith.cmpi slt, %add3A_147, %lt3A_148 : i32
        %convert_element_type3A_150 = arith.extui %lt3A_149 : i1 to i32
        %cond3A_151 = arith.constant 0 : i32
        %cond3A_152 = arith.cmpi ne, %convert_element_type3A_150, %cond3A_151 : i32
        scf.if %cond3A_152 {
          %dma_wait3A_165 = arith.constant 0 : i32
          %dma_wait3A_166 = tpu.memref_slice %arg3[%dma_wait3A_165] : memref<320000xi32, #tpu.memory_space<hbm>> -> memref<80xi32, #tpu.memory_space<hbm>>
          %dma_wait3A_167 = arith.constant 0 : i32
          %dma_wait3A_168 = tpu.memref_slice %arg3[%dma_wait3A_167] : memref<320000xi32, #tpu.memory_space<hbm>> -> memref<80xi32, #tpu.memory_space<hbm>>
          tpu.wait_dma2 semaphore(%arg20 : memref<!tpu.dma_semaphore, #tpu.memory_space<semaphore_mem>>) src(%dma_wait3A_168 : memref<80xi32, #tpu.memory_space<hbm>>) dst(%arg9 : memref<80xi32, #tpu.memory_space<vmem>>)
          %dma_wait3A_169 = arith.constant 0 : i32
          %dma_wait3A_170 = tpu.memref_slice %arg4[%dma_wait3A_169] : memref<320000xi32, #tpu.memory_space<hbm>> -> memref<80xi32, #tpu.memory_space<hbm>>
          %dma_wait3A_171 = arith.constant 0 : i32
          %dma_wait3A_172 = tpu.memref_slice %arg4[%dma_wait3A_171] : memref<320000xi32, #tpu.memory_space<hbm>> -> memref<80xi32, #tpu.memory_space<hbm>>
          tpu.wait_dma2 semaphore(%arg20 : memref<!tpu.dma_semaphore, #tpu.memory_space<semaphore_mem>>) src(%dma_wait3A_172 : memref<80xi32, #tpu.memory_space<hbm>>) dst(%arg12 : memref<80xi32, #tpu.memory_space<vmem>>)
          %dma_start3A_173 = arith.constant 0 : i32
          %dma_start3A_174 = arith.constant 0 : i32
          %dma_start3A_175 = tpu.memref_slice %arg2[%dma_start3A_173, %dma_start3A_174] : memref<10000x128xf32, #tpu.memory_space<hbm>> -> memref<10000x128xf32, #tpu.memory_space<hbm>>
          tpu.enqueue_indirect_dma source(%dma_start3A_175 : memref<10000x128xf32, #tpu.memory_space<hbm>>) target(%arg16 : memref<80x128xf32, #tpu.memory_space<vmem>>) offsets(%arg9 : memref<80xi32, #tpu.memory_space<vmem>>) semaphore(%arg19 : memref<!tpu.dma_semaphore, #tpu.memory_space<semaphore_mem>>)
        } else {
        }
        %dma_wait3A = arith.constant 0 : i32
        %dma_wait3A_153 = arith.constant 0 : i32
        %dma_wait3A_154 = tpu.memref_slice %arg2[%dma_wait3A, %dma_wait3A_153] : memref<10000x128xf32, #tpu.memory_space<hbm>> -> memref<80x128xf32, #tpu.memory_space<hbm>>
        %dma_wait3A_155 = arith.constant 0 : i32
        %dma_wait3A_156 = arith.constant 0 : i32
        %dma_wait3A_157 = tpu.memref_slice %arg2[%dma_wait3A_155, %dma_wait3A_156] : memref<10000x128xf32, #tpu.memory_space<hbm>> -> memref<80x128xf32, #tpu.memory_space<hbm>>
        tpu.wait_dma2 semaphore(%arg18 : memref<!tpu.dma_semaphore, #tpu.memory_space<semaphore_mem>>) src(%dma_wait3A_157 : memref<80x128xf32, #tpu.memory_space<hbm>>) dst(%arg15 : memref<80x128xf32, #tpu.memory_space<vmem>>)
        "tpu.region"() ({
          %run_scoped3A = tpu.sem_alloc : memref<!tpu.dma_semaphore, #tpu.memory_space<semaphore_mem>>
          %dma_start3A_165 = arith.constant 0 : i32
          %dma_start3A_166 = arith.constant 0 : i32
          %dma_start3A_167 = tpu.memref_slice %arg17[%dma_start3A_165, %dma_start3A_166] : memref<10112x128xf32, #tpu.memory_space<vmem_shared>> -> memref<10112x128xf32, #tpu.memory_space<vmem_shared>>
          tpu.enqueue_indirect_dma source(%arg15 : memref<80x128xf32, #tpu.memory_space<vmem>>) target(%dma_start3A_167 : memref<10112x128xf32, #tpu.memory_space<vmem_shared>>) offsets(%arg14 : memref<80xi32, #tpu.memory_space<vmem>>) semaphore(%run_scoped3A : memref<!tpu.dma_semaphore, #tpu.memory_space<semaphore_mem>>) {add = true}
          %dma_wait3A_168 = arith.constant 0 : i32
          %dma_wait3A_169 = arith.constant 0 : i32
          %dma_wait3A_170 = tpu.memref_slice %arg17[%dma_wait3A_168, %dma_wait3A_169] : memref<10112x128xf32, #tpu.memory_space<vmem_shared>> -> memref<10112x128xf32, #tpu.memory_space<vmem_shared>>
          tpu.wait_indirect_dma semaphore(%run_scoped3A : memref<!tpu.dma_semaphore, #tpu.memory_space<semaphore_mem>>) src(%arg15 : memref<80x128xf32, #tpu.memory_space<vmem>>) dst(%dma_wait3A_170 : memref<10112x128xf32, #tpu.memory_space<vmem_shared>>)
          tpu.yield
        }) : () -> ()
        %add3A_158 = arith.constant 3 : i32
        %add3A_159 = arith.addi %add3A_119, %add3A_158 : i32
        %lt3A_160 = arith.constant 125 : i32
        %lt3A_161 = arith.cmpi slt, %add3A_159, %lt3A_160 : i32
        %convert_element_type3A_162 = arith.extui %lt3A_161 : i1 to i32
        %cond3A_163 = arith.constant 0 : i32
        %cond3A_164 = arith.cmpi ne, %convert_element_type3A_162, %cond3A_163 : i32
        scf.if %cond3A_164 {
          %add3A_165 = arith.constant 3 : i32
          %add3A_166 = arith.addi %add3A_119, %add3A_165 : i32
          %mul3A_167 = arith.constant 10000 : i32
          %mul3A_168 = arith.muli %add3A, %mul3A_167 : i32
          %mul3A_169 = arith.constant 80 : i32
          %mul3A_170 = arith.muli %add3A_166, %mul3A_169 : i32
          %add3A_171 = arith.addi %mul3A_168, %mul3A_170 : i32
          %dma_start3A_172 = tpu.memref_slice %arg3[%add3A_171] : memref<320000xi32, #tpu.memory_space<hbm>> -> memref<80xi32, #tpu.memory_space<hbm>>
          %dma_start3A_173 = tpu.memref_slice %arg3[%add3A_171] : memref<320000xi32, #tpu.memory_space<hbm>> -> memref<80xi32, #tpu.memory_space<hbm>>
          tpu.enqueue_dma source(%dma_start3A_173 : memref<80xi32, #tpu.memory_space<hbm>>) target(%arg11 : memref<80xi32, #tpu.memory_space<vmem>>) target_semaphore(%arg22 : memref<!tpu.dma_semaphore, #tpu.memory_space<semaphore_mem>>)
          %mul3A_174 = arith.constant 10000 : i32
          %mul3A_175 = arith.muli %add3A, %mul3A_174 : i32
          %mul3A_176 = arith.constant 80 : i32
          %mul3A_177 = arith.muli %add3A_166, %mul3A_176 : i32
          %add3A_178 = arith.addi %mul3A_175, %mul3A_177 : i32
          %dma_start3A_179 = tpu.memref_slice %arg4[%add3A_178] : memref<320000xi32, #tpu.memory_space<hbm>> -> memref<80xi32, #tpu.memory_space<hbm>>
          %dma_start3A_180 = tpu.memref_slice %arg4[%add3A_178] : memref<320000xi32, #tpu.memory_space<hbm>> -> memref<80xi32, #tpu.memory_space<hbm>>
          tpu.enqueue_dma source(%dma_start3A_180 : memref<80xi32, #tpu.memory_space<hbm>>) target(%arg14 : memref<80xi32, #tpu.memory_space<vmem>>) target_semaphore(%arg22 : memref<!tpu.dma_semaphore, #tpu.memory_space<semaphore_mem>>)
        } else {
        }
      } else {
      }
      %add3A_125 = arith.constant 3 : i32
      %add3A_126 = arith.addi %mul3A_106, %add3A_125 : i32
      %lt3A_127 = arith.constant 125 : i32
      %lt3A_128 = arith.cmpi slt, %add3A_126, %lt3A_127 : i32
      %convert_element_type3A_129 = arith.extui %lt3A_128 : i1 to i32
      %cond3A_130 = arith.constant 0 : i32
      %cond3A_131 = arith.cmpi ne, %convert_element_type3A_129, %cond3A_130 : i32
      scf.if %cond3A_131 {
        %add3A_146 = arith.constant 1 : i32
        %add3A_147 = arith.addi %add3A_126, %add3A_146 : i32
        %lt3A_148 = arith.constant 125 : i32
        %lt3A_149 = arith.cmpi slt, %add3A_147, %lt3A_148 : i32
        %convert_element_type3A_150 = arith.extui %lt3A_149 : i1 to i32
        %cond3A_151 = arith.constant 0 : i32
        %cond3A_152 = arith.cmpi ne, %convert_element_type3A_150, %cond3A_151 : i32
        scf.if %cond3A_152 {
          %dma_wait3A_165 = arith.constant 0 : i32
          %dma_wait3A_166 = tpu.memref_slice %arg3[%dma_wait3A_165] : memref<320000xi32, #tpu.memory_space<hbm>> -> memref<80xi32, #tpu.memory_space<hbm>>
          %dma_wait3A_167 = arith.constant 0 : i32
          %dma_wait3A_168 = tpu.memref_slice %arg3[%dma_wait3A_167] : memref<320000xi32, #tpu.memory_space<hbm>> -> memref<80xi32, #tpu.memory_space<hbm>>
          tpu.wait_dma2 semaphore(%arg21 : memref<!tpu.dma_semaphore, #tpu.memory_space<semaphore_mem>>) src(%dma_wait3A_168 : memref<80xi32, #tpu.memory_space<hbm>>) dst(%arg10 : memref<80xi32, #tpu.memory_space<vmem>>)
          %dma_wait3A_169 = arith.constant 0 : i32
          %dma_wait3A_170 = tpu.memref_slice %arg4[%dma_wait3A_169] : memref<320000xi32, #tpu.memory_space<hbm>> -> memref<80xi32, #tpu.memory_space<hbm>>
          %dma_wait3A_171 = arith.constant 0 : i32
          %dma_wait3A_172 = tpu.memref_slice %arg4[%dma_wait3A_171] : memref<320000xi32, #tpu.memory_space<hbm>> -> memref<80xi32, #tpu.memory_space<hbm>>
          tpu.wait_dma2 semaphore(%arg21 : memref<!tpu.dma_semaphore, #tpu.memory_space<semaphore_mem>>) src(%dma_wait3A_172 : memref<80xi32, #tpu.memory_space<hbm>>) dst(%arg13 : memref<80xi32, #tpu.memory_space<vmem>>)
          %dma_start3A_173 = arith.constant 0 : i32
          %dma_start3A_174 = arith.constant 0 : i32
          %dma_start3A_175 = tpu.memref_slice %arg2[%dma_start3A_173, %dma_start3A_174] : memref<10000x128xf32, #tpu.memory_space<hbm>> -> memref<10000x128xf32, #tpu.memory_space<hbm>>
          tpu.enqueue_indirect_dma source(%dma_start3A_175 : memref<10000x128xf32, #tpu.memory_space<hbm>>) target(%arg15 : memref<80x128xf32, #tpu.memory_space<vmem>>) offsets(%arg10 : memref<80xi32, #tpu.memory_space<vmem>>) semaphore(%arg18 : memref<!tpu.dma_semaphore, #tpu.memory_space<semaphore_mem>>)
        } else {
        }
        %dma_wait3A = arith.constant 0 : i32
        %dma_wait3A_153 = arith.constant 0 : i32
        %dma_wait3A_154 = tpu.memref_slice %arg2[%dma_wait3A, %dma_wait3A_153] : memref<10000x128xf32, #tpu.memory_space<hbm>> -> memref<80x128xf32, #tpu.memory_space<hbm>>
        %dma_wait3A_155 = arith.constant 0 : i32
        %dma_wait3A_156 = arith.constant 0 : i32
        %dma_wait3A_157 = tpu.memref_slice %arg2[%dma_wait3A_155, %dma_wait3A_156] : memref<10000x128xf32, #tpu.memory_space<hbm>> -> memref<80x128xf32, #tpu.memory_space<hbm>>
        tpu.wait_dma2 semaphore(%arg19 : memref<!tpu.dma_semaphore, #tpu.memory_space<semaphore_mem>>) src(%dma_wait3A_157 : memref<80x128xf32, #tpu.memory_space<hbm>>) dst(%arg16 : memref<80x128xf32, #tpu.memory_space<vmem>>)
        "tpu.region"() ({
          %run_scoped3A = tpu.sem_alloc : memref<!tpu.dma_semaphore, #tpu.memory_space<semaphore_mem>>
          %dma_start3A_165 = arith.constant 0 : i32
          %dma_start3A_166 = arith.constant 0 : i32
          %dma_start3A_167 = tpu.memref_slice %arg17[%dma_start3A_165, %dma_start3A_166] : memref<10112x128xf32, #tpu.memory_space<vmem_shared>> -> memref<10112x128xf32, #tpu.memory_space<vmem_shared>>
          tpu.enqueue_indirect_dma source(%arg16 : memref<80x128xf32, #tpu.memory_space<vmem>>) target(%dma_start3A_167 : memref<10112x128xf32, #tpu.memory_space<vmem_shared>>) offsets(%arg12 : memref<80xi32, #tpu.memory_space<vmem>>) semaphore(%run_scoped3A : memref<!tpu.dma_semaphore, #tpu.memory_space<semaphore_mem>>) {add = true}
          %dma_wait3A_168 = arith.constant 0 : i32
          %dma_wait3A_169 = arith.constant 0 : i32
          %dma_wait3A_170 = tpu.memref_slice %arg17[%dma_wait3A_168, %dma_wait3A_169] : memref<10112x128xf32, #tpu.memory_space<vmem_shared>> -> memref<10112x128xf32, #tpu.memory_space<vmem_shared>>
          tpu.wait_indirect_dma semaphore(%run_scoped3A : memref<!tpu.dma_semaphore, #tpu.memory_space<semaphore_mem>>) src(%arg16 : memref<80x128xf32, #tpu.memory_space<vmem>>) dst(%dma_wait3A_170 : memref<10112x128xf32, #tpu.memory_space<vmem_shared>>)
          tpu.yield
        }) : () -> ()
        %add3A_158 = arith.constant 3 : i32
        %add3A_159 = arith.addi %add3A_126, %add3A_158 : i32
        %lt3A_160 = arith.constant 125 : i32
        %lt3A_161 = arith.cmpi slt, %add3A_159, %lt3A_160 : i32
        %convert_element_type3A_162 = arith.extui %lt3A_161 : i1 to i32
        %cond3A_163 = arith.constant 0 : i32
        %cond3A_164 = arith.cmpi ne, %convert_element_type3A_162, %cond3A_163 : i32
        scf.if %cond3A_164 {
          %add3A_165 = arith.constant 3 : i32
          %add3A_166 = arith.addi %add3A_126, %add3A_165 : i32
          %mul3A_167 = arith.constant 10000 : i32
          %mul3A_168 = arith.muli %add3A, %mul3A_167 : i32
          %mul3A_169 = arith.constant 80 : i32
          %mul3A_170 = arith.muli %add3A_166, %mul3A_169 : i32
          %add3A_171 = arith.addi %mul3A_168, %mul3A_170 : i32
          %dma_start3A_172 = tpu.memref_slice %arg3[%add3A_171] : memref<320000xi32, #tpu.memory_space<hbm>> -> memref<80xi32, #tpu.memory_space<hbm>>
          %dma_start3A_173 = tpu.memref_slice %arg3[%add3A_171] : memref<320000xi32, #tpu.memory_space<hbm>> -> memref<80xi32, #tpu.memory_space<hbm>>
          tpu.enqueue_dma source(%dma_start3A_173 : memref<80xi32, #tpu.memory_space<hbm>>) target(%arg9 : memref<80xi32, #tpu.memory_space<vmem>>) target_semaphore(%arg20 : memref<!tpu.dma_semaphore, #tpu.memory_space<semaphore_mem>>)
          %mul3A_174 = arith.constant 10000 : i32
          %mul3A_175 = arith.muli %add3A, %mul3A_174 : i32
          %mul3A_176 = arith.constant 80 : i32
          %mul3A_177 = arith.muli %add3A_166, %mul3A_176 : i32
          %add3A_178 = arith.addi %mul3A_175, %mul3A_177 : i32
          %dma_start3A_179 = tpu.memref_slice %arg4[%add3A_178] : memref<320000xi32, #tpu.memory_space<hbm>> -> memref<80xi32, #tpu.memory_space<hbm>>
          %dma_start3A_180 = tpu.memref_slice %arg4[%add3A_178] : memref<320000xi32, #tpu.memory_space<hbm>> -> memref<80xi32, #tpu.memory_space<hbm>>
          tpu.enqueue_dma source(%dma_start3A_180 : memref<80xi32, #tpu.memory_space<hbm>>) target(%arg12 : memref<80xi32, #tpu.memory_space<vmem>>) target_semaphore(%arg20 : memref<!tpu.dma_semaphore, #tpu.memory_space<semaphore_mem>>)
        } else {
        }
      } else {
      }
      %add3A_132 = arith.constant 4 : i32
      %add3A_133 = arith.addi %mul3A_106, %add3A_132 : i32
      %lt3A_134 = arith.constant 125 : i32
      %lt3A_135 = arith.cmpi slt, %add3A_133, %lt3A_134 : i32
      %convert_element_type3A_136 = arith.extui %lt3A_135 : i1 to i32
      %cond3A_137 = arith.constant 0 : i32
      %cond3A_138 = arith.cmpi ne, %convert_element_type3A_136, %cond3A_137 : i32
      scf.if %cond3A_138 {
        %add3A_146 = arith.constant 1 : i32
        %add3A_147 = arith.addi %add3A_133, %add3A_146 : i32
        %lt3A_148 = arith.constant 125 : i32
        %lt3A_149 = arith.cmpi slt, %add3A_147, %lt3A_148 : i32
        %convert_element_type3A_150 = arith.extui %lt3A_149 : i1 to i32
        %cond3A_151 = arith.constant 0 : i32
        %cond3A_152 = arith.cmpi ne, %convert_element_type3A_150, %cond3A_151 : i32
        scf.if %cond3A_152 {
          %dma_wait3A_165 = arith.constant 0 : i32
          %dma_wait3A_166 = tpu.memref_slice %arg3[%dma_wait3A_165] : memref<320000xi32, #tpu.memory_space<hbm>> -> memref<80xi32, #tpu.memory_space<hbm>>
          %dma_wait3A_167 = arith.constant 0 : i32
          %dma_wait3A_168 = tpu.memref_slice %arg3[%dma_wait3A_167] : memref<320000xi32, #tpu.memory_space<hbm>> -> memref<80xi32, #tpu.memory_space<hbm>>
          tpu.wait_dma2 semaphore(%arg22 : memref<!tpu.dma_semaphore, #tpu.memory_space<semaphore_mem>>) src(%dma_wait3A_168 : memref<80xi32, #tpu.memory_space<hbm>>) dst(%arg11 : memref<80xi32, #tpu.memory_space<vmem>>)
          %dma_wait3A_169 = arith.constant 0 : i32
          %dma_wait3A_170 = tpu.memref_slice %arg4[%dma_wait3A_169] : memref<320000xi32, #tpu.memory_space<hbm>> -> memref<80xi32, #tpu.memory_space<hbm>>
          %dma_wait3A_171 = arith.constant 0 : i32
          %dma_wait3A_172 = tpu.memref_slice %arg4[%dma_wait3A_171] : memref<320000xi32, #tpu.memory_space<hbm>> -> memref<80xi32, #tpu.memory_space<hbm>>
          tpu.wait_dma2 semaphore(%arg22 : memref<!tpu.dma_semaphore, #tpu.memory_space<semaphore_mem>>) src(%dma_wait3A_172 : memref<80xi32, #tpu.memory_space<hbm>>) dst(%arg14 : memref<80xi32, #tpu.memory_space<vmem>>)
          %dma_start3A_173 = arith.constant 0 : i32
          %dma_start3A_174 = arith.constant 0 : i32
          %dma_start3A_175 = tpu.memref_slice %arg2[%dma_start3A_173, %dma_start3A_174] : memref<10000x128xf32, #tpu.memory_space<hbm>> -> memref<10000x128xf32, #tpu.memory_space<hbm>>
          tpu.enqueue_indirect_dma source(%dma_start3A_175 : memref<10000x128xf32, #tpu.memory_space<hbm>>) target(%arg16 : memref<80x128xf32, #tpu.memory_space<vmem>>) offsets(%arg11 : memref<80xi32, #tpu.memory_space<vmem>>) semaphore(%arg19 : memref<!tpu.dma_semaphore, #tpu.memory_space<semaphore_mem>>)
        } else {
        }
        %dma_wait3A = arith.constant 0 : i32
        %dma_wait3A_153 = arith.constant 0 : i32
        %dma_wait3A_154 = tpu.memref_slice %arg2[%dma_wait3A, %dma_wait3A_153] : memref<10000x128xf32, #tpu.memory_space<hbm>> -> memref<80x128xf32, #tpu.memory_space<hbm>>
        %dma_wait3A_155 = arith.constant 0 : i32
        %dma_wait3A_156 = arith.constant 0 : i32
        %dma_wait3A_157 = tpu.memref_slice %arg2[%dma_wait3A_155, %dma_wait3A_156] : memref<10000x128xf32, #tpu.memory_space<hbm>> -> memref<80x128xf32, #tpu.memory_space<hbm>>
        tpu.wait_dma2 semaphore(%arg18 : memref<!tpu.dma_semaphore, #tpu.memory_space<semaphore_mem>>) src(%dma_wait3A_157 : memref<80x128xf32, #tpu.memory_space<hbm>>) dst(%arg15 : memref<80x128xf32, #tpu.memory_space<vmem>>)
        "tpu.region"() ({
          %run_scoped3A = tpu.sem_alloc : memref<!tpu.dma_semaphore, #tpu.memory_space<semaphore_mem>>
          %dma_start3A_165 = arith.constant 0 : i32
          %dma_start3A_166 = arith.constant 0 : i32
          %dma_start3A_167 = tpu.memref_slice %arg17[%dma_start3A_165, %dma_start3A_166] : memref<10112x128xf32, #tpu.memory_space<vmem_shared>> -> memref<10112x128xf32, #tpu.memory_space<vmem_shared>>
          tpu.enqueue_indirect_dma source(%arg15 : memref<80x128xf32, #tpu.memory_space<vmem>>) target(%dma_start3A_167 : memref<10112x128xf32, #tpu.memory_space<vmem_shared>>) offsets(%arg13 : memref<80xi32, #tpu.memory_space<vmem>>) semaphore(%run_scoped3A : memref<!tpu.dma_semaphore, #tpu.memory_space<semaphore_mem>>) {add = true}
          %dma_wait3A_168 = arith.constant 0 : i32
          %dma_wait3A_169 = arith.constant 0 : i32
          %dma_wait3A_170 = tpu.memref_slice %arg17[%dma_wait3A_168, %dma_wait3A_169] : memref<10112x128xf32, #tpu.memory_space<vmem_shared>> -> memref<10112x128xf32, #tpu.memory_space<vmem_shared>>
          tpu.wait_indirect_dma semaphore(%run_scoped3A : memref<!tpu.dma_semaphore, #tpu.memory_space<semaphore_mem>>) src(%arg15 : memref<80x128xf32, #tpu.memory_space<vmem>>) dst(%dma_wait3A_170 : memref<10112x128xf32, #tpu.memory_space<vmem_shared>>)
          tpu.yield
        }) : () -> ()
        %add3A_158 = arith.constant 3 : i32
        %add3A_159 = arith.addi %add3A_133, %add3A_158 : i32
        %lt3A_160 = arith.constant 125 : i32
        %lt3A_161 = arith.cmpi slt, %add3A_159, %lt3A_160 : i32
        %convert_element_type3A_162 = arith.extui %lt3A_161 : i1 to i32
        %cond3A_163 = arith.constant 0 : i32
        %cond3A_164 = arith.cmpi ne, %convert_element_type3A_162, %cond3A_163 : i32
        scf.if %cond3A_164 {
          %add3A_165 = arith.constant 3 : i32
          %add3A_166 = arith.addi %add3A_133, %add3A_165 : i32
          %mul3A_167 = arith.constant 10000 : i32
          %mul3A_168 = arith.muli %add3A, %mul3A_167 : i32
          %mul3A_169 = arith.constant 80 : i32
          %mul3A_170 = arith.muli %add3A_166, %mul3A_169 : i32
          %add3A_171 = arith.addi %mul3A_168, %mul3A_170 : i32
          %dma_start3A_172 = tpu.memref_slice %arg3[%add3A_171] : memref<320000xi32, #tpu.memory_space<hbm>> -> memref<80xi32, #tpu.memory_space<hbm>>
          %dma_start3A_173 = tpu.memref_slice %arg3[%add3A_171] : memref<320000xi32, #tpu.memory_space<hbm>> -> memref<80xi32, #tpu.memory_space<hbm>>
          tpu.enqueue_dma source(%dma_start3A_173 : memref<80xi32, #tpu.memory_space<hbm>>) target(%arg10 : memref<80xi32, #tpu.memory_space<vmem>>) target_semaphore(%arg21 : memref<!tpu.dma_semaphore, #tpu.memory_space<semaphore_mem>>)
          %mul3A_174 = arith.constant 10000 : i32
          %mul3A_175 = arith.muli %add3A, %mul3A_174 : i32
          %mul3A_176 = arith.constant 80 : i32
          %mul3A_177 = arith.muli %add3A_166, %mul3A_176 : i32
          %add3A_178 = arith.addi %mul3A_175, %mul3A_177 : i32
          %dma_start3A_179 = tpu.memref_slice %arg4[%add3A_178] : memref<320000xi32, #tpu.memory_space<hbm>> -> memref<80xi32, #tpu.memory_space<hbm>>
          %dma_start3A_180 = tpu.memref_slice %arg4[%add3A_178] : memref<320000xi32, #tpu.memory_space<hbm>> -> memref<80xi32, #tpu.memory_space<hbm>>
          tpu.enqueue_dma source(%dma_start3A_180 : memref<80xi32, #tpu.memory_space<hbm>>) target(%arg13 : memref<80xi32, #tpu.memory_space<vmem>>) target_semaphore(%arg21 : memref<!tpu.dma_semaphore, #tpu.memory_space<semaphore_mem>>)
        } else {
        }
      } else {
      }
      %add3A_139 = arith.constant 5 : i32
      %add3A_140 = arith.addi %mul3A_106, %add3A_139 : i32
      %lt3A_141 = arith.constant 125 : i32
      %lt3A_142 = arith.cmpi slt, %add3A_140, %lt3A_141 : i32
      %convert_element_type3A_143 = arith.extui %lt3A_142 : i1 to i32
      %cond3A_144 = arith.constant 0 : i32
      %cond3A_145 = arith.cmpi ne, %convert_element_type3A_143, %cond3A_144 : i32
      scf.if %cond3A_145 {
        %add3A_146 = arith.constant 1 : i32
        %add3A_147 = arith.addi %add3A_140, %add3A_146 : i32
        %lt3A_148 = arith.constant 125 : i32
        %lt3A_149 = arith.cmpi slt, %add3A_147, %lt3A_148 : i32
        %convert_element_type3A_150 = arith.extui %lt3A_149 : i1 to i32
        %cond3A_151 = arith.constant 0 : i32
        %cond3A_152 = arith.cmpi ne, %convert_element_type3A_150, %cond3A_151 : i32
        scf.if %cond3A_152 {
          %dma_wait3A_165 = arith.constant 0 : i32
          %dma_wait3A_166 = tpu.memref_slice %arg3[%dma_wait3A_165] : memref<320000xi32, #tpu.memory_space<hbm>> -> memref<80xi32, #tpu.memory_space<hbm>>
          %dma_wait3A_167 = arith.constant 0 : i32
          %dma_wait3A_168 = tpu.memref_slice %arg3[%dma_wait3A_167] : memref<320000xi32, #tpu.memory_space<hbm>> -> memref<80xi32, #tpu.memory_space<hbm>>
          tpu.wait_dma2 semaphore(%arg20 : memref<!tpu.dma_semaphore, #tpu.memory_space<semaphore_mem>>) src(%dma_wait3A_168 : memref<80xi32, #tpu.memory_space<hbm>>) dst(%arg9 : memref<80xi32, #tpu.memory_space<vmem>>)
          %dma_wait3A_169 = arith.constant 0 : i32
          %dma_wait3A_170 = tpu.memref_slice %arg4[%dma_wait3A_169] : memref<320000xi32, #tpu.memory_space<hbm>> -> memref<80xi32, #tpu.memory_space<hbm>>
          %dma_wait3A_171 = arith.constant 0 : i32
          %dma_wait3A_172 = tpu.memref_slice %arg4[%dma_wait3A_171] : memref<320000xi32, #tpu.memory_space<hbm>> -> memref<80xi32, #tpu.memory_space<hbm>>
          tpu.wait_dma2 semaphore(%arg20 : memref<!tpu.dma_semaphore, #tpu.memory_space<semaphore_mem>>) src(%dma_wait3A_172 : memref<80xi32, #tpu.memory_space<hbm>>) dst(%arg12 : memref<80xi32, #tpu.memory_space<vmem>>)
          %dma_start3A_173 = arith.constant 0 : i32
          %dma_start3A_174 = arith.constant 0 : i32
          %dma_start3A_175 = tpu.memref_slice %arg2[%dma_start3A_173, %dma_start3A_174] : memref<10000x128xf32, #tpu.memory_space<hbm>> -> memref<10000x128xf32, #tpu.memory_space<hbm>>
          tpu.enqueue_indirect_dma source(%dma_start3A_175 : memref<10000x128xf32, #tpu.memory_space<hbm>>) target(%arg15 : memref<80x128xf32, #tpu.memory_space<vmem>>) offsets(%arg9 : memref<80xi32, #tpu.memory_space<vmem>>) semaphore(%arg18 : memref<!tpu.dma_semaphore, #tpu.memory_space<semaphore_mem>>)
        } else {
        }
        %dma_wait3A = arith.constant 0 : i32
        %dma_wait3A_153 = arith.constant 0 : i32
        %dma_wait3A_154 = tpu.memref_slice %arg2[%dma_wait3A, %dma_wait3A_153] : memref<10000x128xf32, #tpu.memory_space<hbm>> -> memref<80x128xf32, #tpu.memory_space<hbm>>
        %dma_wait3A_155 = arith.constant 0 : i32
        %dma_wait3A_156 = arith.constant 0 : i32
        %dma_wait3A_157 = tpu.memref_slice %arg2[%dma_wait3A_155, %dma_wait3A_156] : memref<10000x128xf32, #tpu.memory_space<hbm>> -> memref<80x128xf32, #tpu.memory_space<hbm>>
        tpu.wait_dma2 semaphore(%arg19 : memref<!tpu.dma_semaphore, #tpu.memory_space<semaphore_mem>>) src(%dma_wait3A_157 : memref<80x128xf32, #tpu.memory_space<hbm>>) dst(%arg16 : memref<80x128xf32, #tpu.memory_space<vmem>>)
        "tpu.region"() ({
          %run_scoped3A = tpu.sem_alloc : memref<!tpu.dma_semaphore, #tpu.memory_space<semaphore_mem>>
          %dma_start3A_165 = arith.constant 0 : i32
          %dma_start3A_166 = arith.constant 0 : i32
          %dma_start3A_167 = tpu.memref_slice %arg17[%dma_start3A_165, %dma_start3A_166] : memref<10112x128xf32, #tpu.memory_space<vmem_shared>> -> memref<10112x128xf32, #tpu.memory_space<vmem_shared>>
          tpu.enqueue_indirect_dma source(%arg16 : memref<80x128xf32, #tpu.memory_space<vmem>>) target(%dma_start3A_167 : memref<10112x128xf32, #tpu.memory_space<vmem_shared>>) offsets(%arg14 : memref<80xi32, #tpu.memory_space<vmem>>) semaphore(%run_scoped3A : memref<!tpu.dma_semaphore, #tpu.memory_space<semaphore_mem>>) {add = true}
          %dma_wait3A_168 = arith.constant 0 : i32
          %dma_wait3A_169 = arith.constant 0 : i32
          %dma_wait3A_170 = tpu.memref_slice %arg17[%dma_wait3A_168, %dma_wait3A_169] : memref<10112x128xf32, #tpu.memory_space<vmem_shared>> -> memref<10112x128xf32, #tpu.memory_space<vmem_shared>>
          tpu.wait_indirect_dma semaphore(%run_scoped3A : memref<!tpu.dma_semaphore, #tpu.memory_space<semaphore_mem>>) src(%arg16 : memref<80x128xf32, #tpu.memory_space<vmem>>) dst(%dma_wait3A_170 : memref<10112x128xf32, #tpu.memory_space<vmem_shared>>)
          tpu.yield
        }) : () -> ()
        %add3A_158 = arith.constant 3 : i32
        %add3A_159 = arith.addi %add3A_140, %add3A_158 : i32
        %lt3A_160 = arith.constant 125 : i32
        %lt3A_161 = arith.cmpi slt, %add3A_159, %lt3A_160 : i32
        %convert_element_type3A_162 = arith.extui %lt3A_161 : i1 to i32
        %cond3A_163 = arith.constant 0 : i32
        %cond3A_164 = arith.cmpi ne, %convert_element_type3A_162, %cond3A_163 : i32
        scf.if %cond3A_164 {
          %add3A_165 = arith.constant 3 : i32
          %add3A_166 = arith.addi %add3A_140, %add3A_165 : i32
          %mul3A_167 = arith.constant 10000 : i32
          %mul3A_168 = arith.muli %add3A, %mul3A_167 : i32
          %mul3A_169 = arith.constant 80 : i32
          %mul3A_170 = arith.muli %add3A_166, %mul3A_169 : i32
          %add3A_171 = arith.addi %mul3A_168, %mul3A_170 : i32
          %dma_start3A_172 = tpu.memref_slice %arg3[%add3A_171] : memref<320000xi32, #tpu.memory_space<hbm>> -> memref<80xi32, #tpu.memory_space<hbm>>
          %dma_start3A_173 = tpu.memref_slice %arg3[%add3A_171] : memref<320000xi32, #tpu.memory_space<hbm>> -> memref<80xi32, #tpu.memory_space<hbm>>
          tpu.enqueue_dma source(%dma_start3A_173 : memref<80xi32, #tpu.memory_space<hbm>>) target(%arg11 : memref<80xi32, #tpu.memory_space<vmem>>) target_semaphore(%arg22 : memref<!tpu.dma_semaphore, #tpu.memory_space<semaphore_mem>>)
          %mul3A_174 = arith.constant 10000 : i32
          %mul3A_175 = arith.muli %add3A, %mul3A_174 : i32
          %mul3A_176 = arith.constant 80 : i32
          %mul3A_177 = arith.muli %add3A_166, %mul3A_176 : i32
          %add3A_178 = arith.addi %mul3A_175, %mul3A_177 : i32
          %dma_start3A_179 = tpu.memref_slice %arg4[%add3A_178] : memref<320000xi32, #tpu.memory_space<hbm>> -> memref<80xi32, #tpu.memory_space<hbm>>
          %dma_start3A_180 = tpu.memref_slice %arg4[%add3A_178] : memref<320000xi32, #tpu.memory_space<hbm>> -> memref<80xi32, #tpu.memory_space<hbm>>
          tpu.enqueue_dma source(%dma_start3A_180 : memref<80xi32, #tpu.memory_space<hbm>>) target(%arg14 : memref<80xi32, #tpu.memory_space<vmem>>) target_semaphore(%arg22 : memref<!tpu.dma_semaphore, #tpu.memory_space<semaphore_mem>>)
        } else {
        }
      } else {
      }
    }
    %scan3A_98 = arith.constant 21 : i32
    %barrier3A_99 = arith.constant 0 : index
    tpu.barrier barrier_id(%barrier3A_99)
    %mul3A_100 = arith.constant 632 : i32
    %mul3A_101 = arith.muli %arg1, %mul3A_100 : i32
    %mul3A_102 = arith.constant 632 : i32
    %mul3A_103 = arith.muli %arg1, %mul3A_102 : i32
    "tpu.region"() ({
      %run_scoped3A = tpu.sem_alloc : memref<!tpu.dma_semaphore, #tpu.memory_space<semaphore_mem>>
      %dma_start3A_104 = arith.constant 0 : i32
      %dma_start3A_105 = tpu.memref_slice %arg7[%arg0, %mul3A_103, %dma_start3A_104] : memref<2x10112x128xf32, #tpu.memory_space<hbm>> -> memref<1x632x128xf32, #tpu.memory_space<hbm>>
      %dma_start3A_106 = tpu.memref_squeeze %dma_start3A_105 : memref<1x632x128xf32, #tpu.memory_space<hbm>> -> memref<632x128xf32, #tpu.memory_space<hbm>>
      %dma_start3A_107 = arith.constant 0 : i32
      %dma_start3A_108 = tpu.memref_slice %arg17[%mul3A_101, %dma_start3A_107] : memref<10112x128xf32, #tpu.memory_space<vmem_shared>> -> memref<632x128xf32, #tpu.memory_space<vmem_shared>>
      tpu.enqueue_dma source(%dma_start3A_108 : memref<632x128xf32, #tpu.memory_space<vmem_shared>>) target(%dma_start3A_106 : memref<632x128xf32, #tpu.memory_space<hbm>>) target_semaphore(%run_scoped3A : memref<!tpu.dma_semaphore, #tpu.memory_space<semaphore_mem>>)
      %dma_wait3A = arith.constant 0 : i32
      %dma_wait3A_109 = tpu.memref_slice %arg7[%arg0, %mul3A_103, %dma_wait3A] : memref<2x10112x128xf32, #tpu.memory_space<hbm>> -> memref<1x632x128xf32, #tpu.memory_space<hbm>>
      %dma_wait3A_110 = tpu.memref_squeeze %dma_wait3A_109 : memref<1x632x128xf32, #tpu.memory_space<hbm>> -> memref<632x128xf32, #tpu.memory_space<hbm>>
      %dma_wait3A_111 = arith.constant 0 : i32
      %dma_wait3A_112 = tpu.memref_slice %arg17[%mul3A_101, %dma_wait3A_111] : memref<10112x128xf32, #tpu.memory_space<vmem_shared>> -> memref<632x128xf32, #tpu.memory_space<vmem_shared>>
      tpu.wait_dma2 semaphore(%run_scoped3A : memref<!tpu.dma_semaphore, #tpu.memory_space<semaphore_mem>>) src(%dma_wait3A_112 : memref<632x128xf32, #tpu.memory_space<vmem_shared>>) dst(%dma_wait3A_110 : memref<632x128xf32, #tpu.memory_space<hbm>>)
      tpu.yield
    }) : () -> ()
    return
  }
}

#map = affine_map<(d0, d1) -> (0, 0)>
#map1 = affine_map<(d0, d1) -> (0)>
#map2 = affine_map<(d0, d1) -> (0, 0, 0)>
module attributes {stable_mosaic.version = 14 : i64} {
  func.func @body(%arg0: i32, %arg1: i32, %arg2: memref<10000x128xf32, #tpu.memory_space<hbm>>, %arg3: memref<320000xi32, #tpu.memory_space<hbm>>, %arg4: memref<320000xi32, #tpu.memory_space<hbm>>, %arg5: memref<80x128xf32, #tpu.memory_space<hbm>>, %arg6: memref<2x10112x128xf32, #tpu.memory_space<hbm>>, %arg7: memref<80xi32, #tpu.memory_space<vmem>>, %arg8: memref<80xi32, #tpu.memory_space<vmem>>, %arg9: memref<80xi32, #tpu.memory_space<vmem>>, %arg10: memref<80xi32, #tpu.memory_space<vmem>>, %arg11: memref<80xi32, #tpu.memory_space<vmem>>, %arg12: memref<80xi32, #tpu.memory_space<vmem>>, %arg13: memref<80x128xf32, #tpu.memory_space<vmem>>, %arg14: memref<80x128xf32, #tpu.memory_space<vmem>>, %arg15: memref<10112x128xf32, #tpu.memory_space<vmem_shared>>, %arg16: memref<!tpu.dma_semaphore, #tpu.memory_space<semaphore_mem>>, %arg17: memref<!tpu.dma_semaphore, #tpu.memory_space<semaphore_mem>>, %arg18: memref<!tpu.dma_semaphore, #tpu.memory_space<semaphore_mem>>, %arg19: memref<!tpu.dma_semaphore, #tpu.memory_space<semaphore_mem>>, %arg20: memref<!tpu.dma_semaphore, #tpu.memory_space<semaphore_mem>>) attributes {dimension_semantics = [#tpu.dimension_semantics<core_parallel>, #tpu.dimension_semantics<subcore_parallel>], iteration_bounds = array<i64: 2, 16>, scalar_prefetch = 0 : i64, scratch_operands = 14 : i64, tpu.core_type = #tpu.core_type<sc_vector_subcore>, window_params = [{transform_indices = #map}, {transform_indices = #map1}, {transform_indices = #map1}, {transform_indices = #map}, {transform_indices = #map2}]} {
    %mul3A = arith.constant 16 : i32
    %mul3A_0 = arith.muli %arg0, %mul3A : i32
    %add3A = arith.addi %mul3A_0, %arg1 : i32
    "tpu.region"() ({
      %run_scoped3A = tpu.sem_alloc : memref<!tpu.dma_semaphore, #tpu.memory_space<semaphore_mem>>
      tpu.enqueue_dma source(%arg5 : memref<80x128xf32, #tpu.memory_space<hbm>>) target(%arg14 : memref<80x128xf32, #tpu.memory_space<vmem>>) target_semaphore(%run_scoped3A : memref<!tpu.dma_semaphore, #tpu.memory_space<semaphore_mem>>)
      tpu.wait_dma2 semaphore(%run_scoped3A : memref<!tpu.dma_semaphore, #tpu.memory_space<semaphore_mem>>) src(%arg5 : memref<80x128xf32, #tpu.memory_space<hbm>>) dst(%arg14 : memref<80x128xf32, #tpu.memory_space<vmem>>)
      tpu.yield
    }) : () -> ()
    %mul3A_1 = arith.constant 632 : i32
    %mul3A_2 = arith.muli %arg1, %mul3A_1 : i32
    %add3A_3 = arith.constant 0 : i32
    %add3A_4 = arith.addi %mul3A_2, %add3A_3 : i32
    "tpu.region"() ({
      %run_scoped3A = tpu.sem_alloc : memref<!tpu.dma_semaphore, #tpu.memory_space<semaphore_mem>>
      %dma_start3A_63 = arith.constant 0 : i32
      %dma_start3A_64 = tpu.memref_slice %arg15[%add3A_4, %dma_start3A_63] : memref<10112x128xf32, #tpu.memory_space<vmem_shared>> -> memref<80x128xf32, #tpu.memory_space<vmem_shared>>
      %dma_start3A_65 = arith.constant 0 : i32
      %dma_start3A_66 = tpu.memref_slice %arg15[%add3A_4, %dma_start3A_65] : memref<10112x128xf32, #tpu.memory_space<vmem_shared>> -> memref<80x128xf32, #tpu.memory_space<vmem_shared>>
      tpu.enqueue_dma source(%arg14 : memref<80x128xf32, #tpu.memory_space<vmem>>) target(%dma_start3A_66 : memref<80x128xf32, #tpu.memory_space<vmem_shared>>) target_semaphore(%run_scoped3A : memref<!tpu.dma_semaphore, #tpu.memory_space<semaphore_mem>>)
      %dma_wait3A = arith.constant 0 : i32
      %dma_wait3A_67 = tpu.memref_slice %arg15[%add3A_4, %dma_wait3A] : memref<10112x128xf32, #tpu.memory_space<vmem_shared>> -> memref<80x128xf32, #tpu.memory_space<vmem_shared>>
      %dma_wait3A_68 = arith.constant 0 : i32
      %dma_wait3A_69 = tpu.memref_slice %arg15[%add3A_4, %dma_wait3A_68] : memref<10112x128xf32, #tpu.memory_space<vmem_shared>> -> memref<80x128xf32, #tpu.memory_space<vmem_shared>>
      tpu.wait_dma2 semaphore(%run_scoped3A : memref<!tpu.dma_semaphore, #tpu.memory_space<semaphore_mem>>) src(%arg14 : memref<80x128xf32, #tpu.memory_space<vmem>>) dst(%dma_wait3A_69 : memref<80x128xf32, #tpu.memory_space<vmem_shared>>)
      tpu.yield
    }) : () -> ()
    %add3A_5 = arith.constant 80 : i32
    %add3A_6 = arith.addi %mul3A_2, %add3A_5 : i32
    "tpu.region"() ({
      %run_scoped3A = tpu.sem_alloc : memref<!tpu.dma_semaphore, #tpu.memory_space<semaphore_mem>>
      %dma_start3A_63 = arith.constant 0 : i32
      %dma_start3A_64 = tpu.memref_slice %arg15[%add3A_6, %dma_start3A_63] : memref<10112x128xf32, #tpu.memory_space<vmem_shared>> -> memref<80x128xf32, #tpu.memory_space<vmem_shared>>
      %dma_start3A_65 = arith.constant 0 : i32
      %dma_start3A_66 = tpu.memref_slice %arg15[%add3A_6, %dma_start3A_65] : memref<10112x128xf32, #tpu.memory_space<vmem_shared>> -> memref<80x128xf32, #tpu.memory_space<vmem_shared>>
      tpu.enqueue_dma source(%arg14 : memref<80x128xf32, #tpu.memory_space<vmem>>) target(%dma_start3A_66 : memref<80x128xf32, #tpu.memory_space<vmem_shared>>) target_semaphore(%run_scoped3A : memref<!tpu.dma_semaphore, #tpu.memory_space<semaphore_mem>>)
      %dma_wait3A = arith.constant 0 : i32
      %dma_wait3A_67 = tpu.memref_slice %arg15[%add3A_6, %dma_wait3A] : memref<10112x128xf32, #tpu.memory_space<vmem_shared>> -> memref<80x128xf32, #tpu.memory_space<vmem_shared>>
      %dma_wait3A_68 = arith.constant 0 : i32
      %dma_wait3A_69 = tpu.memref_slice %arg15[%add3A_6, %dma_wait3A_68] : memref<10112x128xf32, #tpu.memory_space<vmem_shared>> -> memref<80x128xf32, #tpu.memory_space<vmem_shared>>
      tpu.wait_dma2 semaphore(%run_scoped3A : memref<!tpu.dma_semaphore, #tpu.memory_space<semaphore_mem>>) src(%arg14 : memref<80x128xf32, #tpu.memory_space<vmem>>) dst(%dma_wait3A_69 : memref<80x128xf32, #tpu.memory_space<vmem_shared>>)
      tpu.yield
    }) : () -> ()
    %add3A_7 = arith.constant 160 : i32
    %add3A_8 = arith.addi %mul3A_2, %add3A_7 : i32
    "tpu.region"() ({
      %run_scoped3A = tpu.sem_alloc : memref<!tpu.dma_semaphore, #tpu.memory_space<semaphore_mem>>
      %dma_start3A_63 = arith.constant 0 : i32
      %dma_start3A_64 = tpu.memref_slice %arg15[%add3A_8, %dma_start3A_63] : memref<10112x128xf32, #tpu.memory_space<vmem_shared>> -> memref<80x128xf32, #tpu.memory_space<vmem_shared>>
      %dma_start3A_65 = arith.constant 0 : i32
      %dma_start3A_66 = tpu.memref_slice %arg15[%add3A_8, %dma_start3A_65] : memref<10112x128xf32, #tpu.memory_space<vmem_shared>> -> memref<80x128xf32, #tpu.memory_space<vmem_shared>>
      tpu.enqueue_dma source(%arg14 : memref<80x128xf32, #tpu.memory_space<vmem>>) target(%dma_start3A_66 : memref<80x128xf32, #tpu.memory_space<vmem_shared>>) target_semaphore(%run_scoped3A : memref<!tpu.dma_semaphore, #tpu.memory_space<semaphore_mem>>)
      %dma_wait3A = arith.constant 0 : i32
      %dma_wait3A_67 = tpu.memref_slice %arg15[%add3A_8, %dma_wait3A] : memref<10112x128xf32, #tpu.memory_space<vmem_shared>> -> memref<80x128xf32, #tpu.memory_space<vmem_shared>>
      %dma_wait3A_68 = arith.constant 0 : i32
      %dma_wait3A_69 = tpu.memref_slice %arg15[%add3A_8, %dma_wait3A_68] : memref<10112x128xf32, #tpu.memory_space<vmem_shared>> -> memref<80x128xf32, #tpu.memory_space<vmem_shared>>
      tpu.wait_dma2 semaphore(%run_scoped3A : memref<!tpu.dma_semaphore, #tpu.memory_space<semaphore_mem>>) src(%arg14 : memref<80x128xf32, #tpu.memory_space<vmem>>) dst(%dma_wait3A_69 : memref<80x128xf32, #tpu.memory_space<vmem_shared>>)
      tpu.yield
    }) : () -> ()
    %add3A_9 = arith.constant 240 : i32
    %add3A_10 = arith.addi %mul3A_2, %add3A_9 : i32
    "tpu.region"() ({
      %run_scoped3A = tpu.sem_alloc : memref<!tpu.dma_semaphore, #tpu.memory_space<semaphore_mem>>
      %dma_start3A_63 = arith.constant 0 : i32
      %dma_start3A_64 = tpu.memref_slice %arg15[%add3A_10, %dma_start3A_63] : memref<10112x128xf32, #tpu.memory_space<vmem_shared>> -> memref<80x128xf32, #tpu.memory_space<vmem_shared>>
      %dma_start3A_65 = arith.constant 0 : i32
      %dma_start3A_66 = tpu.memref_slice %arg15[%add3A_10, %dma_start3A_65] : memref<10112x128xf32, #tpu.memory_space<vmem_shared>> -> memref<80x128xf32, #tpu.memory_space<vmem_shared>>
      tpu.enqueue_dma source(%arg14 : memref<80x128xf32, #tpu.memory_space<vmem>>) target(%dma_start3A_66 : memref<80x128xf32, #tpu.memory_space<vmem_shared>>) target_semaphore(%run_scoped3A : memref<!tpu.dma_semaphore, #tpu.memory_space<semaphore_mem>>)
      %dma_wait3A = arith.constant 0 : i32
      %dma_wait3A_67 = tpu.memref_slice %arg15[%add3A_10, %dma_wait3A] : memref<10112x128xf32, #tpu.memory_space<vmem_shared>> -> memref<80x128xf32, #tpu.memory_space<vmem_shared>>
      %dma_wait3A_68 = arith.constant 0 : i32
      %dma_wait3A_69 = tpu.memref_slice %arg15[%add3A_10, %dma_wait3A_68] : memref<10112x128xf32, #tpu.memory_space<vmem_shared>> -> memref<80x128xf32, #tpu.memory_space<vmem_shared>>
      tpu.wait_dma2 semaphore(%run_scoped3A : memref<!tpu.dma_semaphore, #tpu.memory_space<semaphore_mem>>) src(%arg14 : memref<80x128xf32, #tpu.memory_space<vmem>>) dst(%dma_wait3A_69 : memref<80x128xf32, #tpu.memory_space<vmem_shared>>)
      tpu.yield
    }) : () -> ()
    %add3A_11 = arith.constant 320 : i32
    %add3A_12 = arith.addi %mul3A_2, %add3A_11 : i32
    "tpu.region"() ({
      %run_scoped3A = tpu.sem_alloc : memref<!tpu.dma_semaphore, #tpu.memory_space<semaphore_mem>>
      %dma_start3A_63 = arith.constant 0 : i32
      %dma_start3A_64 = tpu.memref_slice %arg15[%add3A_12, %dma_start3A_63] : memref<10112x128xf32, #tpu.memory_space<vmem_shared>> -> memref<80x128xf32, #tpu.memory_space<vmem_shared>>
      %dma_start3A_65 = arith.constant 0 : i32
      %dma_start3A_66 = tpu.memref_slice %arg15[%add3A_12, %dma_start3A_65] : memref<10112x128xf32, #tpu.memory_space<vmem_shared>> -> memref<80x128xf32, #tpu.memory_space<vmem_shared>>
      tpu.enqueue_dma source(%arg14 : memref<80x128xf32, #tpu.memory_space<vmem>>) target(%dma_start3A_66 : memref<80x128xf32, #tpu.memory_space<vmem_shared>>) target_semaphore(%run_scoped3A : memref<!tpu.dma_semaphore, #tpu.memory_space<semaphore_mem>>)
      %dma_wait3A = arith.constant 0 : i32
      %dma_wait3A_67 = tpu.memref_slice %arg15[%add3A_12, %dma_wait3A] : memref<10112x128xf32, #tpu.memory_space<vmem_shared>> -> memref<80x128xf32, #tpu.memory_space<vmem_shared>>
      %dma_wait3A_68 = arith.constant 0 : i32
      %dma_wait3A_69 = tpu.memref_slice %arg15[%add3A_12, %dma_wait3A_68] : memref<10112x128xf32, #tpu.memory_space<vmem_shared>> -> memref<80x128xf32, #tpu.memory_space<vmem_shared>>
      tpu.wait_dma2 semaphore(%run_scoped3A : memref<!tpu.dma_semaphore, #tpu.memory_space<semaphore_mem>>) src(%arg14 : memref<80x128xf32, #tpu.memory_space<vmem>>) dst(%dma_wait3A_69 : memref<80x128xf32, #tpu.memory_space<vmem_shared>>)
      tpu.yield
    }) : () -> ()
    %add3A_13 = arith.constant 400 : i32
    %add3A_14 = arith.addi %mul3A_2, %add3A_13 : i32
    "tpu.region"() ({
      %run_scoped3A = tpu.sem_alloc : memref<!tpu.dma_semaphore, #tpu.memory_space<semaphore_mem>>
      %dma_start3A_63 = arith.constant 0 : i32
      %dma_start3A_64 = tpu.memref_slice %arg15[%add3A_14, %dma_start3A_63] : memref<10112x128xf32, #tpu.memory_space<vmem_shared>> -> memref<80x128xf32, #tpu.memory_space<vmem_shared>>
      %dma_start3A_65 = arith.constant 0 : i32
      %dma_start3A_66 = tpu.memref_slice %arg15[%add3A_14, %dma_start3A_65] : memref<10112x128xf32, #tpu.memory_space<vmem_shared>> -> memref<80x128xf32, #tpu.memory_space<vmem_shared>>
      tpu.enqueue_dma source(%arg14 : memref<80x128xf32, #tpu.memory_space<vmem>>) target(%dma_start3A_66 : memref<80x128xf32, #tpu.memory_space<vmem_shared>>) target_semaphore(%run_scoped3A : memref<!tpu.dma_semaphore, #tpu.memory_space<semaphore_mem>>)
      %dma_wait3A = arith.constant 0 : i32
      %dma_wait3A_67 = tpu.memref_slice %arg15[%add3A_14, %dma_wait3A] : memref<10112x128xf32, #tpu.memory_space<vmem_shared>> -> memref<80x128xf32, #tpu.memory_space<vmem_shared>>
      %dma_wait3A_68 = arith.constant 0 : i32
      %dma_wait3A_69 = tpu.memref_slice %arg15[%add3A_14, %dma_wait3A_68] : memref<10112x128xf32, #tpu.memory_space<vmem_shared>> -> memref<80x128xf32, #tpu.memory_space<vmem_shared>>
      tpu.wait_dma2 semaphore(%run_scoped3A : memref<!tpu.dma_semaphore, #tpu.memory_space<semaphore_mem>>) src(%arg14 : memref<80x128xf32, #tpu.memory_space<vmem>>) dst(%dma_wait3A_69 : memref<80x128xf32, #tpu.memory_space<vmem_shared>>)
      tpu.yield
    }) : () -> ()
    %add3A_15 = arith.constant 480 : i32
    %add3A_16 = arith.addi %mul3A_2, %add3A_15 : i32
    "tpu.region"() ({
      %run_scoped3A = tpu.sem_alloc : memref<!tpu.dma_semaphore, #tpu.memory_space<semaphore_mem>>
      %dma_start3A_63 = arith.constant 0 : i32
      %dma_start3A_64 = tpu.memref_slice %arg15[%add3A_16, %dma_start3A_63] : memref<10112x128xf32, #tpu.memory_space<vmem_shared>> -> memref<80x128xf32, #tpu.memory_space<vmem_shared>>
      %dma_start3A_65 = arith.constant 0 : i32
      %dma_start3A_66 = tpu.memref_slice %arg15[%add3A_16, %dma_start3A_65] : memref<10112x128xf32, #tpu.memory_space<vmem_shared>> -> memref<80x128xf32, #tpu.memory_space<vmem_shared>>
      tpu.enqueue_dma source(%arg14 : memref<80x128xf32, #tpu.memory_space<vmem>>) target(%dma_start3A_66 : memref<80x128xf32, #tpu.memory_space<vmem_shared>>) target_semaphore(%run_scoped3A : memref<!tpu.dma_semaphore, #tpu.memory_space<semaphore_mem>>)
      %dma_wait3A = arith.constant 0 : i32
      %dma_wait3A_67 = tpu.memref_slice %arg15[%add3A_16, %dma_wait3A] : memref<10112x128xf32, #tpu.memory_space<vmem_shared>> -> memref<80x128xf32, #tpu.memory_space<vmem_shared>>
      %dma_wait3A_68 = arith.constant 0 : i32
      %dma_wait3A_69 = tpu.memref_slice %arg15[%add3A_16, %dma_wait3A_68] : memref<10112x128xf32, #tpu.memory_space<vmem_shared>> -> memref<80x128xf32, #tpu.memory_space<vmem_shared>>
      tpu.wait_dma2 semaphore(%run_scoped3A : memref<!tpu.dma_semaphore, #tpu.memory_space<semaphore_mem>>) src(%arg14 : memref<80x128xf32, #tpu.memory_space<vmem>>) dst(%dma_wait3A_69 : memref<80x128xf32, #tpu.memory_space<vmem_shared>>)
      tpu.yield
    }) : () -> ()
    %add3A_17 = arith.constant 560 : i32
    %add3A_18 = arith.addi %mul3A_2, %add3A_17 : i32
    "tpu.region"() ({
      %run_scoped3A = tpu.sem_alloc : memref<!tpu.dma_semaphore, #tpu.memory_space<semaphore_mem>>
      %dma_start3A_63 = arith.constant 0 : i32
      %dma_start3A_64 = arith.constant 0 : i32
      %dma_start3A_65 = tpu.memref_slice %arg14[%dma_start3A_63, %dma_start3A_64] : memref<80x128xf32, #tpu.memory_space<vmem>> -> memref<72x128xf32, #tpu.memory_space<vmem>>
      %dma_start3A_66 = arith.constant 0 : i32
      %dma_start3A_67 = tpu.memref_slice %arg15[%add3A_18, %dma_start3A_66] : memref<10112x128xf32, #tpu.memory_space<vmem_shared>> -> memref<72x128xf32, #tpu.memory_space<vmem_shared>>
      %dma_start3A_68 = arith.constant 0 : i32
      %dma_start3A_69 = tpu.memref_slice %arg15[%add3A_18, %dma_start3A_68] : memref<10112x128xf32, #tpu.memory_space<vmem_shared>> -> memref<72x128xf32, #tpu.memory_space<vmem_shared>>
      %dma_start3A_70 = arith.constant 0 : i32
      %dma_start3A_71 = arith.constant 0 : i32
      %dma_start3A_72 = tpu.memref_slice %arg14[%dma_start3A_70, %dma_start3A_71] : memref<80x128xf32, #tpu.memory_space<vmem>> -> memref<72x128xf32, #tpu.memory_space<vmem>>
      tpu.enqueue_dma source(%dma_start3A_72 : memref<72x128xf32, #tpu.memory_space<vmem>>) target(%dma_start3A_69 : memref<72x128xf32, #tpu.memory_space<vmem_shared>>) target_semaphore(%run_scoped3A : memref<!tpu.dma_semaphore, #tpu.memory_space<semaphore_mem>>)
      %dma_wait3A = arith.constant 0 : i32
      %dma_wait3A_73 = arith.constant 0 : i32
      %dma_wait3A_74 = tpu.memref_slice %arg14[%dma_wait3A, %dma_wait3A_73] : memref<80x128xf32, #tpu.memory_space<vmem>> -> memref<72x128xf32, #tpu.memory_space<vmem>>
      %dma_wait3A_75 = arith.constant 0 : i32
      %dma_wait3A_76 = tpu.memref_slice %arg15[%add3A_18, %dma_wait3A_75] : memref<10112x128xf32, #tpu.memory_space<vmem_shared>> -> memref<72x128xf32, #tpu.memory_space<vmem_shared>>
      %dma_wait3A_77 = arith.constant 0 : i32
      %dma_wait3A_78 = tpu.memref_slice %arg15[%add3A_18, %dma_wait3A_77] : memref<10112x128xf32, #tpu.memory_space<vmem_shared>> -> memref<72x128xf32, #tpu.memory_space<vmem_shared>>
      %dma_wait3A_79 = arith.constant 0 : i32
      %dma_wait3A_80 = arith.constant 0 : i32
      %dma_wait3A_81 = tpu.memref_slice %arg14[%dma_wait3A_79, %dma_wait3A_80] : memref<80x128xf32, #tpu.memory_space<vmem>> -> memref<72x128xf32, #tpu.memory_space<vmem>>
      tpu.wait_dma2 semaphore(%run_scoped3A : memref<!tpu.dma_semaphore, #tpu.memory_space<semaphore_mem>>) src(%dma_wait3A_81 : memref<72x128xf32, #tpu.memory_space<vmem>>) dst(%dma_wait3A_78 : memref<72x128xf32, #tpu.memory_space<vmem_shared>>)
      tpu.yield
    }) : () -> ()
    %barrier3A = arith.constant 0 : index
    tpu.barrier barrier_id(%barrier3A)
    %mul3A_19 = arith.constant 10000 : i32
    %mul3A_20 = arith.muli %add3A, %mul3A_19 : i32
    %add3A_21 = arith.constant 0 : i32
    %add3A_22 = arith.addi %mul3A_20, %add3A_21 : i32
    "tpu.region"() ({
      %run_scoped3A = tpu.sem_alloc : memref<!tpu.dma_semaphore, #tpu.memory_space<semaphore_mem>>
      %dma_start3A_63 = tpu.memref_slice %arg3[%add3A_22] : memref<320000xi32, #tpu.memory_space<hbm>> -> memref<80xi32, #tpu.memory_space<hbm>>
      %dma_start3A_64 = tpu.memref_slice %arg3[%add3A_22] : memref<320000xi32, #tpu.memory_space<hbm>> -> memref<80xi32, #tpu.memory_space<hbm>>
      tpu.enqueue_dma source(%dma_start3A_64 : memref<80xi32, #tpu.memory_space<hbm>>) target(%arg7 : memref<80xi32, #tpu.memory_space<vmem>>) target_semaphore(%run_scoped3A : memref<!tpu.dma_semaphore, #tpu.memory_space<semaphore_mem>>)
      %dma_wait3A = tpu.memref_slice %arg3[%add3A_22] : memref<320000xi32, #tpu.memory_space<hbm>> -> memref<80xi32, #tpu.memory_space<hbm>>
      %dma_wait3A_65 = tpu.memref_slice %arg3[%add3A_22] : memref<320000xi32, #tpu.memory_space<hbm>> -> memref<80xi32, #tpu.memory_space<hbm>>
      tpu.wait_dma2 semaphore(%run_scoped3A : memref<!tpu.dma_semaphore, #tpu.memory_space<semaphore_mem>>) src(%dma_wait3A_65 : memref<80xi32, #tpu.memory_space<hbm>>) dst(%arg7 : memref<80xi32, #tpu.memory_space<vmem>>)
      tpu.yield
    }) : () -> ()
    %mul3A_23 = arith.constant 10000 : i32
    %mul3A_24 = arith.muli %add3A, %mul3A_23 : i32
    %add3A_25 = arith.constant 0 : i32
    %add3A_26 = arith.addi %mul3A_24, %add3A_25 : i32
    "tpu.region"() ({
      %run_scoped3A = tpu.sem_alloc : memref<!tpu.dma_semaphore, #tpu.memory_space<semaphore_mem>>
      %dma_start3A_63 = tpu.memref_slice %arg4[%add3A_26] : memref<320000xi32, #tpu.memory_space<hbm>> -> memref<80xi32, #tpu.memory_space<hbm>>
      %dma_start3A_64 = tpu.memref_slice %arg4[%add3A_26] : memref<320000xi32, #tpu.memory_space<hbm>> -> memref<80xi32, #tpu.memory_space<hbm>>
      tpu.enqueue_dma source(%dma_start3A_64 : memref<80xi32, #tpu.memory_space<hbm>>) target(%arg10 : memref<80xi32, #tpu.memory_space<vmem>>) target_semaphore(%run_scoped3A : memref<!tpu.dma_semaphore, #tpu.memory_space<semaphore_mem>>)
      %dma_wait3A = tpu.memref_slice %arg4[%add3A_26] : memref<320000xi32, #tpu.memory_space<hbm>> -> memref<80xi32, #tpu.memory_space<hbm>>
      %dma_wait3A_65 = tpu.memref_slice %arg4[%add3A_26] : memref<320000xi32, #tpu.memory_space<hbm>> -> memref<80xi32, #tpu.memory_space<hbm>>
      tpu.wait_dma2 semaphore(%run_scoped3A : memref<!tpu.dma_semaphore, #tpu.memory_space<semaphore_mem>>) src(%dma_wait3A_65 : memref<80xi32, #tpu.memory_space<hbm>>) dst(%arg10 : memref<80xi32, #tpu.memory_space<vmem>>)
      tpu.yield
    }) : () -> ()
    %mul3A_27 = arith.constant 10000 : i32
    %mul3A_28 = arith.muli %add3A, %mul3A_27 : i32
    %add3A_29 = arith.constant 80 : i32
    %add3A_30 = arith.addi %mul3A_28, %add3A_29 : i32
    %dma_start3A = tpu.memref_slice %arg3[%add3A_30] : memref<320000xi32, #tpu.memory_space<hbm>> -> memref<80xi32, #tpu.memory_space<hbm>>
    %dma_start3A_31 = tpu.memref_slice %arg3[%add3A_30] : memref<320000xi32, #tpu.memory_space<hbm>> -> memref<80xi32, #tpu.memory_space<hbm>>
    tpu.enqueue_dma source(%dma_start3A_31 : memref<80xi32, #tpu.memory_space<hbm>>) target(%arg8 : memref<80xi32, #tpu.memory_space<vmem>>) target_semaphore(%arg19 : memref<!tpu.dma_semaphore, #tpu.memory_space<semaphore_mem>>)
    %mul3A_32 = arith.constant 10000 : i32
    %mul3A_33 = arith.muli %add3A, %mul3A_32 : i32
    %add3A_34 = arith.constant 80 : i32
    %add3A_35 = arith.addi %mul3A_33, %add3A_34 : i32
    %dma_start3A_36 = tpu.memref_slice %arg4[%add3A_35] : memref<320000xi32, #tpu.memory_space<hbm>> -> memref<80xi32, #tpu.memory_space<hbm>>
    %dma_start3A_37 = tpu.memref_slice %arg4[%add3A_35] : memref<320000xi32, #tpu.memory_space<hbm>> -> memref<80xi32, #tpu.memory_space<hbm>>
    tpu.enqueue_dma source(%dma_start3A_37 : memref<80xi32, #tpu.memory_space<hbm>>) target(%arg11 : memref<80xi32, #tpu.memory_space<vmem>>) target_semaphore(%arg19 : memref<!tpu.dma_semaphore, #tpu.memory_space<semaphore_mem>>)
    %mul3A_38 = arith.constant 10000 : i32
    %mul3A_39 = arith.muli %add3A, %mul3A_38 : i32
    %add3A_40 = arith.constant 160 : i32
    %add3A_41 = arith.addi %mul3A_39, %add3A_40 : i32
    %dma_start3A_42 = tpu.memref_slice %arg3[%add3A_41] : memref<320000xi32, #tpu.memory_space<hbm>> -> memref<80xi32, #tpu.memory_space<hbm>>
    %dma_start3A_43 = tpu.memref_slice %arg3[%add3A_41] : memref<320000xi32, #tpu.memory_space<hbm>> -> memref<80xi32, #tpu.memory_space<hbm>>
    tpu.enqueue_dma source(%dma_start3A_43 : memref<80xi32, #tpu.memory_space<hbm>>) target(%arg9 : memref<80xi32, #tpu.memory_space<vmem>>) target_semaphore(%arg20 : memref<!tpu.dma_semaphore, #tpu.memory_space<semaphore_mem>>)
    %mul3A_44 = arith.constant 10000 : i32
    %mul3A_45 = arith.muli %add3A, %mul3A_44 : i32
    %add3A_46 = arith.constant 160 : i32
    %add3A_47 = arith.addi %mul3A_45, %add3A_46 : i32
    %dma_start3A_48 = tpu.memref_slice %arg4[%add3A_47] : memref<320000xi32, #tpu.memory_space<hbm>> -> memref<80xi32, #tpu.memory_space<hbm>>
    %dma_start3A_49 = tpu.memref_slice %arg4[%add3A_47] : memref<320000xi32, #tpu.memory_space<hbm>> -> memref<80xi32, #tpu.memory_space<hbm>>
    tpu.enqueue_dma source(%dma_start3A_49 : memref<80xi32, #tpu.memory_space<hbm>>) target(%arg12 : memref<80xi32, #tpu.memory_space<vmem>>) target_semaphore(%arg20 : memref<!tpu.dma_semaphore, #tpu.memory_space<semaphore_mem>>)
    %dma_start3A_50 = arith.constant 0 : i32
    %dma_start3A_51 = arith.constant 0 : i32
    %dma_start3A_52 = tpu.memref_slice %arg2[%dma_start3A_50, %dma_start3A_51] : memref<10000x128xf32, #tpu.memory_space<hbm>> -> memref<10000x128xf32, #tpu.memory_space<hbm>>
    tpu.enqueue_indirect_dma source(%dma_start3A_52 : memref<10000x128xf32, #tpu.memory_space<hbm>>) target(%arg13 : memref<80x128xf32, #tpu.memory_space<vmem>>) offsets(%arg7 : memref<80xi32, #tpu.memory_space<vmem>>) semaphore(%arg16 : memref<!tpu.dma_semaphore, #tpu.memory_space<semaphore_mem>>)
    %scan3A = arith.constant 0 : i32
    %scan3A_53 = arith.constant 0 : i32
    %scan3A_54 = arith.constant 21 : i32
    %scan3A_55 = arith.addi %scan3A_53, %scan3A_54 : i32
    %scan3A_56 = arith.constant 1 : i32
    scf.for %scan3A_63 = %scan3A_53 to %scan3A_55 step %scan3A_56  : i32 {
      %mul3A_64 = arith.constant 6 : i32
      %mul3A_65 = arith.muli %mul3A_64, %scan3A_63 : i32
      %add3A_66 = arith.constant 0 : i32
      %add3A_67 = arith.addi %mul3A_65, %add3A_66 : i32
      %lt3A = arith.constant 125 : i32
      %lt3A_68 = arith.cmpi slt, %add3A_67, %lt3A : i32
      %convert_element_type3A = arith.extui %lt3A_68 : i1 to i32
      %cond3A = arith.constant 0 : i32
      %cond3A_69 = arith.cmpi ne, %convert_element_type3A, %cond3A : i32
      scf.if %cond3A_69 {
        %add3A_105 = arith.constant 1 : i32
        %add3A_106 = arith.addi %add3A_67, %add3A_105 : i32
        %lt3A_107 = arith.constant 125 : i32
        %lt3A_108 = arith.cmpi slt, %add3A_106, %lt3A_107 : i32
        %convert_element_type3A_109 = arith.extui %lt3A_108 : i1 to i32
        %cond3A_110 = arith.constant 0 : i32
        %cond3A_111 = arith.cmpi ne, %convert_element_type3A_109, %cond3A_110 : i32
        scf.if %cond3A_111 {
          %dma_wait3A_124 = arith.constant 0 : i32
          %dma_wait3A_125 = tpu.memref_slice %arg3[%dma_wait3A_124] : memref<320000xi32, #tpu.memory_space<hbm>> -> memref<80xi32, #tpu.memory_space<hbm>>
          %dma_wait3A_126 = arith.constant 0 : i32
          %dma_wait3A_127 = tpu.memref_slice %arg3[%dma_wait3A_126] : memref<320000xi32, #tpu.memory_space<hbm>> -> memref<80xi32, #tpu.memory_space<hbm>>
          tpu.wait_dma2 semaphore(%arg19 : memref<!tpu.dma_semaphore, #tpu.memory_space<semaphore_mem>>) src(%dma_wait3A_127 : memref<80xi32, #tpu.memory_space<hbm>>) dst(%arg8 : memref<80xi32, #tpu.memory_space<vmem>>)
          %dma_wait3A_128 = arith.constant 0 : i32
          %dma_wait3A_129 = tpu.memref_slice %arg4[%dma_wait3A_128] : memref<320000xi32, #tpu.memory_space<hbm>> -> memref<80xi32, #tpu.memory_space<hbm>>
          %dma_wait3A_130 = arith.constant 0 : i32
          %dma_wait3A_131 = tpu.memref_slice %arg4[%dma_wait3A_130] : memref<320000xi32, #tpu.memory_space<hbm>> -> memref<80xi32, #tpu.memory_space<hbm>>
          tpu.wait_dma2 semaphore(%arg19 : memref<!tpu.dma_semaphore, #tpu.memory_space<semaphore_mem>>) src(%dma_wait3A_131 : memref<80xi32, #tpu.memory_space<hbm>>) dst(%arg11 : memref<80xi32, #tpu.memory_space<vmem>>)
          %dma_start3A_132 = arith.constant 0 : i32
          %dma_start3A_133 = arith.constant 0 : i32
          %dma_start3A_134 = tpu.memref_slice %arg2[%dma_start3A_132, %dma_start3A_133] : memref<10000x128xf32, #tpu.memory_space<hbm>> -> memref<10000x128xf32, #tpu.memory_space<hbm>>
          tpu.enqueue_indirect_dma source(%dma_start3A_134 : memref<10000x128xf32, #tpu.memory_space<hbm>>) target(%arg14 : memref<80x128xf32, #tpu.memory_space<vmem>>) offsets(%arg8 : memref<80xi32, #tpu.memory_space<vmem>>) semaphore(%arg17 : memref<!tpu.dma_semaphore, #tpu.memory_space<semaphore_mem>>)
        } else {
        }
        %dma_wait3A = arith.constant 0 : i32
        %dma_wait3A_112 = arith.constant 0 : i32
        %dma_wait3A_113 = tpu.memref_slice %arg2[%dma_wait3A, %dma_wait3A_112] : memref<10000x128xf32, #tpu.memory_space<hbm>> -> memref<80x128xf32, #tpu.memory_space<hbm>>
        %dma_wait3A_114 = arith.constant 0 : i32
        %dma_wait3A_115 = arith.constant 0 : i32
        %dma_wait3A_116 = tpu.memref_slice %arg2[%dma_wait3A_114, %dma_wait3A_115] : memref<10000x128xf32, #tpu.memory_space<hbm>> -> memref<80x128xf32, #tpu.memory_space<hbm>>
        tpu.wait_dma2 semaphore(%arg16 : memref<!tpu.dma_semaphore, #tpu.memory_space<semaphore_mem>>) src(%dma_wait3A_116 : memref<80x128xf32, #tpu.memory_space<hbm>>) dst(%arg13 : memref<80x128xf32, #tpu.memory_space<vmem>>)
        "tpu.region"() ({
          %run_scoped3A = tpu.sem_alloc : memref<!tpu.dma_semaphore, #tpu.memory_space<semaphore_mem>>
          %dma_start3A_124 = arith.constant 0 : i32
          %dma_start3A_125 = arith.constant 0 : i32
          %dma_start3A_126 = tpu.memref_slice %arg15[%dma_start3A_124, %dma_start3A_125] : memref<10112x128xf32, #tpu.memory_space<vmem_shared>> -> memref<10112x128xf32, #tpu.memory_space<vmem_shared>>
          tpu.enqueue_indirect_dma source(%arg13 : memref<80x128xf32, #tpu.memory_space<vmem>>) target(%dma_start3A_126 : memref<10112x128xf32, #tpu.memory_space<vmem_shared>>) offsets(%arg10 : memref<80xi32, #tpu.memory_space<vmem>>) semaphore(%run_scoped3A : memref<!tpu.dma_semaphore, #tpu.memory_space<semaphore_mem>>) {add = true}
          %dma_wait3A_127 = arith.constant 0 : i32
          %dma_wait3A_128 = arith.constant 0 : i32
          %dma_wait3A_129 = tpu.memref_slice %arg15[%dma_wait3A_127, %dma_wait3A_128] : memref<10112x128xf32, #tpu.memory_space<vmem_shared>> -> memref<10112x128xf32, #tpu.memory_space<vmem_shared>>
          tpu.wait_indirect_dma semaphore(%run_scoped3A : memref<!tpu.dma_semaphore, #tpu.memory_space<semaphore_mem>>) src(%arg13 : memref<80x128xf32, #tpu.memory_space<vmem>>) dst(%dma_wait3A_129 : memref<10112x128xf32, #tpu.memory_space<vmem_shared>>)
          tpu.yield
        }) : () -> ()
        %add3A_117 = arith.constant 3 : i32
        %add3A_118 = arith.addi %add3A_67, %add3A_117 : i32
        %lt3A_119 = arith.constant 125 : i32
        %lt3A_120 = arith.cmpi slt, %add3A_118, %lt3A_119 : i32
        %convert_element_type3A_121 = arith.extui %lt3A_120 : i1 to i32
        %cond3A_122 = arith.constant 0 : i32
        %cond3A_123 = arith.cmpi ne, %convert_element_type3A_121, %cond3A_122 : i32
        scf.if %cond3A_123 {
          %add3A_124 = arith.constant 3 : i32
          %add3A_125 = arith.addi %add3A_67, %add3A_124 : i32
          %mul3A_126 = arith.constant 10000 : i32
          %mul3A_127 = arith.muli %add3A, %mul3A_126 : i32
          %mul3A_128 = arith.constant 80 : i32
          %mul3A_129 = arith.muli %add3A_125, %mul3A_128 : i32
          %add3A_130 = arith.addi %mul3A_127, %mul3A_129 : i32
          %dma_start3A_131 = tpu.memref_slice %arg3[%add3A_130] : memref<320000xi32, #tpu.memory_space<hbm>> -> memref<80xi32, #tpu.memory_space<hbm>>
          %dma_start3A_132 = tpu.memref_slice %arg3[%add3A_130] : memref<320000xi32, #tpu.memory_space<hbm>> -> memref<80xi32, #tpu.memory_space<hbm>>
          tpu.enqueue_dma source(%dma_start3A_132 : memref<80xi32, #tpu.memory_space<hbm>>) target(%arg7 : memref<80xi32, #tpu.memory_space<vmem>>) target_semaphore(%arg18 : memref<!tpu.dma_semaphore, #tpu.memory_space<semaphore_mem>>)
          %mul3A_133 = arith.constant 10000 : i32
          %mul3A_134 = arith.muli %add3A, %mul3A_133 : i32
          %mul3A_135 = arith.constant 80 : i32
          %mul3A_136 = arith.muli %add3A_125, %mul3A_135 : i32
          %add3A_137 = arith.addi %mul3A_134, %mul3A_136 : i32
          %dma_start3A_138 = tpu.memref_slice %arg4[%add3A_137] : memref<320000xi32, #tpu.memory_space<hbm>> -> memref<80xi32, #tpu.memory_space<hbm>>
          %dma_start3A_139 = tpu.memref_slice %arg4[%add3A_137] : memref<320000xi32, #tpu.memory_space<hbm>> -> memref<80xi32, #tpu.memory_space<hbm>>
          tpu.enqueue_dma source(%dma_start3A_139 : memref<80xi32, #tpu.memory_space<hbm>>) target(%arg10 : memref<80xi32, #tpu.memory_space<vmem>>) target_semaphore(%arg18 : memref<!tpu.dma_semaphore, #tpu.memory_space<semaphore_mem>>)
        } else {
        }
      } else {
      }
      %add3A_70 = arith.constant 1 : i32
      %add3A_71 = arith.addi %mul3A_65, %add3A_70 : i32
      %lt3A_72 = arith.constant 125 : i32
      %lt3A_73 = arith.cmpi slt, %add3A_71, %lt3A_72 : i32
      %convert_element_type3A_74 = arith.extui %lt3A_73 : i1 to i32
      %cond3A_75 = arith.constant 0 : i32
      %cond3A_76 = arith.cmpi ne, %convert_element_type3A_74, %cond3A_75 : i32
      scf.if %cond3A_76 {
        %add3A_105 = arith.constant 1 : i32
        %add3A_106 = arith.addi %add3A_71, %add3A_105 : i32
        %lt3A_107 = arith.constant 125 : i32
        %lt3A_108 = arith.cmpi slt, %add3A_106, %lt3A_107 : i32
        %convert_element_type3A_109 = arith.extui %lt3A_108 : i1 to i32
        %cond3A_110 = arith.constant 0 : i32
        %cond3A_111 = arith.cmpi ne, %convert_element_type3A_109, %cond3A_110 : i32
        scf.if %cond3A_111 {
          %dma_wait3A_124 = arith.constant 0 : i32
          %dma_wait3A_125 = tpu.memref_slice %arg3[%dma_wait3A_124] : memref<320000xi32, #tpu.memory_space<hbm>> -> memref<80xi32, #tpu.memory_space<hbm>>
          %dma_wait3A_126 = arith.constant 0 : i32
          %dma_wait3A_127 = tpu.memref_slice %arg3[%dma_wait3A_126] : memref<320000xi32, #tpu.memory_space<hbm>> -> memref<80xi32, #tpu.memory_space<hbm>>
          tpu.wait_dma2 semaphore(%arg20 : memref<!tpu.dma_semaphore, #tpu.memory_space<semaphore_mem>>) src(%dma_wait3A_127 : memref<80xi32, #tpu.memory_space<hbm>>) dst(%arg9 : memref<80xi32, #tpu.memory_space<vmem>>)
          %dma_wait3A_128 = arith.constant 0 : i32
          %dma_wait3A_129 = tpu.memref_slice %arg4[%dma_wait3A_128] : memref<320000xi32, #tpu.memory_space<hbm>> -> memref<80xi32, #tpu.memory_space<hbm>>
          %dma_wait3A_130 = arith.constant 0 : i32
          %dma_wait3A_131 = tpu.memref_slice %arg4[%dma_wait3A_130] : memref<320000xi32, #tpu.memory_space<hbm>> -> memref<80xi32, #tpu.memory_space<hbm>>
          tpu.wait_dma2 semaphore(%arg20 : memref<!tpu.dma_semaphore, #tpu.memory_space<semaphore_mem>>) src(%dma_wait3A_131 : memref<80xi32, #tpu.memory_space<hbm>>) dst(%arg12 : memref<80xi32, #tpu.memory_space<vmem>>)
          %dma_start3A_132 = arith.constant 0 : i32
          %dma_start3A_133 = arith.constant 0 : i32
          %dma_start3A_134 = tpu.memref_slice %arg2[%dma_start3A_132, %dma_start3A_133] : memref<10000x128xf32, #tpu.memory_space<hbm>> -> memref<10000x128xf32, #tpu.memory_space<hbm>>
          tpu.enqueue_indirect_dma source(%dma_start3A_134 : memref<10000x128xf32, #tpu.memory_space<hbm>>) target(%arg13 : memref<80x128xf32, #tpu.memory_space<vmem>>) offsets(%arg9 : memref<80xi32, #tpu.memory_space<vmem>>) semaphore(%arg16 : memref<!tpu.dma_semaphore, #tpu.memory_space<semaphore_mem>>)
        } else {
        }
        %dma_wait3A = arith.constant 0 : i32
        %dma_wait3A_112 = arith.constant 0 : i32
        %dma_wait3A_113 = tpu.memref_slice %arg2[%dma_wait3A, %dma_wait3A_112] : memref<10000x128xf32, #tpu.memory_space<hbm>> -> memref<80x128xf32, #tpu.memory_space<hbm>>
        %dma_wait3A_114 = arith.constant 0 : i32
        %dma_wait3A_115 = arith.constant 0 : i32
        %dma_wait3A_116 = tpu.memref_slice %arg2[%dma_wait3A_114, %dma_wait3A_115] : memref<10000x128xf32, #tpu.memory_space<hbm>> -> memref<80x128xf32, #tpu.memory_space<hbm>>
        tpu.wait_dma2 semaphore(%arg17 : memref<!tpu.dma_semaphore, #tpu.memory_space<semaphore_mem>>) src(%dma_wait3A_116 : memref<80x128xf32, #tpu.memory_space<hbm>>) dst(%arg14 : memref<80x128xf32, #tpu.memory_space<vmem>>)
        "tpu.region"() ({
          %run_scoped3A = tpu.sem_alloc : memref<!tpu.dma_semaphore, #tpu.memory_space<semaphore_mem>>
          %dma_start3A_124 = arith.constant 0 : i32
          %dma_start3A_125 = arith.constant 0 : i32
          %dma_start3A_126 = tpu.memref_slice %arg15[%dma_start3A_124, %dma_start3A_125] : memref<10112x128xf32, #tpu.memory_space<vmem_shared>> -> memref<10112x128xf32, #tpu.memory_space<vmem_shared>>
          tpu.enqueue_indirect_dma source(%arg14 : memref<80x128xf32, #tpu.memory_space<vmem>>) target(%dma_start3A_126 : memref<10112x128xf32, #tpu.memory_space<vmem_shared>>) offsets(%arg11 : memref<80xi32, #tpu.memory_space<vmem>>) semaphore(%run_scoped3A : memref<!tpu.dma_semaphore, #tpu.memory_space<semaphore_mem>>) {add = true}
          %dma_wait3A_127 = arith.constant 0 : i32
          %dma_wait3A_128 = arith.constant 0 : i32
          %dma_wait3A_129 = tpu.memref_slice %arg15[%dma_wait3A_127, %dma_wait3A_128] : memref<10112x128xf32, #tpu.memory_space<vmem_shared>> -> memref<10112x128xf32, #tpu.memory_space<vmem_shared>>
          tpu.wait_indirect_dma semaphore(%run_scoped3A : memref<!tpu.dma_semaphore, #tpu.memory_space<semaphore_mem>>) src(%arg14 : memref<80x128xf32, #tpu.memory_space<vmem>>) dst(%dma_wait3A_129 : memref<10112x128xf32, #tpu.memory_space<vmem_shared>>)
          tpu.yield
        }) : () -> ()
        %add3A_117 = arith.constant 3 : i32
        %add3A_118 = arith.addi %add3A_71, %add3A_117 : i32
        %lt3A_119 = arith.constant 125 : i32
        %lt3A_120 = arith.cmpi slt, %add3A_118, %lt3A_119 : i32
        %convert_element_type3A_121 = arith.extui %lt3A_120 : i1 to i32
        %cond3A_122 = arith.constant 0 : i32
        %cond3A_123 = arith.cmpi ne, %convert_element_type3A_121, %cond3A_122 : i32
        scf.if %cond3A_123 {
          %add3A_124 = arith.constant 3 : i32
          %add3A_125 = arith.addi %add3A_71, %add3A_124 : i32
          %mul3A_126 = arith.constant 10000 : i32
          %mul3A_127 = arith.muli %add3A, %mul3A_126 : i32
          %mul3A_128 = arith.constant 80 : i32
          %mul3A_129 = arith.muli %add3A_125, %mul3A_128 : i32
          %add3A_130 = arith.addi %mul3A_127, %mul3A_129 : i32
          %dma_start3A_131 = tpu.memref_slice %arg3[%add3A_130] : memref<320000xi32, #tpu.memory_space<hbm>> -> memref<80xi32, #tpu.memory_space<hbm>>
          %dma_start3A_132 = tpu.memref_slice %arg3[%add3A_130] : memref<320000xi32, #tpu.memory_space<hbm>> -> memref<80xi32, #tpu.memory_space<hbm>>
          tpu.enqueue_dma source(%dma_start3A_132 : memref<80xi32, #tpu.memory_space<hbm>>) target(%arg8 : memref<80xi32, #tpu.memory_space<vmem>>) target_semaphore(%arg19 : memref<!tpu.dma_semaphore, #tpu.memory_space<semaphore_mem>>)
          %mul3A_133 = arith.constant 10000 : i32
          %mul3A_134 = arith.muli %add3A, %mul3A_133 : i32
          %mul3A_135 = arith.constant 80 : i32
          %mul3A_136 = arith.muli %add3A_125, %mul3A_135 : i32
          %add3A_137 = arith.addi %mul3A_134, %mul3A_136 : i32
          %dma_start3A_138 = tpu.memref_slice %arg4[%add3A_137] : memref<320000xi32, #tpu.memory_space<hbm>> -> memref<80xi32, #tpu.memory_space<hbm>>
          %dma_start3A_139 = tpu.memref_slice %arg4[%add3A_137] : memref<320000xi32, #tpu.memory_space<hbm>> -> memref<80xi32, #tpu.memory_space<hbm>>
          tpu.enqueue_dma source(%dma_start3A_139 : memref<80xi32, #tpu.memory_space<hbm>>) target(%arg11 : memref<80xi32, #tpu.memory_space<vmem>>) target_semaphore(%arg19 : memref<!tpu.dma_semaphore, #tpu.memory_space<semaphore_mem>>)
        } else {
        }
      } else {
      }
      %add3A_77 = arith.constant 2 : i32
      %add3A_78 = arith.addi %mul3A_65, %add3A_77 : i32
      %lt3A_79 = arith.constant 125 : i32
      %lt3A_80 = arith.cmpi slt, %add3A_78, %lt3A_79 : i32
      %convert_element_type3A_81 = arith.extui %lt3A_80 : i1 to i32
      %cond3A_82 = arith.constant 0 : i32
      %cond3A_83 = arith.cmpi ne, %convert_element_type3A_81, %cond3A_82 : i32
      scf.if %cond3A_83 {
        %add3A_105 = arith.constant 1 : i32
        %add3A_106 = arith.addi %add3A_78, %add3A_105 : i32
        %lt3A_107 = arith.constant 125 : i32
        %lt3A_108 = arith.cmpi slt, %add3A_106, %lt3A_107 : i32
        %convert_element_type3A_109 = arith.extui %lt3A_108 : i1 to i32
        %cond3A_110 = arith.constant 0 : i32
        %cond3A_111 = arith.cmpi ne, %convert_element_type3A_109, %cond3A_110 : i32
        scf.if %cond3A_111 {
          %dma_wait3A_124 = arith.constant 0 : i32
          %dma_wait3A_125 = tpu.memref_slice %arg3[%dma_wait3A_124] : memref<320000xi32, #tpu.memory_space<hbm>> -> memref<80xi32, #tpu.memory_space<hbm>>
          %dma_wait3A_126 = arith.constant 0 : i32
          %dma_wait3A_127 = tpu.memref_slice %arg3[%dma_wait3A_126] : memref<320000xi32, #tpu.memory_space<hbm>> -> memref<80xi32, #tpu.memory_space<hbm>>
          tpu.wait_dma2 semaphore(%arg18 : memref<!tpu.dma_semaphore, #tpu.memory_space<semaphore_mem>>) src(%dma_wait3A_127 : memref<80xi32, #tpu.memory_space<hbm>>) dst(%arg7 : memref<80xi32, #tpu.memory_space<vmem>>)
          %dma_wait3A_128 = arith.constant 0 : i32
          %dma_wait3A_129 = tpu.memref_slice %arg4[%dma_wait3A_128] : memref<320000xi32, #tpu.memory_space<hbm>> -> memref<80xi32, #tpu.memory_space<hbm>>
          %dma_wait3A_130 = arith.constant 0 : i32
          %dma_wait3A_131 = tpu.memref_slice %arg4[%dma_wait3A_130] : memref<320000xi32, #tpu.memory_space<hbm>> -> memref<80xi32, #tpu.memory_space<hbm>>
          tpu.wait_dma2 semaphore(%arg18 : memref<!tpu.dma_semaphore, #tpu.memory_space<semaphore_mem>>) src(%dma_wait3A_131 : memref<80xi32, #tpu.memory_space<hbm>>) dst(%arg10 : memref<80xi32, #tpu.memory_space<vmem>>)
          %dma_start3A_132 = arith.constant 0 : i32
          %dma_start3A_133 = arith.constant 0 : i32
          %dma_start3A_134 = tpu.memref_slice %arg2[%dma_start3A_132, %dma_start3A_133] : memref<10000x128xf32, #tpu.memory_space<hbm>> -> memref<10000x128xf32, #tpu.memory_space<hbm>>
          tpu.enqueue_indirect_dma source(%dma_start3A_134 : memref<10000x128xf32, #tpu.memory_space<hbm>>) target(%arg14 : memref<80x128xf32, #tpu.memory_space<vmem>>) offsets(%arg7 : memref<80xi32, #tpu.memory_space<vmem>>) semaphore(%arg17 : memref<!tpu.dma_semaphore, #tpu.memory_space<semaphore_mem>>)
        } else {
        }
        %dma_wait3A = arith.constant 0 : i32
        %dma_wait3A_112 = arith.constant 0 : i32
        %dma_wait3A_113 = tpu.memref_slice %arg2[%dma_wait3A, %dma_wait3A_112] : memref<10000x128xf32, #tpu.memory_space<hbm>> -> memref<80x128xf32, #tpu.memory_space<hbm>>
        %dma_wait3A_114 = arith.constant 0 : i32
        %dma_wait3A_115 = arith.constant 0 : i32
        %dma_wait3A_116 = tpu.memref_slice %arg2[%dma_wait3A_114, %dma_wait3A_115] : memref<10000x128xf32, #tpu.memory_space<hbm>> -> memref<80x128xf32, #tpu.memory_space<hbm>>
        tpu.wait_dma2 semaphore(%arg16 : memref<!tpu.dma_semaphore, #tpu.memory_space<semaphore_mem>>) src(%dma_wait3A_116 : memref<80x128xf32, #tpu.memory_space<hbm>>) dst(%arg13 : memref<80x128xf32, #tpu.memory_space<vmem>>)
        "tpu.region"() ({
          %run_scoped3A = tpu.sem_alloc : memref<!tpu.dma_semaphore, #tpu.memory_space<semaphore_mem>>
          %dma_start3A_124 = arith.constant 0 : i32
          %dma_start3A_125 = arith.constant 0 : i32
          %dma_start3A_126 = tpu.memref_slice %arg15[%dma_start3A_124, %dma_start3A_125] : memref<10112x128xf32, #tpu.memory_space<vmem_shared>> -> memref<10112x128xf32, #tpu.memory_space<vmem_shared>>
          tpu.enqueue_indirect_dma source(%arg13 : memref<80x128xf32, #tpu.memory_space<vmem>>) target(%dma_start3A_126 : memref<10112x128xf32, #tpu.memory_space<vmem_shared>>) offsets(%arg12 : memref<80xi32, #tpu.memory_space<vmem>>) semaphore(%run_scoped3A : memref<!tpu.dma_semaphore, #tpu.memory_space<semaphore_mem>>) {add = true}
          %dma_wait3A_127 = arith.constant 0 : i32
          %dma_wait3A_128 = arith.constant 0 : i32
          %dma_wait3A_129 = tpu.memref_slice %arg15[%dma_wait3A_127, %dma_wait3A_128] : memref<10112x128xf32, #tpu.memory_space<vmem_shared>> -> memref<10112x128xf32, #tpu.memory_space<vmem_shared>>
          tpu.wait_indirect_dma semaphore(%run_scoped3A : memref<!tpu.dma_semaphore, #tpu.memory_space<semaphore_mem>>) src(%arg13 : memref<80x128xf32, #tpu.memory_space<vmem>>) dst(%dma_wait3A_129 : memref<10112x128xf32, #tpu.memory_space<vmem_shared>>)
          tpu.yield
        }) : () -> ()
        %add3A_117 = arith.constant 3 : i32
        %add3A_118 = arith.addi %add3A_78, %add3A_117 : i32
        %lt3A_119 = arith.constant 125 : i32
        %lt3A_120 = arith.cmpi slt, %add3A_118, %lt3A_119 : i32
        %convert_element_type3A_121 = arith.extui %lt3A_120 : i1 to i32
        %cond3A_122 = arith.constant 0 : i32
        %cond3A_123 = arith.cmpi ne, %convert_element_type3A_121, %cond3A_122 : i32
        scf.if %cond3A_123 {
          %add3A_124 = arith.constant 3 : i32
          %add3A_125 = arith.addi %add3A_78, %add3A_124 : i32
          %mul3A_126 = arith.constant 10000 : i32
          %mul3A_127 = arith.muli %add3A, %mul3A_126 : i32
          %mul3A_128 = arith.constant 80 : i32
          %mul3A_129 = arith.muli %add3A_125, %mul3A_128 : i32
          %add3A_130 = arith.addi %mul3A_127, %mul3A_129 : i32
          %dma_start3A_131 = tpu.memref_slice %arg3[%add3A_130] : memref<320000xi32, #tpu.memory_space<hbm>> -> memref<80xi32, #tpu.memory_space<hbm>>
          %dma_start3A_132 = tpu.memref_slice %arg3[%add3A_130] : memref<320000xi32, #tpu.memory_space<hbm>> -> memref<80xi32, #tpu.memory_space<hbm>>
          tpu.enqueue_dma source(%dma_start3A_132 : memref<80xi32, #tpu.memory_space<hbm>>) target(%arg9 : memref<80xi32, #tpu.memory_space<vmem>>) target_semaphore(%arg20 : memref<!tpu.dma_semaphore, #tpu.memory_space<semaphore_mem>>)
          %mul3A_133 = arith.constant 10000 : i32
          %mul3A_134 = arith.muli %add3A, %mul3A_133 : i32
          %mul3A_135 = arith.constant 80 : i32
          %mul3A_136 = arith.muli %add3A_125, %mul3A_135 : i32
          %add3A_137 = arith.addi %mul3A_134, %mul3A_136 : i32
          %dma_start3A_138 = tpu.memref_slice %arg4[%add3A_137] : memref<320000xi32, #tpu.memory_space<hbm>> -> memref<80xi32, #tpu.memory_space<hbm>>
          %dma_start3A_139 = tpu.memref_slice %arg4[%add3A_137] : memref<320000xi32, #tpu.memory_space<hbm>> -> memref<80xi32, #tpu.memory_space<hbm>>
          tpu.enqueue_dma source(%dma_start3A_139 : memref<80xi32, #tpu.memory_space<hbm>>) target(%arg12 : memref<80xi32, #tpu.memory_space<vmem>>) target_semaphore(%arg20 : memref<!tpu.dma_semaphore, #tpu.memory_space<semaphore_mem>>)
        } else {
        }
      } else {
      }
      %add3A_84 = arith.constant 3 : i32
      %add3A_85 = arith.addi %mul3A_65, %add3A_84 : i32
      %lt3A_86 = arith.constant 125 : i32
      %lt3A_87 = arith.cmpi slt, %add3A_85, %lt3A_86 : i32
      %convert_element_type3A_88 = arith.extui %lt3A_87 : i1 to i32
      %cond3A_89 = arith.constant 0 : i32
      %cond3A_90 = arith.cmpi ne, %convert_element_type3A_88, %cond3A_89 : i32
      scf.if %cond3A_90 {
        %add3A_105 = arith.constant 1 : i32
        %add3A_106 = arith.addi %add3A_85, %add3A_105 : i32
        %lt3A_107 = arith.constant 125 : i32
        %lt3A_108 = arith.cmpi slt, %add3A_106, %lt3A_107 : i32
        %convert_element_type3A_109 = arith.extui %lt3A_108 : i1 to i32
        %cond3A_110 = arith.constant 0 : i32
        %cond3A_111 = arith.cmpi ne, %convert_element_type3A_109, %cond3A_110 : i32
        scf.if %cond3A_111 {
          %dma_wait3A_124 = arith.constant 0 : i32
          %dma_wait3A_125 = tpu.memref_slice %arg3[%dma_wait3A_124] : memref<320000xi32, #tpu.memory_space<hbm>> -> memref<80xi32, #tpu.memory_space<hbm>>
          %dma_wait3A_126 = arith.constant 0 : i32
          %dma_wait3A_127 = tpu.memref_slice %arg3[%dma_wait3A_126] : memref<320000xi32, #tpu.memory_space<hbm>> -> memref<80xi32, #tpu.memory_space<hbm>>
          tpu.wait_dma2 semaphore(%arg19 : memref<!tpu.dma_semaphore, #tpu.memory_space<semaphore_mem>>) src(%dma_wait3A_127 : memref<80xi32, #tpu.memory_space<hbm>>) dst(%arg8 : memref<80xi32, #tpu.memory_space<vmem>>)
          %dma_wait3A_128 = arith.constant 0 : i32
          %dma_wait3A_129 = tpu.memref_slice %arg4[%dma_wait3A_128] : memref<320000xi32, #tpu.memory_space<hbm>> -> memref<80xi32, #tpu.memory_space<hbm>>
          %dma_wait3A_130 = arith.constant 0 : i32
          %dma_wait3A_131 = tpu.memref_slice %arg4[%dma_wait3A_130] : memref<320000xi32, #tpu.memory_space<hbm>> -> memref<80xi32, #tpu.memory_space<hbm>>
          tpu.wait_dma2 semaphore(%arg19 : memref<!tpu.dma_semaphore, #tpu.memory_space<semaphore_mem>>) src(%dma_wait3A_131 : memref<80xi32, #tpu.memory_space<hbm>>) dst(%arg11 : memref<80xi32, #tpu.memory_space<vmem>>)
          %dma_start3A_132 = arith.constant 0 : i32
          %dma_start3A_133 = arith.constant 0 : i32
          %dma_start3A_134 = tpu.memref_slice %arg2[%dma_start3A_132, %dma_start3A_133] : memref<10000x128xf32, #tpu.memory_space<hbm>> -> memref<10000x128xf32, #tpu.memory_space<hbm>>
          tpu.enqueue_indirect_dma source(%dma_start3A_134 : memref<10000x128xf32, #tpu.memory_space<hbm>>) target(%arg13 : memref<80x128xf32, #tpu.memory_space<vmem>>) offsets(%arg8 : memref<80xi32, #tpu.memory_space<vmem>>) semaphore(%arg16 : memref<!tpu.dma_semaphore, #tpu.memory_space<semaphore_mem>>)
        } else {
        }
        %dma_wait3A = arith.constant 0 : i32
        %dma_wait3A_112 = arith.constant 0 : i32
        %dma_wait3A_113 = tpu.memref_slice %arg2[%dma_wait3A, %dma_wait3A_112] : memref<10000x128xf32, #tpu.memory_space<hbm>> -> memref<80x128xf32, #tpu.memory_space<hbm>>
        %dma_wait3A_114 = arith.constant 0 : i32
        %dma_wait3A_115 = arith.constant 0 : i32
        %dma_wait3A_116 = tpu.memref_slice %arg2[%dma_wait3A_114, %dma_wait3A_115] : memref<10000x128xf32, #tpu.memory_space<hbm>> -> memref<80x128xf32, #tpu.memory_space<hbm>>
        tpu.wait_dma2 semaphore(%arg17 : memref<!tpu.dma_semaphore, #tpu.memory_space<semaphore_mem>>) src(%dma_wait3A_116 : memref<80x128xf32, #tpu.memory_space<hbm>>) dst(%arg14 : memref<80x128xf32, #tpu.memory_space<vmem>>)
        "tpu.region"() ({
          %run_scoped3A = tpu.sem_alloc : memref<!tpu.dma_semaphore, #tpu.memory_space<semaphore_mem>>
          %dma_start3A_124 = arith.constant 0 : i32
          %dma_start3A_125 = arith.constant 0 : i32
          %dma_start3A_126 = tpu.memref_slice %arg15[%dma_start3A_124, %dma_start3A_125] : memref<10112x128xf32, #tpu.memory_space<vmem_shared>> -> memref<10112x128xf32, #tpu.memory_space<vmem_shared>>
          tpu.enqueue_indirect_dma source(%arg14 : memref<80x128xf32, #tpu.memory_space<vmem>>) target(%dma_start3A_126 : memref<10112x128xf32, #tpu.memory_space<vmem_shared>>) offsets(%arg10 : memref<80xi32, #tpu.memory_space<vmem>>) semaphore(%run_scoped3A : memref<!tpu.dma_semaphore, #tpu.memory_space<semaphore_mem>>) {add = true}
          %dma_wait3A_127 = arith.constant 0 : i32
          %dma_wait3A_128 = arith.constant 0 : i32
          %dma_wait3A_129 = tpu.memref_slice %arg15[%dma_wait3A_127, %dma_wait3A_128] : memref<10112x128xf32, #tpu.memory_space<vmem_shared>> -> memref<10112x128xf32, #tpu.memory_space<vmem_shared>>
          tpu.wait_indirect_dma semaphore(%run_scoped3A : memref<!tpu.dma_semaphore, #tpu.memory_space<semaphore_mem>>) src(%arg14 : memref<80x128xf32, #tpu.memory_space<vmem>>) dst(%dma_wait3A_129 : memref<10112x128xf32, #tpu.memory_space<vmem_shared>>)
          tpu.yield
        }) : () -> ()
        %add3A_117 = arith.constant 3 : i32
        %add3A_118 = arith.addi %add3A_85, %add3A_117 : i32
        %lt3A_119 = arith.constant 125 : i32
        %lt3A_120 = arith.cmpi slt, %add3A_118, %lt3A_119 : i32
        %convert_element_type3A_121 = arith.extui %lt3A_120 : i1 to i32
        %cond3A_122 = arith.constant 0 : i32
        %cond3A_123 = arith.cmpi ne, %convert_element_type3A_121, %cond3A_122 : i32
        scf.if %cond3A_123 {
          %add3A_124 = arith.constant 3 : i32
          %add3A_125 = arith.addi %add3A_85, %add3A_124 : i32
          %mul3A_126 = arith.constant 10000 : i32
          %mul3A_127 = arith.muli %add3A, %mul3A_126 : i32
          %mul3A_128 = arith.constant 80 : i32
          %mul3A_129 = arith.muli %add3A_125, %mul3A_128 : i32
          %add3A_130 = arith.addi %mul3A_127, %mul3A_129 : i32
          %dma_start3A_131 = tpu.memref_slice %arg3[%add3A_130] : memref<320000xi32, #tpu.memory_space<hbm>> -> memref<80xi32, #tpu.memory_space<hbm>>
          %dma_start3A_132 = tpu.memref_slice %arg3[%add3A_130] : memref<320000xi32, #tpu.memory_space<hbm>> -> memref<80xi32, #tpu.memory_space<hbm>>
          tpu.enqueue_dma source(%dma_start3A_132 : memref<80xi32, #tpu.memory_space<hbm>>) target(%arg7 : memref<80xi32, #tpu.memory_space<vmem>>) target_semaphore(%arg18 : memref<!tpu.dma_semaphore, #tpu.memory_space<semaphore_mem>>)
          %mul3A_133 = arith.constant 10000 : i32
          %mul3A_134 = arith.muli %add3A, %mul3A_133 : i32
          %mul3A_135 = arith.constant 80 : i32
          %mul3A_136 = arith.muli %add3A_125, %mul3A_135 : i32
          %add3A_137 = arith.addi %mul3A_134, %mul3A_136 : i32
          %dma_start3A_138 = tpu.memref_slice %arg4[%add3A_137] : memref<320000xi32, #tpu.memory_space<hbm>> -> memref<80xi32, #tpu.memory_space<hbm>>
          %dma_start3A_139 = tpu.memref_slice %arg4[%add3A_137] : memref<320000xi32, #tpu.memory_space<hbm>> -> memref<80xi32, #tpu.memory_space<hbm>>
          tpu.enqueue_dma source(%dma_start3A_139 : memref<80xi32, #tpu.memory_space<hbm>>) target(%arg10 : memref<80xi32, #tpu.memory_space<vmem>>) target_semaphore(%arg18 : memref<!tpu.dma_semaphore, #tpu.memory_space<semaphore_mem>>)
        } else {
        }
      } else {
      }
      %add3A_91 = arith.constant 4 : i32
      %add3A_92 = arith.addi %mul3A_65, %add3A_91 : i32
      %lt3A_93 = arith.constant 125 : i32
      %lt3A_94 = arith.cmpi slt, %add3A_92, %lt3A_93 : i32
      %convert_element_type3A_95 = arith.extui %lt3A_94 : i1 to i32
      %cond3A_96 = arith.constant 0 : i32
      %cond3A_97 = arith.cmpi ne, %convert_element_type3A_95, %cond3A_96 : i32
      scf.if %cond3A_97 {
        %add3A_105 = arith.constant 1 : i32
        %add3A_106 = arith.addi %add3A_92, %add3A_105 : i32
        %lt3A_107 = arith.constant 125 : i32
        %lt3A_108 = arith.cmpi slt, %add3A_106, %lt3A_107 : i32
        %convert_element_type3A_109 = arith.extui %lt3A_108 : i1 to i32
        %cond3A_110 = arith.constant 0 : i32
        %cond3A_111 = arith.cmpi ne, %convert_element_type3A_109, %cond3A_110 : i32
        scf.if %cond3A_111 {
          %dma_wait3A_124 = arith.constant 0 : i32
          %dma_wait3A_125 = tpu.memref_slice %arg3[%dma_wait3A_124] : memref<320000xi32, #tpu.memory_space<hbm>> -> memref<80xi32, #tpu.memory_space<hbm>>
          %dma_wait3A_126 = arith.constant 0 : i32
          %dma_wait3A_127 = tpu.memref_slice %arg3[%dma_wait3A_126] : memref<320000xi32, #tpu.memory_space<hbm>> -> memref<80xi32, #tpu.memory_space<hbm>>
          tpu.wait_dma2 semaphore(%arg20 : memref<!tpu.dma_semaphore, #tpu.memory_space<semaphore_mem>>) src(%dma_wait3A_127 : memref<80xi32, #tpu.memory_space<hbm>>) dst(%arg9 : memref<80xi32, #tpu.memory_space<vmem>>)
          %dma_wait3A_128 = arith.constant 0 : i32
          %dma_wait3A_129 = tpu.memref_slice %arg4[%dma_wait3A_128] : memref<320000xi32, #tpu.memory_space<hbm>> -> memref<80xi32, #tpu.memory_space<hbm>>
          %dma_wait3A_130 = arith.constant 0 : i32
          %dma_wait3A_131 = tpu.memref_slice %arg4[%dma_wait3A_130] : memref<320000xi32, #tpu.memory_space<hbm>> -> memref<80xi32, #tpu.memory_space<hbm>>
          tpu.wait_dma2 semaphore(%arg20 : memref<!tpu.dma_semaphore, #tpu.memory_space<semaphore_mem>>) src(%dma_wait3A_131 : memref<80xi32, #tpu.memory_space<hbm>>) dst(%arg12 : memref<80xi32, #tpu.memory_space<vmem>>)
          %dma_start3A_132 = arith.constant 0 : i32
          %dma_start3A_133 = arith.constant 0 : i32
          %dma_start3A_134 = tpu.memref_slice %arg2[%dma_start3A_132, %dma_start3A_133] : memref<10000x128xf32, #tpu.memory_space<hbm>> -> memref<10000x128xf32, #tpu.memory_space<hbm>>
          tpu.enqueue_indirect_dma source(%dma_start3A_134 : memref<10000x128xf32, #tpu.memory_space<hbm>>) target(%arg14 : memref<80x128xf32, #tpu.memory_space<vmem>>) offsets(%arg9 : memref<80xi32, #tpu.memory_space<vmem>>) semaphore(%arg17 : memref<!tpu.dma_semaphore, #tpu.memory_space<semaphore_mem>>)
        } else {
        }
        %dma_wait3A = arith.constant 0 : i32
        %dma_wait3A_112 = arith.constant 0 : i32
        %dma_wait3A_113 = tpu.memref_slice %arg2[%dma_wait3A, %dma_wait3A_112] : memref<10000x128xf32, #tpu.memory_space<hbm>> -> memref<80x128xf32, #tpu.memory_space<hbm>>
        %dma_wait3A_114 = arith.constant 0 : i32
        %dma_wait3A_115 = arith.constant 0 : i32
        %dma_wait3A_116 = tpu.memref_slice %arg2[%dma_wait3A_114, %dma_wait3A_115] : memref<10000x128xf32, #tpu.memory_space<hbm>> -> memref<80x128xf32, #tpu.memory_space<hbm>>
        tpu.wait_dma2 semaphore(%arg16 : memref<!tpu.dma_semaphore, #tpu.memory_space<semaphore_mem>>) src(%dma_wait3A_116 : memref<80x128xf32, #tpu.memory_space<hbm>>) dst(%arg13 : memref<80x128xf32, #tpu.memory_space<vmem>>)
        "tpu.region"() ({
          %run_scoped3A = tpu.sem_alloc : memref<!tpu.dma_semaphore, #tpu.memory_space<semaphore_mem>>
          %dma_start3A_124 = arith.constant 0 : i32
          %dma_start3A_125 = arith.constant 0 : i32
          %dma_start3A_126 = tpu.memref_slice %arg15[%dma_start3A_124, %dma_start3A_125] : memref<10112x128xf32, #tpu.memory_space<vmem_shared>> -> memref<10112x128xf32, #tpu.memory_space<vmem_shared>>
          tpu.enqueue_indirect_dma source(%arg13 : memref<80x128xf32, #tpu.memory_space<vmem>>) target(%dma_start3A_126 : memref<10112x128xf32, #tpu.memory_space<vmem_shared>>) offsets(%arg11 : memref<80xi32, #tpu.memory_space<vmem>>) semaphore(%run_scoped3A : memref<!tpu.dma_semaphore, #tpu.memory_space<semaphore_mem>>) {add = true}
          %dma_wait3A_127 = arith.constant 0 : i32
          %dma_wait3A_128 = arith.constant 0 : i32
          %dma_wait3A_129 = tpu.memref_slice %arg15[%dma_wait3A_127, %dma_wait3A_128] : memref<10112x128xf32, #tpu.memory_space<vmem_shared>> -> memref<10112x128xf32, #tpu.memory_space<vmem_shared>>
          tpu.wait_indirect_dma semaphore(%run_scoped3A : memref<!tpu.dma_semaphore, #tpu.memory_space<semaphore_mem>>) src(%arg13 : memref<80x128xf32, #tpu.memory_space<vmem>>) dst(%dma_wait3A_129 : memref<10112x128xf32, #tpu.memory_space<vmem_shared>>)
          tpu.yield
        }) : () -> ()
        %add3A_117 = arith.constant 3 : i32
        %add3A_118 = arith.addi %add3A_92, %add3A_117 : i32
        %lt3A_119 = arith.constant 125 : i32
        %lt3A_120 = arith.cmpi slt, %add3A_118, %lt3A_119 : i32
        %convert_element_type3A_121 = arith.extui %lt3A_120 : i1 to i32
        %cond3A_122 = arith.constant 0 : i32
        %cond3A_123 = arith.cmpi ne, %convert_element_type3A_121, %cond3A_122 : i32
        scf.if %cond3A_123 {
          %add3A_124 = arith.constant 3 : i32
          %add3A_125 = arith.addi %add3A_92, %add3A_124 : i32
          %mul3A_126 = arith.constant 10000 : i32
          %mul3A_127 = arith.muli %add3A, %mul3A_126 : i32
          %mul3A_128 = arith.constant 80 : i32
          %mul3A_129 = arith.muli %add3A_125, %mul3A_128 : i32
          %add3A_130 = arith.addi %mul3A_127, %mul3A_129 : i32
          %dma_start3A_131 = tpu.memref_slice %arg3[%add3A_130] : memref<320000xi32, #tpu.memory_space<hbm>> -> memref<80xi32, #tpu.memory_space<hbm>>
          %dma_start3A_132 = tpu.memref_slice %arg3[%add3A_130] : memref<320000xi32, #tpu.memory_space<hbm>> -> memref<80xi32, #tpu.memory_space<hbm>>
          tpu.enqueue_dma source(%dma_start3A_132 : memref<80xi32, #tpu.memory_space<hbm>>) target(%arg8 : memref<80xi32, #tpu.memory_space<vmem>>) target_semaphore(%arg19 : memref<!tpu.dma_semaphore, #tpu.memory_space<semaphore_mem>>)
          %mul3A_133 = arith.constant 10000 : i32
          %mul3A_134 = arith.muli %add3A, %mul3A_133 : i32
          %mul3A_135 = arith.constant 80 : i32
          %mul3A_136 = arith.muli %add3A_125, %mul3A_135 : i32
          %add3A_137 = arith.addi %mul3A_134, %mul3A_136 : i32
          %dma_start3A_138 = tpu.memref_slice %arg4[%add3A_137] : memref<320000xi32, #tpu.memory_space<hbm>> -> memref<80xi32, #tpu.memory_space<hbm>>
          %dma_start3A_139 = tpu.memref_slice %arg4[%add3A_137] : memref<320000xi32, #tpu.memory_space<hbm>> -> memref<80xi32, #tpu.memory_space<hbm>>
          tpu.enqueue_dma source(%dma_start3A_139 : memref<80xi32, #tpu.memory_space<hbm>>) target(%arg11 : memref<80xi32, #tpu.memory_space<vmem>>) target_semaphore(%arg19 : memref<!tpu.dma_semaphore, #tpu.memory_space<semaphore_mem>>)
        } else {
        }
      } else {
      }
      %add3A_98 = arith.constant 5 : i32
      %add3A_99 = arith.addi %mul3A_65, %add3A_98 : i32
      %lt3A_100 = arith.constant 125 : i32
      %lt3A_101 = arith.cmpi slt, %add3A_99, %lt3A_100 : i32
      %convert_element_type3A_102 = arith.extui %lt3A_101 : i1 to i32
      %cond3A_103 = arith.constant 0 : i32
      %cond3A_104 = arith.cmpi ne, %convert_element_type3A_102, %cond3A_103 : i32
      scf.if %cond3A_104 {
        %add3A_105 = arith.constant 1 : i32
        %add3A_106 = arith.addi %add3A_99, %add3A_105 : i32
        %lt3A_107 = arith.constant 125 : i32
        %lt3A_108 = arith.cmpi slt, %add3A_106, %lt3A_107 : i32
        %convert_element_type3A_109 = arith.extui %lt3A_108 : i1 to i32
        %cond3A_110 = arith.constant 0 : i32
        %cond3A_111 = arith.cmpi ne, %convert_element_type3A_109, %cond3A_110 : i32
        scf.if %cond3A_111 {
          %dma_wait3A_124 = arith.constant 0 : i32
          %dma_wait3A_125 = tpu.memref_slice %arg3[%dma_wait3A_124] : memref<320000xi32, #tpu.memory_space<hbm>> -> memref<80xi32, #tpu.memory_space<hbm>>
          %dma_wait3A_126 = arith.constant 0 : i32
          %dma_wait3A_127 = tpu.memref_slice %arg3[%dma_wait3A_126] : memref<320000xi32, #tpu.memory_space<hbm>> -> memref<80xi32, #tpu.memory_space<hbm>>
          tpu.wait_dma2 semaphore(%arg18 : memref<!tpu.dma_semaphore, #tpu.memory_space<semaphore_mem>>) src(%dma_wait3A_127 : memref<80xi32, #tpu.memory_space<hbm>>) dst(%arg7 : memref<80xi32, #tpu.memory_space<vmem>>)
          %dma_wait3A_128 = arith.constant 0 : i32
          %dma_wait3A_129 = tpu.memref_slice %arg4[%dma_wait3A_128] : memref<320000xi32, #tpu.memory_space<hbm>> -> memref<80xi32, #tpu.memory_space<hbm>>
          %dma_wait3A_130 = arith.constant 0 : i32
          %dma_wait3A_131 = tpu.memref_slice %arg4[%dma_wait3A_130] : memref<320000xi32, #tpu.memory_space<hbm>> -> memref<80xi32, #tpu.memory_space<hbm>>
          tpu.wait_dma2 semaphore(%arg18 : memref<!tpu.dma_semaphore, #tpu.memory_space<semaphore_mem>>) src(%dma_wait3A_131 : memref<80xi32, #tpu.memory_space<hbm>>) dst(%arg10 : memref<80xi32, #tpu.memory_space<vmem>>)
          %dma_start3A_132 = arith.constant 0 : i32
          %dma_start3A_133 = arith.constant 0 : i32
          %dma_start3A_134 = tpu.memref_slice %arg2[%dma_start3A_132, %dma_start3A_133] : memref<10000x128xf32, #tpu.memory_space<hbm>> -> memref<10000x128xf32, #tpu.memory_space<hbm>>
          tpu.enqueue_indirect_dma source(%dma_start3A_134 : memref<10000x128xf32, #tpu.memory_space<hbm>>) target(%arg13 : memref<80x128xf32, #tpu.memory_space<vmem>>) offsets(%arg7 : memref<80xi32, #tpu.memory_space<vmem>>) semaphore(%arg16 : memref<!tpu.dma_semaphore, #tpu.memory_space<semaphore_mem>>)
        } else {
        }
        %dma_wait3A = arith.constant 0 : i32
        %dma_wait3A_112 = arith.constant 0 : i32
        %dma_wait3A_113 = tpu.memref_slice %arg2[%dma_wait3A, %dma_wait3A_112] : memref<10000x128xf32, #tpu.memory_space<hbm>> -> memref<80x128xf32, #tpu.memory_space<hbm>>
        %dma_wait3A_114 = arith.constant 0 : i32
        %dma_wait3A_115 = arith.constant 0 : i32
        %dma_wait3A_116 = tpu.memref_slice %arg2[%dma_wait3A_114, %dma_wait3A_115] : memref<10000x128xf32, #tpu.memory_space<hbm>> -> memref<80x128xf32, #tpu.memory_space<hbm>>
        tpu.wait_dma2 semaphore(%arg17 : memref<!tpu.dma_semaphore, #tpu.memory_space<semaphore_mem>>) src(%dma_wait3A_116 : memref<80x128xf32, #tpu.memory_space<hbm>>) dst(%arg14 : memref<80x128xf32, #tpu.memory_space<vmem>>)
        "tpu.region"() ({
          %run_scoped3A = tpu.sem_alloc : memref<!tpu.dma_semaphore, #tpu.memory_space<semaphore_mem>>
          %dma_start3A_124 = arith.constant 0 : i32
          %dma_start3A_125 = arith.constant 0 : i32
          %dma_start3A_126 = tpu.memref_slice %arg15[%dma_start3A_124, %dma_start3A_125] : memref<10112x128xf32, #tpu.memory_space<vmem_shared>> -> memref<10112x128xf32, #tpu.memory_space<vmem_shared>>
          tpu.enqueue_indirect_dma source(%arg14 : memref<80x128xf32, #tpu.memory_space<vmem>>) target(%dma_start3A_126 : memref<10112x128xf32, #tpu.memory_space<vmem_shared>>) offsets(%arg12 : memref<80xi32, #tpu.memory_space<vmem>>) semaphore(%run_scoped3A : memref<!tpu.dma_semaphore, #tpu.memory_space<semaphore_mem>>) {add = true}
          %dma_wait3A_127 = arith.constant 0 : i32
          %dma_wait3A_128 = arith.constant 0 : i32
          %dma_wait3A_129 = tpu.memref_slice %arg15[%dma_wait3A_127, %dma_wait3A_128] : memref<10112x128xf32, #tpu.memory_space<vmem_shared>> -> memref<10112x128xf32, #tpu.memory_space<vmem_shared>>
          tpu.wait_indirect_dma semaphore(%run_scoped3A : memref<!tpu.dma_semaphore, #tpu.memory_space<semaphore_mem>>) src(%arg14 : memref<80x128xf32, #tpu.memory_space<vmem>>) dst(%dma_wait3A_129 : memref<10112x128xf32, #tpu.memory_space<vmem_shared>>)
          tpu.yield
        }) : () -> ()
        %add3A_117 = arith.constant 3 : i32
        %add3A_118 = arith.addi %add3A_99, %add3A_117 : i32
        %lt3A_119 = arith.constant 125 : i32
        %lt3A_120 = arith.cmpi slt, %add3A_118, %lt3A_119 : i32
        %convert_element_type3A_121 = arith.extui %lt3A_120 : i1 to i32
        %cond3A_122 = arith.constant 0 : i32
        %cond3A_123 = arith.cmpi ne, %convert_element_type3A_121, %cond3A_122 : i32
        scf.if %cond3A_123 {
          %add3A_124 = arith.constant 3 : i32
          %add3A_125 = arith.addi %add3A_99, %add3A_124 : i32
          %mul3A_126 = arith.constant 10000 : i32
          %mul3A_127 = arith.muli %add3A, %mul3A_126 : i32
          %mul3A_128 = arith.constant 80 : i32
          %mul3A_129 = arith.muli %add3A_125, %mul3A_128 : i32
          %add3A_130 = arith.addi %mul3A_127, %mul3A_129 : i32
          %dma_start3A_131 = tpu.memref_slice %arg3[%add3A_130] : memref<320000xi32, #tpu.memory_space<hbm>> -> memref<80xi32, #tpu.memory_space<hbm>>
          %dma_start3A_132 = tpu.memref_slice %arg3[%add3A_130] : memref<320000xi32, #tpu.memory_space<hbm>> -> memref<80xi32, #tpu.memory_space<hbm>>
          tpu.enqueue_dma source(%dma_start3A_132 : memref<80xi32, #tpu.memory_space<hbm>>) target(%arg9 : memref<80xi32, #tpu.memory_space<vmem>>) target_semaphore(%arg20 : memref<!tpu.dma_semaphore, #tpu.memory_space<semaphore_mem>>)
          %mul3A_133 = arith.constant 10000 : i32
          %mul3A_134 = arith.muli %add3A, %mul3A_133 : i32
          %mul3A_135 = arith.constant 80 : i32
          %mul3A_136 = arith.muli %add3A_125, %mul3A_135 : i32
          %add3A_137 = arith.addi %mul3A_134, %mul3A_136 : i32
          %dma_start3A_138 = tpu.memref_slice %arg4[%add3A_137] : memref<320000xi32, #tpu.memory_space<hbm>> -> memref<80xi32, #tpu.memory_space<hbm>>
          %dma_start3A_139 = tpu.memref_slice %arg4[%add3A_137] : memref<320000xi32, #tpu.memory_space<hbm>> -> memref<80xi32, #tpu.memory_space<hbm>>
          tpu.enqueue_dma source(%dma_start3A_139 : memref<80xi32, #tpu.memory_space<hbm>>) target(%arg12 : memref<80xi32, #tpu.memory_space<vmem>>) target_semaphore(%arg20 : memref<!tpu.dma_semaphore, #tpu.memory_space<semaphore_mem>>)
        } else {
        }
      } else {
      }
    }
    %scan3A_57 = arith.constant 21 : i32
    %barrier3A_58 = arith.constant 0 : index
    tpu.barrier barrier_id(%barrier3A_58)
    %mul3A_59 = arith.constant 632 : i32
    %mul3A_60 = arith.muli %arg1, %mul3A_59 : i32
    %mul3A_61 = arith.constant 632 : i32
    %mul3A_62 = arith.muli %arg1, %mul3A_61 : i32
    "tpu.region"() ({
      %run_scoped3A = tpu.sem_alloc : memref<!tpu.dma_semaphore, #tpu.memory_space<semaphore_mem>>
      %dma_start3A_63 = arith.constant 0 : i32
      %dma_start3A_64 = tpu.memref_slice %arg6[%arg0, %mul3A_62, %dma_start3A_63] : memref<2x10112x128xf32, #tpu.memory_space<hbm>> -> memref<1x632x128xf32, #tpu.memory_space<hbm>>
      %dma_start3A_65 = tpu.memref_squeeze %dma_start3A_64 : memref<1x632x128xf32, #tpu.memory_space<hbm>> -> memref<632x128xf32, #tpu.memory_space<hbm>>
      %dma_start3A_66 = arith.constant 0 : i32
      %dma_start3A_67 = tpu.memref_slice %arg15[%mul3A_60, %dma_start3A_66] : memref<10112x128xf32, #tpu.memory_space<vmem_shared>> -> memref<632x128xf32, #tpu.memory_space<vmem_shared>>
      tpu.enqueue_dma source(%dma_start3A_67 : memref<632x128xf32, #tpu.memory_space<vmem_shared>>) target(%dma_start3A_65 : memref<632x128xf32, #tpu.memory_space<hbm>>) target_semaphore(%run_scoped3A : memref<!tpu.dma_semaphore, #tpu.memory_space<semaphore_mem>>)
      %dma_wait3A = arith.constant 0 : i32
      %dma_wait3A_68 = tpu.memref_slice %arg6[%arg0, %mul3A_62, %dma_wait3A] : memref<2x10112x128xf32, #tpu.memory_space<hbm>> -> memref<1x632x128xf32, #tpu.memory_space<hbm>>
      %dma_wait3A_69 = tpu.memref_squeeze %dma_wait3A_68 : memref<1x632x128xf32, #tpu.memory_space<hbm>> -> memref<632x128xf32, #tpu.memory_space<hbm>>
      %dma_wait3A_70 = arith.constant 0 : i32
      %dma_wait3A_71 = tpu.memref_slice %arg15[%mul3A_60, %dma_wait3A_70] : memref<10112x128xf32, #tpu.memory_space<vmem_shared>> -> memref<632x128xf32, #tpu.memory_space<vmem_shared>>
      tpu.wait_dma2 semaphore(%run_scoped3A : memref<!tpu.dma_semaphore, #tpu.memory_space<semaphore_mem>>) src(%dma_wait3A_71 : memref<632x128xf32, #tpu.memory_space<vmem_shared>>) dst(%dma_wait3A_69 : memref<632x128xf32, #tpu.memory_space<hbm>>)
      tpu.yield
    }) : () -> ()
    return
  }
}

module attributes {stable_mosaic.version = 14 : i64} {
  func.func @body(%arg0: i32, %arg1: memref<2000x128xf32, #tpu.memory_space<vmem>>, %arg2: memref<2000x128xf32, #tpu.memory_space<vmem>>, %arg3: memref<2000x128xf32, #tpu.memory_space<vmem>>, %arg4: memref<2000x128xf32, #tpu.memory_space<vmem>>, %arg5: memref<2000x128xf32, #tpu.memory_space<vmem>>, %arg6: memref<128x128xf32, #tpu.memory_space<vmem>>, %arg7: memref<128x128xf32, #tpu.memory_space<vmem>>, %arg8: memref<1x128xf32, #tpu.memory_space<vmem>>, %arg9: memref<2000x128xf32, #tpu.memory_space<vmem>>, %arg10: memref<2000x1xf32, #tpu.memory_space<vmem>>) attributes {dimension_semantics = [#tpu.dimension_semantics<arbitrary>], iteration_bounds = array<i64: 5>, scalar_prefetch = 0 : i64, scratch_operands = 0 : i64, tpu.core_type = #tpu.core_type<tc>, window_params = [{transform_indices = @transform_0, window_bounds = array<i64: 2000, 128>}, {transform_indices = @transform_1, window_bounds = array<i64: 2000, 128>}, {transform_indices = @transform_2, window_bounds = array<i64: 2000, 128>}, {transform_indices = @transform_3, window_bounds = array<i64: 2000, 128>}, {transform_indices = @transform_4, window_bounds = array<i64: 2000, 128>}, {pipeline_mode = #tpu.pipeline_mode<synchronous>, transform_indices = @transform_5, window_bounds = array<i64: 128, 128>}, {pipeline_mode = #tpu.pipeline_mode<synchronous>, transform_indices = @transform_6, window_bounds = array<i64: 128, 128>}, {pipeline_mode = #tpu.pipeline_mode<synchronous>, transform_indices = @transform_7, window_bounds = array<i64: 1, 128>}, {transform_indices = @transform_8, window_bounds = array<i64: 2000, 128>}, {transform_indices = @transform_9, window_bounds = array<i64: 2000, 1>}]} {
    %get3A = arith.constant 0 : index
    %get3A_0 = arith.constant 0 : index
    %get3A_1 = vector.load %arg4[%get3A, %get3A_0] : memref<2000x128xf32, #tpu.memory_space<vmem>>, vector<2000x1xf32>
    %get3A_2 = arith.constant 0 : index
    %get3A_3 = arith.constant 0 : index
    %get3A_4 = vector.load %arg5[%get3A_2, %get3A_3] : memref<2000x128xf32, #tpu.memory_space<vmem>>, vector<2000x1xf32>
    %add3A = arith.addf %get3A_1, %get3A_4 : vector<2000x1xf32>
    %max3A = arith.constant 1.000000e+00 : f32
    %max3A_5 = vector.broadcast %max3A : f32 to vector<2000x1xf32>
    %max3A_6 = arith.maximumf %add3A, %max3A_5 : vector<2000x1xf32>
    %div3A = arith.constant 1.000000e+00 : f32
    %div3A_7 = vector.broadcast %div3A : f32 to vector<2000x1xf32>
    %div3A_8 = arith.divf %div3A_7, %max3A_6 : vector<2000x1xf32>
    %swap3A = arith.constant 0 : index
    %swap3A_9 = arith.constant 0 : index
    %swap3A_10 = vector.load %arg10[%swap3A, %swap3A_9] : memref<2000x1xf32, #tpu.memory_space<vmem>>, vector<2000x1xf32>
    tpu.vector_store %arg10[%swap3A, %swap3A_9], %div3A_8 {strides = array<i32>} : memref<2000x1xf32, #tpu.memory_space<vmem>>, vector<2000x1xf32>,
    %get3A_11 = arith.constant 0 : index
    %get3A_12 = arith.constant 0 : index
    %get3A_13 = vector.load %arg2[%get3A_11, %get3A_12] : memref<2000x128xf32, #tpu.memory_space<vmem>>, vector<2000x128xf32>
    %get3A_14 = arith.constant 0 : index
    %get3A_15 = arith.constant 0 : index
    %get3A_16 = vector.load %arg3[%get3A_14, %get3A_15] : memref<2000x128xf32, #tpu.memory_space<vmem>>, vector<2000x128xf32>
    %add3A_17 = arith.addf %get3A_13, %get3A_16 : vector<2000x128xf32>
    %mul3A = vector.broadcast %div3A_8 : vector<2000x1xf32> to vector<2000x128xf32>
    %mul3A_18 = arith.mulf %add3A_17, %mul3A : vector<2000x128xf32>
    %get3A_19 = arith.constant 0 : index
    %get3A_20 = arith.constant 0 : index
    %get3A_21 = vector.load %arg1[%get3A_19, %get3A_20] : memref<2000x128xf32, #tpu.memory_space<vmem>>, vector<2000x128xf32>
    %get3A_22 = arith.constant 0 : index
    %get3A_23 = arith.constant 0 : index
    %get3A_24 = vector.load %arg6[%get3A_22, %get3A_23] : memref<128x128xf32, #tpu.memory_space<vmem>>, vector<128x128xf32>
    %dot_general3A = arith.constant dense<0.000000e+00> : vector<2000x128xf32>
    %dot_general3A_25 = tpu.matmul %get3A_21, %get3A_24, %dot_general3A {dimension_numbers = #tpu.dot_dimension_numbers<[1], [0], [0], [1], [0, 0, 1, 1], [], []>, transpose_lhs_hint = false} : vector<2000x128xf32>, vector<128x128xf32>, vector<2000x128xf32> -> vector<2000x128xf32>
    %get3A_26 = arith.constant 0 : index
    %get3A_27 = arith.constant 0 : index
    %get3A_28 = vector.load %arg7[%get3A_26, %get3A_27] : memref<128x128xf32, #tpu.memory_space<vmem>>, vector<128x128xf32>
    %dot_general3A_29 = arith.constant dense<0.000000e+00> : vector<2000x128xf32>
    %dot_general3A_30 = tpu.matmul %mul3A_18, %get3A_28, %dot_general3A_29 {dimension_numbers = #tpu.dot_dimension_numbers<[1], [0], [0], [1], [0, 0, 1, 1], [], []>, transpose_lhs_hint = false} : vector<2000x128xf32>, vector<128x128xf32>, vector<2000x128xf32> -> vector<2000x128xf32>
    %add3A_31 = arith.addf %dot_general3A_25, %dot_general3A_30 : vector<2000x128xf32>
    %get3A_32 = arith.constant 0 : index
    %get3A_33 = arith.constant 0 : index
    %get3A_34 = vector.load %arg8[%get3A_32, %get3A_33] : memref<1x128xf32, #tpu.memory_space<vmem>>, vector<1x128xf32>
    %add3A_35 = vector.broadcast %get3A_34 : vector<1x128xf32> to vector<2000x128xf32>
    %add3A_36 = arith.addf %add3A_31, %add3A_35 : vector<2000x128xf32>
    %max3A_37 = arith.constant 0.000000e+00 : f32
    %max3A_38 = vector.broadcast %max3A_37 : f32 to vector<2000x128xf32>
    %max3A_39 = arith.maximumf %add3A_36, %max3A_38 : vector<2000x128xf32>
    %swap3A_40 = arith.constant 0 : index
    %swap3A_41 = arith.constant 0 : index
    %swap3A_42 = vector.load %arg9[%swap3A_40, %swap3A_41] : memref<2000x128xf32, #tpu.memory_space<vmem>>, vector<2000x128xf32>
    tpu.vector_store %arg9[%swap3A_40, %swap3A_41], %max3A_39 {strides = array<i32>} : memref<2000x128xf32, #tpu.memory_space<vmem>>, vector<2000x128xf32>,
    return
  }
  func.func @transform_0(%arg0: i32) -> (i32, i32) {
    %c0_i32 = arith.constant 0 : i32
    %c0_i32_0 = arith.constant 0 : i32
    return %arg0, %c0_i32 : i32, i32
  }
  func.func @transform_1(%arg0: i32) -> (i32, i32) {
    %c0_i32 = arith.constant 0 : i32
    %c0_i32_0 = arith.constant 0 : i32
    return %arg0, %c0_i32 : i32, i32
  }
  func.func @transform_2(%arg0: i32) -> (i32, i32) {
    %c0_i32 = arith.constant 0 : i32
    %c0_i32_0 = arith.constant 0 : i32
    return %arg0, %c0_i32 : i32, i32
  }
  func.func @transform_3(%arg0: i32) -> (i32, i32) {
    %c0_i32 = arith.constant 0 : i32
    %c0_i32_0 = arith.constant 0 : i32
    return %arg0, %c0_i32 : i32, i32
  }
  func.func @transform_4(%arg0: i32) -> (i32, i32) {
    %c0_i32 = arith.constant 0 : i32
    %c0_i32_0 = arith.constant 0 : i32
    return %arg0, %c0_i32 : i32, i32
  }
  func.func @transform_5(%arg0: i32) -> (i32, i32) {
    %c0_i32 = arith.constant 0 : i32
    %c0_i32_0 = arith.constant 0 : i32
    %c0_i32_1 = arith.constant 0 : i32
    return %c0_i32, %c0_i32_0 : i32, i32
  }
  func.func @transform_6(%arg0: i32) -> (i32, i32) {
    %c0_i32 = arith.constant 0 : i32
    %c0_i32_0 = arith.constant 0 : i32
    %c0_i32_1 = arith.constant 0 : i32
    return %c0_i32, %c0_i32_0 : i32, i32
  }
  func.func @transform_7(%arg0: i32) -> (i32, i32) {
    %c0_i32 = arith.constant 0 : i32
    %c0_i32_0 = arith.constant 0 : i32
    %c0_i32_1 = arith.constant 0 : i32
    return %c0_i32, %c0_i32_0 : i32, i32
  }
  func.func @transform_8(%arg0: i32) -> (i32, i32) {
    %c0_i32 = arith.constant 0 : i32
    %c0_i32_0 = arith.constant 0 : i32
    return %arg0, %c0_i32 : i32, i32
  }
  func.func @transform_9(%arg0: i32) -> (i32, i32) {
    %c0_i32 = arith.constant 0 : i32
    %c0_i32_0 = arith.constant 0 : i32
    return %arg0, %c0_i32 : i32, i32
  }
}

module attributes {stable_mosaic.version = 14 : i64} {
  func.func @body(%arg0: i32, %arg1: memref<2000x128xf32, #tpu.memory_space<vmem>>, %arg2: memref<2000x128xf32, #tpu.memory_space<vmem>>, %arg3: memref<2000x128xf32, #tpu.memory_space<vmem>>, %arg4: memref<2000x1xf32, #tpu.memory_space<vmem>>, %arg5: memref<128x128xf32, #tpu.memory_space<vmem>>, %arg6: memref<128x128xf32, #tpu.memory_space<vmem>>, %arg7: memref<1x128xf32, #tpu.memory_space<vmem>>, %arg8: memref<2000x128xf32, #tpu.memory_space<vmem>>) attributes {dimension_semantics = [#tpu.dimension_semantics<arbitrary>], iteration_bounds = array<i64: 5>, scalar_prefetch = 0 : i64, scratch_operands = 0 : i64, tpu.core_type = #tpu.core_type<tc>, window_params = [{transform_indices = @transform_0, window_bounds = array<i64: 2000, 128>}, {transform_indices = @transform_1, window_bounds = array<i64: 2000, 128>}, {transform_indices = @transform_2, window_bounds = array<i64: 2000, 128>}, {transform_indices = @transform_3, window_bounds = array<i64: 2000, 1>}, {pipeline_mode = #tpu.pipeline_mode<synchronous>, transform_indices = @transform_4, window_bounds = array<i64: 128, 128>}, {pipeline_mode = #tpu.pipeline_mode<synchronous>, transform_indices = @transform_5, window_bounds = array<i64: 128, 128>}, {pipeline_mode = #tpu.pipeline_mode<synchronous>, transform_indices = @transform_6, window_bounds = array<i64: 1, 128>}, {transform_indices = @transform_7, window_bounds = array<i64: 2000, 128>}]} {
    %get3A = arith.constant 0 : index
    %get3A_0 = arith.constant 0 : index
    %get3A_1 = vector.load %arg4[%get3A, %get3A_0] : memref<2000x1xf32, #tpu.memory_space<vmem>>, vector<2000x1xf32>
    %get3A_2 = arith.constant 0 : index
    %get3A_3 = arith.constant 0 : index
    %get3A_4 = vector.load %arg2[%get3A_2, %get3A_3] : memref<2000x128xf32, #tpu.memory_space<vmem>>, vector<2000x128xf32>
    %get3A_5 = arith.constant 0 : index
    %get3A_6 = arith.constant 0 : index
    %get3A_7 = vector.load %arg3[%get3A_5, %get3A_6] : memref<2000x128xf32, #tpu.memory_space<vmem>>, vector<2000x128xf32>
    %add3A = arith.addf %get3A_4, %get3A_7 : vector<2000x128xf32>
    %mul3A = vector.broadcast %get3A_1 : vector<2000x1xf32> to vector<2000x128xf32>
    %mul3A_8 = arith.mulf %add3A, %mul3A : vector<2000x128xf32>
    %get3A_9 = arith.constant 0 : index
    %get3A_10 = arith.constant 0 : index
    %get3A_11 = vector.load %arg1[%get3A_9, %get3A_10] : memref<2000x128xf32, #tpu.memory_space<vmem>>, vector<2000x128xf32>
    %get3A_12 = arith.constant 0 : index
    %get3A_13 = arith.constant 0 : index
    %get3A_14 = vector.load %arg5[%get3A_12, %get3A_13] : memref<128x128xf32, #tpu.memory_space<vmem>>, vector<128x128xf32>
    %dot_general3A = arith.constant dense<0.000000e+00> : vector<2000x128xf32>
    %dot_general3A_15 = tpu.matmul %get3A_11, %get3A_14, %dot_general3A {dimension_numbers = #tpu.dot_dimension_numbers<[1], [0], [0], [1], [0, 0, 1, 1], [], []>, transpose_lhs_hint = false} : vector<2000x128xf32>, vector<128x128xf32>, vector<2000x128xf32> -> vector<2000x128xf32>
    %get3A_16 = arith.constant 0 : index
    %get3A_17 = arith.constant 0 : index
    %get3A_18 = vector.load %arg6[%get3A_16, %get3A_17] : memref<128x128xf32, #tpu.memory_space<vmem>>, vector<128x128xf32>
    %dot_general3A_19 = arith.constant dense<0.000000e+00> : vector<2000x128xf32>
    %dot_general3A_20 = tpu.matmul %mul3A_8, %get3A_18, %dot_general3A_19 {dimension_numbers = #tpu.dot_dimension_numbers<[1], [0], [0], [1], [0, 0, 1, 1], [], []>, transpose_lhs_hint = false} : vector<2000x128xf32>, vector<128x128xf32>, vector<2000x128xf32> -> vector<2000x128xf32>
    %add3A_21 = arith.addf %dot_general3A_15, %dot_general3A_20 : vector<2000x128xf32>
    %get3A_22 = arith.constant 0 : index
    %get3A_23 = arith.constant 0 : index
    %get3A_24 = vector.load %arg7[%get3A_22, %get3A_23] : memref<1x128xf32, #tpu.memory_space<vmem>>, vector<1x128xf32>
    %add3A_25 = vector.broadcast %get3A_24 : vector<1x128xf32> to vector<2000x128xf32>
    %add3A_26 = arith.addf %add3A_21, %add3A_25 : vector<2000x128xf32>
    %swap3A = arith.constant 0 : index
    %swap3A_27 = arith.constant 0 : index
    %swap3A_28 = vector.load %arg8[%swap3A, %swap3A_27] : memref<2000x128xf32, #tpu.memory_space<vmem>>, vector<2000x128xf32>
    tpu.vector_store %arg8[%swap3A, %swap3A_27], %add3A_26 {strides = array<i32>} : memref<2000x128xf32, #tpu.memory_space<vmem>>, vector<2000x128xf32>,
    return
  }
  func.func @transform_0(%arg0: i32) -> (i32, i32) {
    %c0_i32 = arith.constant 0 : i32
    %c0_i32_0 = arith.constant 0 : i32
    return %arg0, %c0_i32 : i32, i32
  }
  func.func @transform_1(%arg0: i32) -> (i32, i32) {
    %c0_i32 = arith.constant 0 : i32
    %c0_i32_0 = arith.constant 0 : i32
    return %arg0, %c0_i32 : i32, i32
  }
  func.func @transform_2(%arg0: i32) -> (i32, i32) {
    %c0_i32 = arith.constant 0 : i32
    %c0_i32_0 = arith.constant 0 : i32
    return %arg0, %c0_i32 : i32, i32
  }
  func.func @transform_3(%arg0: i32) -> (i32, i32) {
    %c0_i32 = arith.constant 0 : i32
    %c0_i32_0 = arith.constant 0 : i32
    return %arg0, %c0_i32 : i32, i32
  }
  func.func @transform_4(%arg0: i32) -> (i32, i32) {
    %c0_i32 = arith.constant 0 : i32
    %c0_i32_0 = arith.constant 0 : i32
    %c0_i32_1 = arith.constant 0 : i32
    return %c0_i32, %c0_i32_0 : i32, i32
  }
  func.func @transform_5(%arg0: i32) -> (i32, i32) {
    %c0_i32 = arith.constant 0 : i32
    %c0_i32_0 = arith.constant 0 : i32
    %c0_i32_1 = arith.constant 0 : i32
    return %c0_i32, %c0_i32_0 : i32, i32
  }
  func.func @transform_6(%arg0: i32) -> (i32, i32) {
    %c0_i32 = arith.constant 0 : i32
    %c0_i32_0 = arith.constant 0 : i32
    %c0_i32_1 = arith.constant 0 : i32
    return %c0_i32, %c0_i32_0 : i32, i32
  }
  func.func @transform_7(%arg0: i32) -> (i32, i32) {
    %c0_i32 = arith.constant 0 : i32
    %c0_i32_0 = arith.constant 0 : i32
    return %arg0, %c0_i32 : i32, i32
  }
}

</mosaic_0001>

<sc_bundles>
// kernel: kernel.6.cloned.1.call-start
scs
__scs_entry_jumppad:
0x0: {  	(pc) =	sbr.rel $0x88, $3  }
0x1: {  	(tag) =	ssettag $0x0;
	lr =	simm.s32 $0x1  }
0x2: {  	[smem:$0x3F99] =	sst lr;
	_ =	strace $0xD0000000  }
0x3: {  	_ = 	snop  }
0x4: {  	_ = 	snop  }
0x5: {  	_ = 	snop  }
0x6: {  	_ = 	snop  }
0x7: {  	_ = 	snop  }
__scs_overlays_trampoline_lowered:
0x8: {  	[smem:$0x3FA8] =	sst s0  }
0x9: {  	[smem:$0x3FA9] =	sst s1  }
0xa: {  	[smem:$0x3FAA] =	sst s2  }
0xb: {  	[smem:$0x3FAB] =	sst s3  }
0xc: {  	[smem:$0x3FAC] =	sst s4  }
0xd: {  	[smem:$0x3FAD] =	sst s5  }
0xe: {  	[smem:$0x3FAE] =	sst s6  }
0xf: {  	[smem:$0x3FAF] =	sst s7  }
0x10: {  	[smem:$0x3FB0] =	sst s8  }
0x11: {  	[smem:$0x3FB1] =	sst s9;
	s0 =	simm.s32 @!p0 $0x0  }
0x12: {  	s1 =	sld [smem:$0x3F97];
	s0 =	simm.s32 @p0 $0x1  }
0x13: {  	[smem:$0x3FB2] =	sst s0;
	s0 =	simm.s32 @!p1 $0x0  }
0x14: {  	s2 =	sld [smem:$0x3F96];
	s0 =	simm.s32 @p1 $0x1  }
0x15: {  	[smem:$0x3FB3] =	sst s0;
	s0 =	simm.s32 @!p2 $0x0  }
0x16: {  	s3 =	sld [smem:$0x3FDB];
	s0 =	simm.s32 @p2 $0x1  }
0x17: {  	s4 =	simm.s32 $0x1BF5;
	[smem:$0x3FB5] =	sst s0  }
0x18: {  	s0 =	sld [smem:$0x3F98];
	_ =	swait.ge [sflag:s4], $0x0  }
0x19: {  	s7 =	sld [smem:$0x3F99]  }
0x1a: {  	s8 =	sadd.s32 $0xFFFFE003, lr  }
0x1b: {  	s9 =	sadd.s32 $0xFFFFFEF7, lr;
	s5 =	simm.s32 $0xFFFFFFFF;
	p2 =	slt.u32 s8, $0xFFFFF086  }
0x1c: {  	p1 =	slt.u32 s9, $0xF7A;
	s5 =	simm.s32 @!p2 $0x0  }
0x1d: {  	s5 =	simm.s32 @p1 $0x1;
	p0 =	seq.s32 s7, s2  }
0x1e: {  	s7 =	smul.u32 @!p0 $0xF7A, s2;
	p2 =	seq.s32 @!p0 s5, $0x0  }
0x1f: {  	s9 =	smul.u32 $0xF7A, s1;
	s8 =	simm.s32 @!p0 $0x1BF5;
	p2 =	por !p2, p0  }
0x20: {  	[sflag:s8] =	ssyncset.s32 @!p0 $0xFFFFF086;
	s6 =	sadd.s32 @!p0 s3, s7;
	s7 =	simm.s32 @!p0 $0x108  }
0x21: {  	s3 =	sadd.s32 s3, s9;
	s6 =	sadd.s32 @!p0 $0x88, s6;
	s7 =	simm.s32 @p2 $0x1082  }
0x22: {  	[simem:s7], [sflag:s8] =	dma.local @!p0 [hbm:s6], $0xF7A  }
0x23: {  	s9 =	sor.u32 $0xD0000000, s2;
	s6 =	simm.s32 $0x108;
	_ =	swait.ge @!p0 [sflag:s8], $0x0  }
0x24: {  	s3 =	sadd.s32 $0x88, s3;
	s6 =	simm.s32 @!p1 $0x1082;
	[sflag:s4] =	ssyncset.s32 $0xFFFFF086  }
0x25: {  	[simem:s6], [sflag:s4] =	dma.local [hbm:s3], $0xF7A  }
0x26: {  	[smem:$0x3F99] =	sst s1;
	(tag) =	ssettag s2;
	_ =	strace s9  }
0x27: {  	s1 =	sld [smem:$0x3FA9]  }
0x28: {  	s2 =	sld [smem:$0x3FAA]  }
0x29: {  	s4 =	sld [smem:$0x3FAC]  }
0x2a: {  	p0 =	seq.s32 s5, $0x0;
	s5 =	sld [smem:$0x3FAD]  }
0x2b: {  	s6 =	sld [smem:$0x3FAE]  }
0x2c: {  	s7 =	sld [smem:$0x3FAF]  }
0x2d: {  	s3 =	simm.s32 $0x108;
	s8 =	sld [smem:$0x3FB0]  }
0x2e: {  	s3 =	simm.s32 @!p0 $0x1082;
	s9 =	sld [smem:$0x3FB1]  }
0x2f: {  	lr =	sadd.s32 s0, s3;
	s0 =	sld [smem:$0x3FA8]  }
0x30: {  	s3 =	sld [smem:$0x3FAB]  }
0x31: {  	[smem:$0x3FB4] =	sst s10  }
0x32: {  	s10 =	sld [smem:$0x3FB2];
	_ =	sdelay $0x3  }
0x33: {  	p0 =	seq.s32 s10, $0x1;
	s10 =	sld [smem:$0x3FB4];
	_ =	sdelay $0x3  }
0x34: {  	[smem:$0x3FB4] =	sst s10  }
0x35: {  	s10 =	sld [smem:$0x3FB3];
	_ =	sdelay $0x3  }
0x36: {  	p1 =	seq.s32 s10, $0x1;
	s10 =	sld [smem:$0x3FB4];
	_ =	sdelay $0x3  }
0x37: {  	[smem:$0x3FB4] =	sst s10  }
0x38: {  	s10 =	sld [smem:$0x3FB5]  }
0x39: {  	_ = 	snop;
	(pc) =	sbr.ind lr, $3  }
0x3a: {  	_ = 	snop  }
0x3b: {  	_ = 	snop  }
0x3c: {  	p2 =	seq.s32 s10, $0x1;
	s10 =	sld [smem:$0x3FB4]  }
0x3d: {  	_ =	shalt  }
0x3e: {  	_ =	shalt  }
0x3f: {  	_ =	shalt  }
0x40: {  	_ =	shalt  }
0x41: {  	_ =	shalt  }
0x42: {  	_ =	shalt  }
0x43: {  	_ =	shalt  }
0x44: {  	_ =	shalt  }
0x45: {  	_ =	shalt  }
0x46: {  	_ =	shalt  }
0x47: {  	_ =	shalt  }
0x48: {  	_ =	shalt  }
0x49: {  	_ =	shalt  }
0x4a: {  	_ =	shalt  }
0x4b: {  	_ =	shalt  }
0x4c: {  	_ =	shalt  }
0x4d: {  	_ =	shalt  }
0x4e: {  	_ =	shalt  }
0x4f: {  	_ =	shalt  }
0x50: {  	_ =	shalt  }
0x51: {  	_ =	shalt  }
0x52: {  	_ =	shalt  }
0x53: {  	_ =	shalt  }
0x54: {  	_ =	shalt  }
0x55: {  	_ =	shalt  }
0x56: {  	_ =	shalt  }
0x57: {  	_ =	shalt  }
0x58: {  	_ =	shalt  }
0x59: {  	_ =	shalt  }
0x5a: {  	_ =	shalt  }
0x5b: {  	_ =	shalt  }
0x5c: {  	_ =	shalt  }
0x5d: {  	_ =	shalt  }
0x5e: {  	_ =	shalt  }
0x5f: {  	_ =	shalt  }
0x60: {  	_ =	shalt  }
0x61: {  	_ =	shalt  }
0x62: {  	_ =	shalt  }
0x63: {  	_ =	shalt  }
0x64: {  	_ =	shalt  }
0x65: {  	_ =	shalt  }
0x66: {  	_ =	shalt  }
0x67: {  	_ =	shalt  }
0x68: {  	_ =	shalt  }
0x69: {  	_ =	shalt  }
0x6a: {  	_ =	shalt  }
0x6b: {  	_ =	shalt  }
0x6c: {  	_ =	shalt  }
0x6d: {  	_ =	shalt  }
0x6e: {  	_ =	shalt  }
0x6f: {  	_ =	shalt  }
0x70: {  	_ =	shalt  }
0x71: {  	_ =	shalt  }
0x72: {  	_ =	shalt  }
0x73: {  	_ =	shalt  }
0x74: {  	_ =	shalt  }
0x75: {  	_ =	shalt  }
0x76: {  	_ =	shalt  }
0x77: {  	_ =	shalt  }
0x78: {  	_ =	shalt  }
0x79: {  	_ =	shalt  }
0x7a: {  	_ =	shalt  }
0x7b: {  	_ =	shalt  }
0x7c: {  	_ =	shalt  }
0x7d: {  	_ =	shalt  }
0x7e: {  	_ =	shalt  }
0x7f: {  	_ =	shalt  }
0x80: {  	_ =	shalt  }
0x81: {  	_ =	shalt  }
0x82: {  	_ =	shalt  }
0x83: {  	_ =	shalt  }
0x84: {  	_ =	shalt  }
0x85: {  	_ =	shalt  }
0x86: {  	_ =	shalt  }
0x87: {  	_ =	shalt  }
.Lfunc_end0:
.L_simem_size_0:
called_computation_lowered:
.L_overlay_start_0:
0x88: {  	s2 =	sld [smem:$0x3FD9]  }
0x89: {  	s3 =	sld [smem:$0x3FFE];
	_ =	sdelay $0x1  }
0x8a: {  	s1 =	srdreg.scid  }
0x8b: {  	s0 =	sand.u32 $0x1, s1  }
0x8c: {  	s17 =	sshll.u32 s0, $0xA;
	s2 =	sadd.s32 s3, s2  }
0x8d: {  	s2 =	sadd.s32 s2, s17  }
0x8e: {  	[smem:$0x3FC0] =	sst s2  }
0x8f: {  	_ = 	snop  }
0x90: {  	s2 =	sld [smem:$0x3FC9]  }
0x91: {  	s18 =	sld [smem:$0x3FD0];
	(tm) =	ssettm $0x1  }
0x92: {  	s4 =	sld [smem:$0x3FFB];
	_ =	sdelay $0x3  }
0x93: {  	_ =	strace s4  }
0x94: {  	s4 =	sld [smem:$0x3FFC];
	_ =	sdelay $0x3  }
0x95: {  	_ =	strace s4  }
0x96: {  	s4 =	sld [smem:$0x3FFD];
	_ =	sdelay $0x3  }
0x97: {  	_ =	strace s4  }
0x98: {  	_ =	strace $0x8FFFFFFF  }
0x99: {  	s19 =	sld [smem:$0x3FDB];
	_ =	sdelay $0x1  }
0x9a: {  	s5 =	simm.s32 $_scs_section_size  }
0x9b: {  	s6 =	simm.s32 $_size__tile_overlayer_lowered;
	s7 =	simm.s32 $_tile_overlayer_lowered  }
0x9c: {  	s22 =	simm.s32 $0x1BFF;
	s21 =	sshll.u32 s7, $0x1;
	s4 =	sadd.s32 s5, s19  }
0x9d: {  	s8 =	simm.s32 $0x0;
	s20 =	sshll.u32 s6, $0x1;
	s6 =	sadd.s32 s21, s4  }
0x9e: {  	[timem:s8], [sflag:s22] =	dma.local [hbm:s6], s20  }
0x9f: {  	_ =	swait.ge [sflag:s22], s20  }
0xa0: {  	s5 =	ssub.s32 $0x0, s20;
	[sflag:s22] =	ssyncset.done $0x0  }
0xa1: {  	[sflag:s22] =	ssyncadd.s32 s5;
	_ =	sdelay $0x1  }
0xa2: {  	s23 =	simm.s32 $0x1B8B  }
0xa3: {  	_ =	swait.ge [sflag:s23], $0x1  }
0xa4: {  	[sflag:s23] =	ssyncset.done $0x0  }
0xa5: {  	s25 =	simm.s32 $0x1B8E;
	s24 =	sld [smem:$0x3FFE];
	[sflag:s23] =	ssyncadd.s32 $0xFFFFFFFF  }
0xa6: {  	s26 =	simm.s32 $execute0_lowered;
	[smem:$0x3FD2] =	sst s25  }
0xa7: {  	s6 =	sshll.u32 s26, $0x1;
	_ =	strace $0x80000046;
	[dreg:$0x1] =	wrdreg $0xFFFFFFFF  }
0xa8: {  	s28 =	simm.s32 $_size_execute0_lowered;
	s4 =	sadd.s32 s4, s6;
	[dreg:$0x0] =	wrdreg $0x0  }
0xa9: {  	s6 =	sshll.u32 s28, $0x1;
	[dreg:$0x2] =	wrdreg s4  }
0xaa: {  	[dreg:$0x3] =	wrdreg s6  }
0xab: {  	[dreg:$0x4] =	wrdreg $0xC0  }
0xac: {  	_ =	task [dreg:s8], $0x5FFFF  }
0xad: {  	[dreg:$0x1] =	wrdreg $0xFFFFFFFF  }
0xae: {  	[dreg:$0x0] =	wrdreg $0x60  }
0xaf: {  	[dreg:$0x2] =	wrdreg s2  }
0xb0: {  	[dreg:$0x3] =	wrdreg s24  }
0xb1: {  	[dreg:$0x4] =	wrdreg s18  }
0xb2: {  	[dreg:$0x5] =	wrdreg $0x53000  }
0xb3: {  	[dreg:$0x6] =	wrdreg $0x9  }
0xb4: {  	_ =	task.clear_ibuf [dreg:s8], $0x7FFFF;
	_ =	strace $0x90000046  }
0xb5: {  	s29 =	simm.s32 $0x9;
	_ =	strace $0x80000048  }
0xb6: {  	_ =	swait.ge [sflag:s29], $0x1  }
0xb7: {  	[sflag:s29] =	ssyncadd.s32 $0xFFFFFFFF  }
0xb8: {  	_ =	strace $0x90000048  }
0xb9: {  	_ =	sfence  }
0xba: {  	s30 =	sld [smem:$0x0];
	_ =	sdelay $0x2  }
0xbb: {  	s31 =	sshll.u32 s1, $0xD;
	s1 =	sshrl.u32 s1, $0x2  }
0xbc: {  	s3 =	sand.u32 $0x4000, s31;
	s1 =	sadd.s32 s1, s30  }
0xbd: {  	s0 =	sor.u32 s3, s0;
	s1 =	sshll.u32 s1, $0x11  }
0xbe: {  	s0 =	sor.u32 s1, s0  }
0xbf: {  	s0 =	sadd.s32 $0x8F2B, s0  }
0xc0: {  	[sflag:s0] =	ssyncadd.remote.s32 $0x1  }
0xc1: {  	_ =	sfence.sel $0xFFFF  }
0xc2: {  	[dreg:$0x0] =	wrdreg $0xFFFFFFFF;
	(pc) =	sbr.abs _section_cstart, $3  }
0xc3: {  	[dreg:$0x1] =	wrdreg $0xFFFFFFFF  }
0xc4: {  	_ =	task.clear_ibuf [dreg:s8], $0x2FFFF;
	_ =	strace $0x9FFFFFFF  }
0xc5: {  	(tm) =	ssettm $0x7FFFFFFF  }
tec
execute0_lowered:
.L_overlay_start_1:
0x0: {  	(tag) =	ssettag $0x1  }
0x1: {  	s1 =	rddreg [dreg:$0x0]  }
0x2: {  	s0 =	rddreg [dreg:$0x1]  }
0x3: {  	s2 =	rddreg [dreg:$0x2]  }
0x4: {  	s3 =	rddreg [dreg:$0x3];
	s6 =	stileid.u32  }
0x5: {  	s5 =	simm.s32 $0x0;
	s4 =	srdreg.scid;
	s8 =	smul.u32 $0x13C00, s6  }
0x6: {  	s31 =	simm.s32 $0x80;
	[smem:$0x7FF] =	sst s5;
	s23 =	smul.u32 $0x4F000, s6  }
0x7: {  	s4 =	sand.u32 $0x1, s4;
	s11 =	sadd.s32 $0x2800, s0;
	s14 =	smul.u32 $0x2710, s6  }
0x8: {  	s9 =	sadd.s32 $0xC600, s0;
	s12 =	sadd.s32 $0xCC00, s0;
	s7 =	smul.u32 $0x13C000, s4  }
0x9: {  	_ =	strace $0x80000047;
	[dreg:$0x5] =	wrdreg s9;
	s21 =	sshll.u32 s4, $0x4  }
0xa: {  	s10 =	ssub.s32 $0x2, s4;
	[dreg:$0x6] =	wrdreg s12;
	s4 =	smul.u32 $0x27100, s4  }
0xb: {  	s22 =	sor.u32 s6, s21;
	s24 =	sshrl.u32 s10, $0x1;
	s9 =	sshrl.u32 s23, $0x2  }
0xc: {  	s6 =	simm.s32 $0x0;
	s7 =	sadd.s32 s8, s7;
	s8 =	smul.u32 $0x2710, s22  }
0xd: {  	s12 =	sadd.s32 s9, s3;
	s4 =	sadd.s32 s14, s4;
	s7 =	sshrl.u32 s7, $0x3  }
0xe: {  	s20 =	sadd.s32 $0x190, s4;
	s22 =	sadd.s32 $0x280, s4;
	s23 =	sadd.s32 $0x140, s4  }
0xf: {  	s14 =	sadd.s32 $0x7800, s12;
	[dreg:$0x7] =	wrdreg s12;
	s0 =	sadd.s32 s7, s0  }
0x10: {  	s7 =	ssub.s32 s10, s24;
	s8 =	sshrl.u32 s8, $0x3;
	s24 =	sadd.s32 $0x230, s4  }
0x11: {  	s10 =	sadd.s32 $0x2800, s12;
	[dreg:$0x16] =	wrdreg s14;
	s14 =	simm.s32 $0x180  }
0x12: {  	s25 =	sadd.s32 $0xA, s8;
	s13 =	sadd.s32 s2, s8;
	s15 =	sadd.s32 $0x5C200, s0  }
0x13: {  	s16 =	sadd.s32 s11, s8;
	s8 =	sadd.s32 $0x14, s8;
	[dreg:$0x14] =	wrdreg s10  }
0x14: {  	s0 =	sadd.s32 $0xD200, s0;
	s21 =	smax.u32 s7, $0x1;
	[dreg:$0xa] =	wrdreg s15  }
0x15: {  	s7 =	sshrl.u32 s22, $0x3;
	s9 =	sshrl.u32 s24, $0x3;
	[dreg:$0xb] =	wrdreg s16  }
0x16: {  	s10 =	simm.s32 $0x3;
	s26 =	sadd.s32 s2, s25;
	[dreg:$0xf] =	wrdreg s0  }
0x17: {  	s17 =	sadd.s32 s11, s25;
	s18 =	sadd.s32 s11, s8;
	[dreg:$0x10] =	wrdreg s21  }
0x18: {  	s19 =	sadd.s32 s2, s8;
	s0 =	sshrl.u32 s20, $0x3;
	[dreg:$0x8] =	wrdreg s13  }
0x19: {  	s8 =	sshrl.u32 s23, $0x3;
	s25 =	sadd.s32 s7, s2;
	[dreg:$0x9] =	wrdreg s26  }
0x1a: {  	s21 =	sadd.s32 s9, s2;
	s22 =	sadd.s32 s9, s11;
	[dreg:$0xc] =	wrdreg s17  }
0x1b: {  	s20 =	smov.u32 s11;
	s15 =	sadd.s32 $0xA000, s12;
	[dreg:$0xd] =	wrdreg s18  }
0x1c: {  	s16 =	sadd.s32 $0xC800, s12;
	s23 =	sadd.s32 $0x4D8, s13;
	[dreg:$0xe] =	wrdreg s19  }
0x1d: {  	[dreg:$0x11] =	wrdreg s25;
	s26 =	sadd.s32 s7, s11;
	s7 =	sadd.s32 $0x1E0, s4  }
0x1e: {  	s4 =	sadd.s32 $0xF0, s4;
	s24 =	sadd.s32 s0, s2;
	[dreg:$0x17] =	wrdreg s15  }
0x1f: {  	s25 =	sadd.s32 s0, s11;
	s28 =	sadd.s32 s8, s11;
	[dreg:$0x18] =	wrdreg s16  }
0x20: {  	s17 =	sadd.s32 $0xF000, s12;
	s18 =	sadd.s32 $0x11800, s12;
	[dreg:$0x1c] =	wrdreg s23  }
0x21: {  	s19 =	sadd.s32 $0x1E, s13;
	s23 =	simm.s32 $0x300;
	[dreg:$0x12] =	wrdreg s26  }
0x22: {  	s15 =	simm.s32 $0x200;
	s16 =	simm.s32 $0x4;
	[dreg:$0x13] =	wrdreg s7  }
0x23: {  	s0 =	simm.s32 $0x100;
	s9 =	sshrl.u32 s4, $0x3;
	[dreg:$0x19] =	wrdreg s17  }
.Ltmp0:
0x24: {  	s26 =	sadd.s32 s8, s2;
	[dreg:$0x1a] =	wrdreg s18;
	(pc) =	sbr.rel .LBB2_1-.Ltmp0, $4  }
0x25: {  	[dreg:$0x1b] =	wrdreg s19;
	s17 =	simm.s32 $0x2B00;
	s18 =	simm.s32 $0x6  }
0x26: {  	s4 =	simm.s32 $0x280;
	s7 =	simm.s32 $0x1;
	s8 =	simm.s32 $0x5  }
0x27: {  	s29 =	sadd.s32 s9, s2;
	s30 =	sadd.s32 s9, s11;
	s11 =	sadd.s32 $0x5000, s12  }
0x28: {  	s12 =	simm.s32 $0x2;
	[dreg:$0x15] =	wrdreg s11;
	s11 =	simm.s32 $0x50  }
.LBB2_6:
0x29: {  	_ =	swait.ge [sflag:s7], $0x2800  }
0x2a: {  	[sflag:s7] =	ssyncset.done $0x0  }
0x2b: {  	[sflag:s7] =	ssyncadd.s32 $0xFFFFD800  }
0x2c: {  	[spmem:s3] =	stream.indirect.scatter.add.f32 [tilespmem:s23], [sflag:$0x6], $0x80, s15, s11, $0xb8;
	[tilespmem:$0x18F00] =	vst v63  }
0x2d: {  	_ =	swait.ge [sflag:s18], $0x2800  }
0x2e: {  	[sflag:s18] =	ssyncset.done $0x0  }
0x2f: {  	[sflag:s18] =	ssyncadd.s32 $0xFFFFD800  }
0x30: {  	[bflag:$0x0] =	sbarrier.arrive $0xFFFF  }
0x31: {  	s2 =	rddreg [dreg:$0xf]  }
0x32: {  	s6 =	rddreg [dreg:$0x1e]  }
0x33: {  	s9 =	rddreg [dreg:$0x1f]  }
0x34: {  	[hbm:s2], [sflag:s6] =	dma.local [spmem:s9], $0x2780  }
0x35: {  	_ =	swait.ge [sflag:s18], $0x2780  }
0x36: {  	s13 =	rddreg [dreg:$0x1d]  }
0x37: {  	s19 =	rddreg [dreg:$0x10];
	s6 =	sadd.s32 $0x1, s13  }
0x38: {  	p0 =	sne.s32 s6, s19  }
.Ltmp1:
0x39: {  	_ = 	snop;
	(pc) =	sbr.rel @!p0 .LBB2_7-.Ltmp1, $3  }
0x3a: {  	_ =	sdelay $0x1  }
0x3b: {  	[sflag:s18] =	ssyncset.done $0x0  }
0x3c: {  	[sflag:s18] =	ssyncadd.s32 $0xFFFFD880  }
.LBB2_1:
0x3d: {  	[dreg:$0x1d] =	wrdreg s6  }
0x3e: {  	s2 =	rddreg [dreg:$0x5]  }
0x3f: {  	[tilespmem:s17], [sflag:$0x6] =	stream.linear.gather [hbm4b:s2+s5], $0x2800, $0x38;
	[tilespmem:$0x18F00] =	vst v63  }
0x40: {  	_ =	swait.ge [sflag:s18], $0x2800  }
0x41: {  	[sflag:s18] =	ssyncset.done $0x0  }
0x42: {  	s13 =	rddreg [dreg:$0x6];
	[sflag:s18] =	ssyncadd.s32 $0xFFFFD800  }
0x43: {  	[tilespmem:s23], [sflag:$0x6] =	stream.linear.gather [hbm4b:s13+s5], $0x2800, $0x38;
	[tilespmem:$0x18F00] =	vst v63  }
0x44: {  	_ =	swait.ge [sflag:s18], $0x2800  }
0x45: {  	[sflag:s18] =	ssyncset.done $0x0  }
0x46: {  	s19 =	rddreg [dreg:$0x7];
	[sflag:s18] =	ssyncadd.s32 $0xFFFFD800  }
0x47: {  	[spmem:s19] =	stream.linear.scatter [tilespmem:s17], [sflag:$0x6], $0x2800, $0x38;
	[tilespmem:$0x18F00] =	vst v63  }
0x48: {  	_ =	swait.ge [sflag:s18], $0x2800  }
0x49: {  	[sflag:s18] =	ssyncset.done $0x0  }
0x4a: {  	s6 =	rddreg [dreg:$0x14];
	[sflag:s18] =	ssyncadd.s32 $0xFFFFD800  }
0x4b: {  	[spmem:s6] =	stream.linear.scatter [tilespmem:s17], [sflag:$0x6], $0x2800, $0x38;
	[tilespmem:$0x18F00] =	vst v63  }
0x4c: {  	_ =	swait.ge [sflag:s18], $0x2800  }
0x4d: {  	[sflag:s18] =	ssyncset.done $0x0  }
0x4e: {  	s9 =	rddreg [dreg:$0x15];
	[sflag:s18] =	ssyncadd.s32 $0xFFFFD800  }
0x4f: {  	[spmem:s9] =	stream.linear.scatter [tilespmem:s17], [sflag:$0x6], $0x2800, $0x38;
	[tilespmem:$0x18F00] =	vst v63  }
0x50: {  	_ =	swait.ge [sflag:s18], $0x2800  }
0x51: {  	[sflag:s18] =	ssyncset.done $0x0  }
0x52: {  	s13 =	rddreg [dreg:$0x16];
	[sflag:s18] =	ssyncadd.s32 $0xFFFFD800  }
0x53: {  	[spmem:s13] =	stream.linear.scatter [tilespmem:s17], [sflag:$0x6], $0x2800, $0x38;
	[tilespmem:$0x18F00] =	vst v63  }
0x54: {  	_ =	swait.ge [sflag:s18], $0x2800  }
0x55: {  	[sflag:s18] =	ssyncset.done $0x0  }
0x56: {  	s19 =	rddreg [dreg:$0x17];
	[sflag:s18] =	ssyncadd.s32 $0xFFFFD800  }
0x57: {  	[spmem:s19] =	stream.linear.scatter [tilespmem:s17], [sflag:$0x6], $0x2800, $0x38;
	[tilespmem:$0x18F00] =	vst v63  }
0x58: {  	_ =	swait.ge [sflag:s18], $0x2800  }
0x59: {  	[sflag:s18] =	ssyncset.done $0x0  }
0x5a: {  	s6 =	rddreg [dreg:$0x18];
	[sflag:s18] =	ssyncadd.s32 $0xFFFFD800  }
0x5b: {  	[spmem:s6] =	stream.linear.scatter [tilespmem:s17], [sflag:$0x6], $0x2800, $0x38;
	[tilespmem:$0x18F00] =	vst v63  }
0x5c: {  	_ =	swait.ge [sflag:s18], $0x2800  }
0x5d: {  	[sflag:s18] =	ssyncset.done $0x0  }
0x5e: {  	s9 =	rddreg [dreg:$0x19];
	[sflag:s18] =	ssyncadd.s32 $0xFFFFD800  }
0x5f: {  	[spmem:s9] =	stream.linear.scatter [tilespmem:s17], [sflag:$0x6], $0x2800, $0x38;
	[tilespmem:$0x18F00] =	vst v63  }
0x60: {  	_ =	swait.ge [sflag:s18], $0x2800  }
0x61: {  	[sflag:s18] =	ssyncset.done $0x0  }
0x62: {  	s13 =	rddreg [dreg:$0x1a];
	[sflag:s18] =	ssyncadd.s32 $0xFFFFD800  }
0x63: {  	[spmem:s13] =	stream.linear.scatter [tilespmem:s17], [sflag:$0x6], $0x2400, $0x38;
	[tilespmem:$0x18F00] =	vst v63  }
0x64: {  	_ =	swait.ge [sflag:s18], $0x2400  }
0x65: {  	[sflag:s18] =	ssyncset.done $0x0  }
0x66: {  	[sflag:s18] =	ssyncadd.s32 $0xFFFFDC00  }
0x67: {  	[bflag:$0x0] =	sbarrier.arrive $0xFFFF  }
0x68: {  	s19 =	rddreg [dreg:$0x8]  }
0x69: {  	[tilespmem:s14], [sflag:$0x6] =	stream.linear.gather [hbm4b:s19+s5], $0x50, $0x38;
	[tilespmem:$0x18F00] =	vst v63  }
0x6a: {  	_ =	swait.ge [sflag:s18], $0x50  }
0x6b: {  	[sflag:s18] =	ssyncset.done $0x0  }
0x6c: {  	s6 =	rddreg [dreg:$0x9];
	[sflag:s18] =	ssyncadd.s32 $0xFFFFFFB0  }
0x6d: {  	[tilespmem:s15], [sflag:$0x4] =	stream.linear.gather [hbm4b:s6+s5], $0x50, $0x38;
	[tilespmem:$0x18F00] =	vst v63  }
0x6e: {  	_ = 	snop  }
0x6f: {  	[spmem:s3] =	stream.indirect.scatter.add.f32 [tilespmem:s23], [sflag:$0x6], $0x80, s14, s11, $0xb8;
	[tilespmem:$0x18F00] =	vst v63  }
0x70: {  	_ =	swait.ge [sflag:s18], $0x2800  }
0x71: {  	[sflag:s18] =	ssyncset.done $0x0  }
0x72: {  	s9 =	rddreg [dreg:$0xe];
	[sflag:s18] =	ssyncadd.s32 $0xFFFFD800  }
0x73: {  	[tilespmem:s14], [sflag:$0x3] =	stream.linear.gather [hbm4b:s9+s5], $0x50, $0x38;
	[tilespmem:$0x18F00] =	vst v63  }
0x74: {  	_ =	swait.ge [sflag:s16], $0x50  }
0x75: {  	[sflag:s16] =	ssyncset.done $0x0  }
0x76: {  	[sflag:s16] =	ssyncadd.s32 $0xFFFFFFB0  }
0x77: {  	[spmem:s3] =	stream.indirect.scatter.add.f32 [tilespmem:s23], [sflag:$0x6], $0x80, s15, s11, $0xb8;
	[tilespmem:$0x18F00] =	vst v63  }
0x78: {  	_ =	swait.ge [sflag:s18], $0x2800  }
0x79: {  	[sflag:s18] =	ssyncset.done $0x0  }
0x7a: {  	s13 =	rddreg [dreg:$0x1b];
	[sflag:s18] =	ssyncadd.s32 $0xFFFFD800  }
0x7b: {  	[tilespmem:s15], [sflag:$0x4] =	stream.linear.gather [hbm4b:s13+s5], $0x50, $0x38;
	[tilespmem:$0x18F00] =	vst v63  }
0x7c: {  	_ =	swait.ge [sflag:s10], $0x50  }
0x7d: {  	[sflag:s10] =	ssyncset.done $0x0  }
0x7e: {  	[sflag:s10] =	ssyncadd.s32 $0xFFFFFFB0  }
0x7f: {  	[spmem:s3] =	stream.indirect.scatter.add.f32 [tilespmem:s23], [sflag:$0x6], $0x80, s14, s11, $0xb8;
	[tilespmem:$0x18F00] =	vst v63  }
0x80: {  	_ =	swait.ge [sflag:s18], $0x2800  }
0x81: {  	[sflag:s18] =	ssyncset.done $0x0  }
0x82: {  	s9 =	sadd.s32 $0x0, s26;
	[sflag:s18] =	ssyncadd.s32 $0xFFFFD800  }
0x83: {  	[tilespmem:s14], [sflag:$0x3] =	stream.linear.gather [hbm4b:s9+s5], $0x50, $0x38;
	[tilespmem:$0x18F00] =	vst v63  }
0x84: {  	_ =	swait.ge [sflag:s16], $0x50  }
0x85: {  	[sflag:s16] =	ssyncset.done $0x0  }
0x86: {  	[sflag:s16] =	ssyncadd.s32 $0xFFFFFFB0  }
0x87: {  	[spmem:s3] =	stream.indirect.scatter.add.f32 [tilespmem:s23], [sflag:$0x6], $0x80, s15, s11, $0xb8;
	[tilespmem:$0x18F00] =	vst v63  }
0x88: {  	_ =	swait.ge [sflag:s18], $0x2800  }
0x89: {  	[sflag:s18] =	ssyncset.done $0x0  }
0x8a: {  	s19 =	sadd.s32 $0x0, s24;
	[sflag:s18] =	ssyncadd.s32 $0xFFFFD800  }
0x8b: {  	[tilespmem:s15], [sflag:$0x4] =	stream.linear.gather [hbm4b:s19+s5], $0x50, $0x38;
	[tilespmem:$0x18F00] =	vst v63  }
0x8c: {  	_ =	swait.ge [sflag:s10], $0x50  }
0x8d: {  	[sflag:s10] =	ssyncset.done $0x0  }
0x8e: {  	[sflag:s10] =	ssyncadd.s32 $0xFFFFFFB0  }
0x8f: {  	[spmem:s3] =	stream.indirect.scatter.add.f32 [tilespmem:s23], [sflag:$0x6], $0x80, s14, s11, $0xb8;
	[tilespmem:$0x18F00] =	vst v63  }
0x90: {  	_ =	swait.ge [sflag:s18], $0x2800  }
0x91: {  	s13 =	simm.s32 $0x28;
	s9 =	simm.s32 $0x14;
	[sflag:s18] =	ssyncset.done $0x0  }
.LBB2_2:
0x92: {  	s2 =	sadd.s32 s9, s26  }
0x93: {  	[sflag:s18] =	ssyncadd.s32 $0xFFFFD800;
	s6 =	smov.u32 s13;
	s19 =	sadd.s32 $0x14, s13  }
0x94: {  	[tilespmem:s14], [sflag:$0x3] =	stream.linear.gather [hbm4b:s2+s5], $0x50, $0x38;
	[tilespmem:$0x18F00] =	vst v63  }
0x95: {  	p0 =	sne.s32 s13, $0x49C;
	_ =	swait.ge [sflag:s16], $0x50  }
0x96: {  	[sflag:s16] =	ssyncset.done $0x0  }
0x97: {  	[sflag:s16] =	ssyncadd.s32 $0xFFFFFFB0  }
0x98: {  	[spmem:s3] =	stream.indirect.scatter.add.f32 [tilespmem:s23], [sflag:$0x6], $0x80, s15, s11, $0xb8;
	[tilespmem:$0x18F00] =	vst v63  }
0x99: {  	_ =	swait.ge [sflag:s18], $0x2800  }
0x9a: {  	[sflag:s18] =	ssyncset.done $0x0  }
0x9b: {  	s2 =	sadd.s32 s9, s24;
	s9 =	smov.u32 s6;
	[sflag:s18] =	ssyncadd.s32 $0xFFFFD800  }
0x9c: {  	[tilespmem:s15], [sflag:$0x4] =	stream.linear.gather [hbm4b:s2+s5], $0x50, $0x38;
	[tilespmem:$0x18F00] =	vst v63  }
0x9d: {  	_ =	swait.ge [sflag:s10], $0x50  }
.Ltmp2:
0x9e: {  	[sflag:s10] =	ssyncset.done $0x0;
	(pc) =	sbr.rel @p0 .LBB2_2-.Ltmp2, $4  }
0x9f: {  	[sflag:s10] =	ssyncadd.s32 $0xFFFFFFB0  }
0xa0: {  	[spmem:s3] =	stream.indirect.scatter.add.f32 [tilespmem:s23], [sflag:$0x6], $0x80, s14, s11, $0xb8;
	[tilespmem:$0x18F00] =	vst v63  }
0xa1: {  	_ =	swait.ge [sflag:s18], $0x2800  }
0xa2: {  	s13 =	smov.u32 s19;
	[sflag:s18] =	ssyncset.done $0x0  }
0xa3: {  	s2 =	sadd.s32 s9, s26;
	[sflag:s18] =	ssyncadd.s32 $0xFFFFD800  }
0xa4: {  	[tilespmem:s14], [sflag:$0x3] =	stream.linear.gather [hbm4b:s2+s5], $0x50, $0x38;
	[tilespmem:$0x18F00] =	vst v63  }
0xa5: {  	_ =	swait.ge [sflag:s16], $0x50  }
0xa6: {  	[sflag:s16] =	ssyncset.done $0x0  }
0xa7: {  	[sflag:s16] =	ssyncadd.s32 $0xFFFFFFB0  }
0xa8: {  	[spmem:s3] =	stream.indirect.scatter.add.f32 [tilespmem:s23], [sflag:$0x6], $0x80, s15, s11, $0xb8;
	[tilespmem:$0x18F00] =	vst v63  }
0xa9: {  	_ =	swait.ge [sflag:s18], $0x2800  }
0xaa: {  	[sflag:s18] =	ssyncset.done $0x0  }
0xab: {  	s19 =	sadd.s32 s9, s24;
	[sflag:s18] =	ssyncadd.s32 $0xFFFFD800  }
0xac: {  	[tilespmem:s15], [sflag:$0x4] =	stream.linear.gather [hbm4b:s19+s5], $0x50, $0x38;
	[tilespmem:$0x18F00] =	vst v63  }
0xad: {  	_ =	swait.ge [sflag:s10], $0x50  }
0xae: {  	[sflag:s10] =	ssyncset.done $0x0  }
0xaf: {  	[sflag:s10] =	ssyncadd.s32 $0xFFFFFFB0  }
0xb0: {  	[spmem:s3] =	stream.indirect.scatter.add.f32 [tilespmem:s23], [sflag:$0x6], $0x80, s14, s11, $0xb8;
	[tilespmem:$0x18F00] =	vst v63  }
0xb1: {  	_ =	swait.ge [sflag:s18], $0x2800  }
0xb2: {  	[sflag:s18] =	ssyncset.done $0x0  }
0xb3: {  	s9 =	simm.s32 $0x0;
	s6 =	rddreg [dreg:$0x1c];
	[sflag:s18] =	ssyncadd.s32 $0xFFFFD800  }
0xb4: {  	[tilespmem:s14], [sflag:$0x3] =	stream.linear.gather [hbm4b:s6+s9], $0x50, $0x38;
	[tilespmem:$0x18F00] =	vst v63  }
0xb5: {  	_ =	swait.ge [sflag:s16], $0x50  }
0xb6: {  	[sflag:s16] =	ssyncset.done $0x0  }
0xb7: {  	[sflag:s16] =	ssyncadd.s32 $0xFFFFFFB0  }
0xb8: {  	[spmem:s3] =	stream.indirect.scatter.add.f32 [tilespmem:s23], [sflag:$0x6], $0x80, s15, s11, $0xb8;
	[tilespmem:$0x18F00] =	vst v63  }
0xb9: {  	_ =	swait.ge [sflag:s18], $0x2800  }
0xba: {  	[sflag:s18] =	ssyncset.done $0x0  }
0xbb: {  	[sflag:s18] =	ssyncadd.s32 $0xFFFFD800  }
0xbc: {  	_ =	swait.ge [sflag:s10], $0x50  }
0xbd: {  	[sflag:s10] =	ssyncset.done $0x0  }
0xbe: {  	[sflag:s10] =	ssyncadd.s32 $0xFFFFFFB0  }
0xbf: {  	[spmem:s3] =	stream.indirect.scatter.add.f32 [tilespmem:s23], [sflag:$0x6], $0x80, s14, s11, $0xb8;
	[tilespmem:$0x18F00] =	vst v63  }
0xc0: {  	_ =	swait.ge [sflag:s18], $0x2800  }
0xc1: {  	[sflag:s18] =	ssyncset.done $0x0  }
0xc2: {  	s13 =	stileid.u32;
	[sflag:s18] =	ssyncadd.s32 $0xFFFFD800  }
0xc3: {  	s2 =	sshll.u32 s13, $0x6;
	[bflag:$0x0] =	sbarrier.arrive $0xFFFF  }
0xc4: {  	s13 =	sor.u32 $0x1C06, s2;
	s2 =	rddreg [dreg:$0x7]  }
0xc5: {  	s6 =	rddreg [dreg:$0xa]  }
0xc6: {  	[dreg:$0x1e] =	wrdreg s13;
	s19 =	sshrl.u32 s2, $0x3  }
0xc7: {  	[dreg:$0x1f] =	wrdreg s19  }
0xc8: {  	[hbm:s6], [sflag:s13] =	dma.local [spmem:s19], $0x2780  }
0xc9: {  	_ =	swait.ge [sflag:s18], $0x2780  }
0xca: {  	[sflag:s18] =	ssyncset.done $0x0  }
0xcb: {  	[sflag:s18] =	ssyncadd.s32 $0xFFFFD880  }
0xcc: {  	[bflag:$0x0] =	sbarrier.arrive $0xFFFF  }
0xcd: {  	[spmem:s2] =	stream.linear.scatter [tilespmem:s17], [sflag:$0x6], $0x2800, $0x38;
	[tilespmem:$0x18F00] =	vst v63  }
0xce: {  	_ =	swait.ge [sflag:s18], $0x2800  }
0xcf: {  	[sflag:s18] =	ssyncset.done $0x0  }
0xd0: {  	s19 =	rddreg [dreg:$0x14];
	[sflag:s18] =	ssyncadd.s32 $0xFFFFD800  }
0xd1: {  	[spmem:s19] =	stream.linear.scatter [tilespmem:s17], [sflag:$0x6], $0x2800, $0x38;
	[tilespmem:$0x18F00] =	vst v63  }
0xd2: {  	_ =	swait.ge [sflag:s18], $0x2800  }
0xd3: {  	[sflag:s18] =	ssyncset.done $0x0  }
0xd4: {  	s6 =	rddreg [dreg:$0x15];
	[sflag:s18] =	ssyncadd.s32 $0xFFFFD800  }
0xd5: {  	[spmem:s6] =	stream.linear.scatter [tilespmem:s17], [sflag:$0x6], $0x2800, $0x38;
	[tilespmem:$0x18F00] =	vst v63  }
0xd6: {  	_ =	swait.ge [sflag:s18], $0x2800  }
0xd7: {  	[sflag:s18] =	ssyncset.done $0x0  }
0xd8: {  	s13 =	rddreg [dreg:$0x16];
	[sflag:s18] =	ssyncadd.s32 $0xFFFFD800  }
0xd9: {  	[spmem:s13] =	stream.linear.scatter [tilespmem:s17], [sflag:$0x6], $0x2800, $0x38;
	[tilespmem:$0x18F00] =	vst v63  }
0xda: {  	_ =	swait.ge [sflag:s18], $0x2800  }
0xdb: {  	[sflag:s18] =	ssyncset.done $0x0  }
0xdc: {  	s19 =	rddreg [dreg:$0x17];
	[sflag:s18] =	ssyncadd.s32 $0xFFFFD800  }
0xdd: {  	[spmem:s19] =	stream.linear.scatter [tilespmem:s17], [sflag:$0x6], $0x2800, $0x38;
	[tilespmem:$0x18F00] =	vst v63  }
0xde: {  	_ =	swait.ge [sflag:s18], $0x2800  }
0xdf: {  	[sflag:s18] =	ssyncset.done $0x0  }
0xe0: {  	s6 =	rddreg [dreg:$0x18];
	[sflag:s18] =	ssyncadd.s32 $0xFFFFD800  }
0xe1: {  	[spmem:s6] =	stream.linear.scatter [tilespmem:s17], [sflag:$0x6], $0x2800, $0x38;
	[tilespmem:$0x18F00] =	vst v63  }
0xe2: {  	_ =	swait.ge [sflag:s18], $0x2800  }
0xe3: {  	[sflag:s18] =	ssyncset.done $0x0  }
0xe4: {  	s13 =	rddreg [dreg:$0x19];
	[sflag:s18] =	ssyncadd.s32 $0xFFFFD800  }
0xe5: {  	[spmem:s13] =	stream.linear.scatter [tilespmem:s17], [sflag:$0x6], $0x2800, $0x38;
	[tilespmem:$0x18F00] =	vst v63  }
0xe6: {  	_ =	swait.ge [sflag:s18], $0x2800  }
0xe7: {  	[sflag:s18] =	ssyncset.done $0x0  }
0xe8: {  	s19 =	rddreg [dreg:$0x1a];
	[sflag:s18] =	ssyncadd.s32 $0xFFFFD800  }
0xe9: {  	[spmem:s19] =	stream.linear.scatter [tilespmem:s17], [sflag:$0x6], $0x2400, $0x38;
	[tilespmem:$0x18F00] =	vst v63  }
0xea: {  	_ =	swait.ge [sflag:s18], $0x2400  }
0xeb: {  	[sflag:s18] =	ssyncset.done $0x0  }
0xec: {  	[sflag:s18] =	ssyncadd.s32 $0xFFFFDC00  }
0xed: {  	[bflag:$0x0] =	sbarrier.arrive $0xFFFF  }
0xee: {  	s6 =	rddreg [dreg:$0xb]  }
0xef: {  	[tilespmem:s9], [sflag:$0x6] =	stream.linear.gather [hbm4b:s6+s9], $0x50, $0x38;
	[tilespmem:$0x18F00] =	vst v63  }
0xf0: {  	_ =	swait.ge [sflag:s18], $0x50  }
0xf1: {  	[sflag:s18] =	ssyncset.done $0x0  }
0xf2: {  	s13 =	rddreg [dreg:$0x8];
	[sflag:s18] =	ssyncadd.s32 $0xFFFFFFB0  }
0xf3: {  	[tilespmem:s14], [sflag:$0x6] =	stream.linear.gather [hbm4b:s13+s9], $0x50, $0x38;
	[tilespmem:$0x18F00] =	vst v63  }
0xf4: {  	_ =	swait.ge [sflag:s18], $0x50  }
0xf5: {  	[sflag:s18] =	ssyncset.done $0x0  }
0xf6: {  	s19 =	rddreg [dreg:$0xc];
	[sflag:s18] =	ssyncadd.s32 $0xFFFFFFB0  }
0xf7: {  	[tilespmem:s31], [sflag:$0x4] =	stream.linear.gather [hbm4b:s19+s9], $0x50, $0x38;
	[tilespmem:$0x18F00] =	vst v63  }
0xf8: {  	s6 =	rddreg [dreg:$0x9]  }
0xf9: {  	[tilespmem:s15], [sflag:$0x4] =	stream.linear.gather [hbm4b:s6+s9], $0x50, $0x38;
	[tilespmem:$0x18F00] =	vst v63  }
0xfa: {  	s13 =	rddreg [dreg:$0xd]  }
0xfb: {  	[tilespmem:s0], [sflag:$0x5] =	stream.linear.gather [hbm4b:s13+s9], $0x50, $0x38;
	[tilespmem:$0x18F00] =	vst v63  }
0xfc: {  	s19 =	rddreg [dreg:$0xe]  }
0xfd: {  	[tilespmem:s4], [sflag:$0x5] =	stream.linear.gather [hbm4b:s19+s9], $0x50, $0x38;
	[tilespmem:$0x18F00] =	vst v63  }
0xfe: {  	s13 =	rddreg [dreg:$0x13]  }
0xff: {  	[tilespmem:s23], [sflag:$0x1] =	stream.indirect.gather [hbm4b:s1+s11], $0x80, s9, s11, $0xb8;
	[tilespmem:$0x18F00] =	vst v63  }
.LBB2_4:
0x100: {  	_ =	swait.ge [sflag:s16], $0x50  }
0x101: {  	[sflag:s16] =	ssyncset.done $0x0  }
0x102: {  	[sflag:s16] =	ssyncadd.s32 $0xFFFFFFB0  }
0x103: {  	_ =	swait.ge [sflag:s16], $0x50  }
0x104: {  	[sflag:s16] =	ssyncset.done $0x0  }
0x105: {  	[sflag:s16] =	ssyncadd.s32 $0xFFFFFFB0  }
0x106: {  	[tilespmem:s17], [sflag:$0x2] =	stream.indirect.gather [hbm4b:s1+s11], $0x80, s31, s11, $0xb8;
	[tilespmem:$0x18F00] =	vst v63  }
0x107: {  	_ =	swait.ge [sflag:s7], $0x2800  }
0x108: {  	[sflag:s7] =	ssyncset.done $0x0  }
0x109: {  	[sflag:s7] =	ssyncadd.s32 $0xFFFFD800  }
0x10a: {  	[spmem:s3] =	stream.indirect.scatter.add.f32 [tilespmem:s23], [sflag:$0x6], $0x80, s14, s11, $0xb8;
	[tilespmem:$0x18F00] =	vst v63  }
0x10b: {  	_ =	swait.ge [sflag:s18], $0x2800  }
0x10c: {  	[sflag:s18] =	ssyncset.done $0x0  }
0x10d: {  	s2 =	sadd.s32 s9, s30;
	[sflag:s18] =	ssyncadd.s32 $0xFFFFD800  }
0x10e: {  	[tilespmem:s5], [sflag:$0x3] =	stream.linear.gather [hbm4b:s2+s5], $0x50, $0x38;
	[tilespmem:$0x18F00] =	vst v63  }
0x10f: {  	s19 =	sadd.s32 s9, s29  }
0x110: {  	[tilespmem:s14], [sflag:$0x3] =	stream.linear.gather [hbm4b:s19+s5], $0x50, $0x38;
	[tilespmem:$0x18F00] =	vst v63  }
0x111: {  	_ =	swait.ge [sflag:s8], $0x50  }
0x112: {  	[sflag:s8] =	ssyncset.done $0x0  }
0x113: {  	[sflag:s8] =	ssyncadd.s32 $0xFFFFFFB0  }
0x114: {  	_ =	swait.ge [sflag:s8], $0x50  }
0x115: {  	[sflag:s8] =	ssyncset.done $0x0  }
0x116: {  	[sflag:s8] =	ssyncadd.s32 $0xFFFFFFB0  }
0x117: {  	[tilespmem:s23], [sflag:$0x1] =	stream.indirect.gather [hbm4b:s1+s11], $0x80, s0, s11, $0xb8;
	[tilespmem:$0x18F00] =	vst v63  }
0x118: {  	_ =	swait.ge [sflag:s12], $0x2800  }
0x119: {  	[sflag:s12] =	ssyncset.done $0x0  }
0x11a: {  	[sflag:s12] =	ssyncadd.s32 $0xFFFFD800  }
0x11b: {  	[spmem:s3] =	stream.indirect.scatter.add.f32 [tilespmem:s17], [sflag:$0x6], $0x80, s15, s11, $0xb8;
	[tilespmem:$0x18F00] =	vst v63  }
0x11c: {  	_ =	swait.ge [sflag:s18], $0x2800  }
0x11d: {  	[sflag:s18] =	ssyncset.done $0x0  }
0x11e: {  	s6 =	sadd.s32 s9, s28;
	[sflag:s18] =	ssyncadd.s32 $0xFFFFD800  }
0x11f: {  	[tilespmem:s31], [sflag:$0x4] =	stream.linear.gather [hbm4b:s6+s5], $0x50, $0x38;
	[tilespmem:$0x18F00] =	vst v63  }
0x120: {  	s19 =	sadd.s32 s9, s26  }
0x121: {  	[tilespmem:s15], [sflag:$0x4] =	stream.linear.gather [hbm4b:s19+s5], $0x50, $0x38;
	[tilespmem:$0x18F00] =	vst v63  }
0x122: {  	_ =	swait.ge [sflag:s10], $0x50  }
0x123: {  	[sflag:s10] =	ssyncset.done $0x0  }
0x124: {  	[sflag:s10] =	ssyncadd.s32 $0xFFFFFFB0  }
0x125: {  	_ =	swait.ge [sflag:s10], $0x50  }
0x126: {  	[sflag:s10] =	ssyncset.done $0x0  }
0x127: {  	[sflag:s10] =	ssyncadd.s32 $0xFFFFFFB0  }
0x128: {  	[tilespmem:s17], [sflag:$0x2] =	stream.indirect.gather [hbm4b:s1+s11], $0x80, s5, s11, $0xb8;
	[tilespmem:$0x18F00] =	vst v63  }
0x129: {  	_ =	swait.ge [sflag:s7], $0x2800  }
0x12a: {  	[sflag:s7] =	ssyncset.done $0x0  }
0x12b: {  	[sflag:s7] =	ssyncadd.s32 $0xFFFFD800  }
0x12c: {  	[spmem:s3] =	stream.indirect.scatter.add.f32 [tilespmem:s23], [sflag:$0x6], $0x80, s4, s11, $0xb8;
	[tilespmem:$0x18F00] =	vst v63  }
0x12d: {  	p0 =	seq.s32 s9, $0x4B0;
	_ =	swait.ge [sflag:s18], $0x2800  }
0x12e: {  	s2 =	sadd.s32 @!p0 s9, s25;
	[sflag:s18] =	ssyncset.done $0x0  }
0x12f: {  	s6 =	simm.s32 @!p0 $0x0;
	s19 =	simm.s32 @!p0 $0x100;
	[sflag:s18] =	ssyncadd.s32 $0xFFFFD800  }
0x130: {  	[tilespmem:s19], [sflag:$0x5] =	stream.linear.gather @!p0 [hbm4b:s2+s6], $0x50, $0x38;
	[tilespmem:$0x18F00] =	vst v63  }
0x131: {  	s2 =	sadd.s32 @!p0 s9, s24;
	s19 =	simm.s32 @!p0 $0x280  }
0x132: {  	[tilespmem:s19], [sflag:$0x5] =	stream.linear.gather @!p0 [hbm4b:s2+s6], $0x50, $0x38;
	[tilespmem:$0x18F00] =	vst v63  }
0x133: {  	_ =	swait.ge [sflag:s16], $0x50  }
0x134: {  	[sflag:s16] =	ssyncset.done $0x0  }
0x135: {  	[sflag:s16] =	ssyncadd.s32 $0xFFFFFFB0  }
0x136: {  	_ =	swait.ge [sflag:s16], $0x50  }
0x137: {  	[sflag:s16] =	ssyncset.done $0x0  }
0x138: {  	[sflag:s16] =	ssyncadd.s32 $0xFFFFFFB0  }
0x139: {  	[tilespmem:s23], [sflag:$0x1] =	stream.indirect.gather [hbm4b:s1+s11], $0x80, s31, s11, $0xb8;
	[tilespmem:$0x18F00] =	vst v63  }
0x13a: {  	_ =	swait.ge [sflag:s12], $0x2800  }
0x13b: {  	[sflag:s12] =	ssyncset.done $0x0  }
.Ltmp3:
0x13c: {  	[sflag:s12] =	ssyncadd.s32 $0xFFFFD800;
	(pc) =	sbr.rel @p0 .LBB2_6-.Ltmp3, $4  }
0x13d: {  	[spmem:s3] =	stream.indirect.scatter.add.f32 [tilespmem:s17], [sflag:$0x6], $0x80, s14, s11, $0xb8;
	[tilespmem:$0x18F00] =	vst v63  }
0x13e: {  	_ =	swait.ge [sflag:s18], $0x2800  }
0x13f: {  	[sflag:s18] =	ssyncset.done $0x0  }
0x140: {  	[sflag:s18] =	ssyncadd.s32 $0xFFFFD800  }
0x141: {  	s2 =	sshrl.u32 s13, $0x3  }
0x142: {  	s19 =	rddreg [dreg:$0x2];
	s6 =	sadd.s32 s20, s2  }
0x143: {  	[tilespmem:s5], [sflag:$0x3] =	stream.linear.gather [hbm4b:s6+s5], $0x50, $0x38;
	[tilespmem:$0x18F00] =	vst v63  }
0x144: {  	s2 =	sadd.s32 s19, s2  }
0x145: {  	[tilespmem:s14], [sflag:$0x3] =	stream.linear.gather [hbm4b:s2+s5], $0x50, $0x38;
	[tilespmem:$0x18F00] =	vst v63  }
0x146: {  	_ =	swait.ge [sflag:s8], $0x50  }
0x147: {  	[sflag:s8] =	ssyncset.done $0x0  }
0x148: {  	[sflag:s8] =	ssyncadd.s32 $0xFFFFFFB0  }
0x149: {  	_ =	swait.ge [sflag:s8], $0x50  }
0x14a: {  	[sflag:s8] =	ssyncset.done $0x0  }
0x14b: {  	[sflag:s8] =	ssyncadd.s32 $0xFFFFFFB0  }
0x14c: {  	[tilespmem:s17], [sflag:$0x2] =	stream.indirect.gather [hbm4b:s1+s11], $0x80, s0, s11, $0xb8;
	[tilespmem:$0x18F00] =	vst v63  }
0x14d: {  	_ =	swait.ge [sflag:s7], $0x2800  }
0x14e: {  	[sflag:s7] =	ssyncset.done $0x0  }
0x14f: {  	[sflag:s7] =	ssyncadd.s32 $0xFFFFD800  }
0x150: {  	[spmem:s3] =	stream.indirect.scatter.add.f32 [tilespmem:s23], [sflag:$0x6], $0x80, s15, s11, $0xb8;
	[tilespmem:$0x18F00] =	vst v63  }
0x151: {  	_ =	swait.ge [sflag:s18], $0x2800  }
0x152: {  	[sflag:s18] =	ssyncset.done $0x0  }
0x153: {  	s6 =	sadd.s32 s9, s22;
	[sflag:s18] =	ssyncadd.s32 $0xFFFFD800  }
0x154: {  	[tilespmem:s31], [sflag:$0x4] =	stream.linear.gather [hbm4b:s6+s5], $0x50, $0x38;
	[tilespmem:$0x18F00] =	vst v63  }
0x155: {  	s19 =	sadd.s32 s9, s21  }
0x156: {  	[tilespmem:s15], [sflag:$0x4] =	stream.linear.gather [hbm4b:s19+s5], $0x50, $0x38;
	[tilespmem:$0x18F00] =	vst v63  }
0x157: {  	_ =	swait.ge [sflag:s10], $0x50  }
0x158: {  	[sflag:s10] =	ssyncset.done $0x0  }
0x159: {  	[sflag:s10] =	ssyncadd.s32 $0xFFFFFFB0  }
0x15a: {  	_ =	swait.ge [sflag:s10], $0x50  }
0x15b: {  	[sflag:s10] =	ssyncset.done $0x0  }
0x15c: {  	[sflag:s10] =	ssyncadd.s32 $0xFFFFFFB0  }
0x15d: {  	[tilespmem:s23], [sflag:$0x1] =	stream.indirect.gather [hbm4b:s1+s11], $0x80, s5, s11, $0xb8;
	[tilespmem:$0x18F00] =	vst v63  }
0x15e: {  	_ =	swait.ge [sflag:s12], $0x2800  }
0x15f: {  	[sflag:s12] =	ssyncset.done $0x0  }
0x160: {  	[sflag:s12] =	ssyncadd.s32 $0xFFFFD800  }
0x161: {  	[spmem:s3] =	stream.indirect.scatter.add.f32 [tilespmem:s17], [sflag:$0x6], $0x80, s4, s11, $0xb8;
	[tilespmem:$0x18F00] =	vst v63  }
0x162: {  	_ =	swait.ge [sflag:s18], $0x2800  }
.Ltmp4:
0x163: {  	[sflag:s18] =	ssyncset.done $0x0;
	s6 =	rddreg [dreg:$0x12];
	(pc) =	sbr.rel .LBB2_4-.Ltmp4, $4  }
0x164: {  	s19 =	rddreg [dreg:$0x11];
	[sflag:s18] =	ssyncadd.s32 $0xFFFFD800;
	s2 =	sadd.s32 s9, s6  }
0x165: {  	[tilespmem:s0], [sflag:$0x5] =	stream.linear.gather [hbm4b:s2+s5], $0x50, $0x38;
	[tilespmem:$0x18F00] =	vst v63  }
0x166: {  	s13 =	sadd.s32 $0x1E0, s13;
	s2 =	sadd.s32 s9, s19;
	s9 =	sadd.s32 $0x3C, s9  }
0x167: {  	[tilespmem:s4], [sflag:$0x5] =	stream.linear.gather [hbm4b:s2+s5], $0x50, $0x38;
	[tilespmem:$0x18F00] =	vst v63  }
.LBB2_7:
0x168: {  	_ =	sfence.sel $0x180000  }
0x169: {  	[bflag:$0x0] =	sbarrier.arrive $0xFFFF  }
0x16a: {  	_ =	strace $0x90000047  }
0x16b: {  	s0 =	stileid.u32;
	[bflag:$0x2] =	sbarrier.arrive $0xFFFF  }
0x16c: {  	p0 =	sne.s32 s0, $0x0;
	s0 =	rddreg [dreg:$0x4]  }
0x16d: {  	s0 =	sadd.s32 @!p0 $0x100000, s0  }
0x16e: {  	[sflag:s0] =	ssyncadd.tile.s32 @!p0 $0x1;
	_ =	shalt  }
.Lfunc_end2:
_tile_overlayer_lowered:
.L_overlay_start_2:
0x16f: {  	(tag) =	ssettag $0x2  }
0x170: {  	s0 =	rddreg [dreg:$0x0];
	s2 =	stileid.u32  }
0x171: {  	s1 =	rddreg [dreg:$0x1];
	p0 =	sne.s32 s2, $0x0  }
0x172: {  	s3 =	rddreg [dreg:$0x2];
	[bflag:$0x3] =	sbarrier.arrive $0xFFFF;
	s2 =	simm.s32 @!p0 $0x1C06  }
0x173: {  	[timem:s3], [sflag:s2] =	dma.local @!p0 [hbm:s0], s1  }
0x174: {  	s0 =	simm.s32 @!p0 $0x6  }
0x175: {  	_ =	swait.ge @!p0 [sflag:s0], s1  }
0x176: {  	s1 =	ssub.s32 @!p0 $0x0, s1;
	[sflag:s0] =	ssyncset.done @!p0 $0x0  }
0x177: {  	[sflag:s0] =	ssyncadd.s32 @!p0 s1  }
0x178: {  	[bflag:$0x3] =	sbarrier.arrive $0xFFFF  }
0x179: {  	_ =	shalt  }

// kernel: kernel.9.cloned.1.call-start
scs
__scs_entry_jumppad:
0x0: {  	(pc) =	sbr.rel $0x88, $3  }
0x1: {  	(tag) =	ssettag $0x0;
	lr =	simm.s32 $0x1  }
0x2: {  	[smem:$0x3F99] =	sst lr;
	_ =	strace $0xD0000000  }
0x3: {  	_ = 	snop  }
0x4: {  	_ = 	snop  }
0x5: {  	_ = 	snop  }
0x6: {  	_ = 	snop  }
0x7: {  	_ = 	snop  }
__scs_overlays_trampoline_lowered:
0x8: {  	[smem:$0x3FA8] =	sst s0  }
0x9: {  	[smem:$0x3FA9] =	sst s1  }
0xa: {  	[smem:$0x3FAA] =	sst s2  }
0xb: {  	[smem:$0x3FAB] =	sst s3  }
0xc: {  	[smem:$0x3FAC] =	sst s4  }
0xd: {  	[smem:$0x3FAD] =	sst s5  }
0xe: {  	[smem:$0x3FAE] =	sst s6  }
0xf: {  	[smem:$0x3FAF] =	sst s7  }
0x10: {  	[smem:$0x3FB0] =	sst s8  }
0x11: {  	[smem:$0x3FB1] =	sst s9;
	s0 =	simm.s32 @!p0 $0x0  }
0x12: {  	s1 =	sld [smem:$0x3F97];
	s0 =	simm.s32 @p0 $0x1  }
0x13: {  	[smem:$0x3FB2] =	sst s0;
	s0 =	simm.s32 @!p1 $0x0  }
0x14: {  	s2 =	sld [smem:$0x3F96];
	s0 =	simm.s32 @p1 $0x1  }
0x15: {  	[smem:$0x3FB3] =	sst s0;
	s0 =	simm.s32 @!p2 $0x0  }
0x16: {  	s3 =	sld [smem:$0x3FDB];
	s0 =	simm.s32 @p2 $0x1  }
0x17: {  	s4 =	simm.s32 $0x1BF5;
	[smem:$0x3FB5] =	sst s0  }
0x18: {  	s0 =	sld [smem:$0x3F98];
	_ =	swait.ge [sflag:s4], $0x0  }
0x19: {  	s7 =	sld [smem:$0x3F99]  }
0x1a: {  	s8 =	sadd.s32 $0xFFFFE003, lr  }
0x1b: {  	s9 =	sadd.s32 $0xFFFFFEF7, lr;
	s5 =	simm.s32 $0xFFFFFFFF;
	p2 =	slt.u32 s8, $0xFFFFF086  }
0x1c: {  	p1 =	slt.u32 s9, $0xF7A;
	s5 =	simm.s32 @!p2 $0x0  }
0x1d: {  	s5 =	simm.s32 @p1 $0x1;
	p0 =	seq.s32 s7, s2  }
0x1e: {  	s7 =	smul.u32 @!p0 $0xF7A, s2;
	p2 =	seq.s32 @!p0 s5, $0x0  }
0x1f: {  	s9 =	smul.u32 $0xF7A, s1;
	s8 =	simm.s32 @!p0 $0x1BF5;
	p2 =	por !p2, p0  }
0x20: {  	[sflag:s8] =	ssyncset.s32 @!p0 $0xFFFFF086;
	s6 =	sadd.s32 @!p0 s3, s7;
	s7 =	simm.s32 @!p0 $0x108  }
0x21: {  	s3 =	sadd.s32 s3, s9;
	s6 =	sadd.s32 @!p0 $0x88, s6;
	s7 =	simm.s32 @p2 $0x1082  }
0x22: {  	[simem:s7], [sflag:s8] =	dma.local @!p0 [hbm:s6], $0xF7A  }
0x23: {  	s9 =	sor.u32 $0xD0000000, s2;
	s6 =	simm.s32 $0x108;
	_ =	swait.ge @!p0 [sflag:s8], $0x0  }
0x24: {  	s3 =	sadd.s32 $0x88, s3;
	s6 =	simm.s32 @!p1 $0x1082;
	[sflag:s4] =	ssyncset.s32 $0xFFFFF086  }
0x25: {  	[simem:s6], [sflag:s4] =	dma.local [hbm:s3], $0xF7A  }
0x26: {  	[smem:$0x3F99] =	sst s1;
	(tag) =	ssettag s2;
	_ =	strace s9  }
0x27: {  	s1 =	sld [smem:$0x3FA9]  }
0x28: {  	s2 =	sld [smem:$0x3FAA]  }
0x29: {  	s4 =	sld [smem:$0x3FAC]  }
0x2a: {  	p0 =	seq.s32 s5, $0x0;
	s5 =	sld [smem:$0x3FAD]  }
0x2b: {  	s6 =	sld [smem:$0x3FAE]  }
0x2c: {  	s7 =	sld [smem:$0x3FAF]  }
0x2d: {  	s3 =	simm.s32 $0x108;
	s8 =	sld [smem:$0x3FB0]  }
0x2e: {  	s3 =	simm.s32 @!p0 $0x1082;
	s9 =	sld [smem:$0x3FB1]  }
0x2f: {  	lr =	sadd.s32 s0, s3;
	s0 =	sld [smem:$0x3FA8]  }
0x30: {  	s3 =	sld [smem:$0x3FAB]  }
0x31: {  	[smem:$0x3FB4] =	sst s10  }
0x32: {  	s10 =	sld [smem:$0x3FB2];
	_ =	sdelay $0x3  }
0x33: {  	p0 =	seq.s32 s10, $0x1;
	s10 =	sld [smem:$0x3FB4];
	_ =	sdelay $0x3  }
0x34: {  	[smem:$0x3FB4] =	sst s10  }
0x35: {  	s10 =	sld [smem:$0x3FB3];
	_ =	sdelay $0x3  }
0x36: {  	p1 =	seq.s32 s10, $0x1;
	s10 =	sld [smem:$0x3FB4];
	_ =	sdelay $0x3  }
0x37: {  	[smem:$0x3FB4] =	sst s10  }
0x38: {  	s10 =	sld [smem:$0x3FB5]  }
0x39: {  	_ = 	snop;
	(pc) =	sbr.ind lr, $3  }
0x3a: {  	_ = 	snop  }
0x3b: {  	_ = 	snop  }
0x3c: {  	p2 =	seq.s32 s10, $0x1;
	s10 =	sld [smem:$0x3FB4]  }
0x3d: {  	_ =	shalt  }
0x3e: {  	_ =	shalt  }
0x3f: {  	_ =	shalt  }
0x40: {  	_ =	shalt  }
0x41: {  	_ =	shalt  }
0x42: {  	_ =	shalt  }
0x43: {  	_ =	shalt  }
0x44: {  	_ =	shalt  }
0x45: {  	_ =	shalt  }
0x46: {  	_ =	shalt  }
0x47: {  	_ =	shalt  }
0x48: {  	_ =	shalt  }
0x49: {  	_ =	shalt  }
0x4a: {  	_ =	shalt  }
0x4b: {  	_ =	shalt  }
0x4c: {  	_ =	shalt  }
0x4d: {  	_ =	shalt  }
0x4e: {  	_ =	shalt  }
0x4f: {  	_ =	shalt  }
0x50: {  	_ =	shalt  }
0x51: {  	_ =	shalt  }
0x52: {  	_ =	shalt  }
0x53: {  	_ =	shalt  }
0x54: {  	_ =	shalt  }
0x55: {  	_ =	shalt  }
0x56: {  	_ =	shalt  }
0x57: {  	_ =	shalt  }
0x58: {  	_ =	shalt  }
0x59: {  	_ =	shalt  }
0x5a: {  	_ =	shalt  }
0x5b: {  	_ =	shalt  }
0x5c: {  	_ =	shalt  }
0x5d: {  	_ =	shalt  }
0x5e: {  	_ =	shalt  }
0x5f: {  	_ =	shalt  }
0x60: {  	_ =	shalt  }
0x61: {  	_ =	shalt  }
0x62: {  	_ =	shalt  }
0x63: {  	_ =	shalt  }
0x64: {  	_ =	shalt  }
0x65: {  	_ =	shalt  }
0x66: {  	_ =	shalt  }
0x67: {  	_ =	shalt  }
0x68: {  	_ =	shalt  }
0x69: {  	_ =	shalt  }
0x6a: {  	_ =	shalt  }
0x6b: {  	_ =	shalt  }
0x6c: {  	_ =	shalt  }
0x6d: {  	_ =	shalt  }
0x6e: {  	_ =	shalt  }
0x6f: {  	_ =	shalt  }
0x70: {  	_ =	shalt  }
0x71: {  	_ =	shalt  }
0x72: {  	_ =	shalt  }
0x73: {  	_ =	shalt  }
0x74: {  	_ =	shalt  }
0x75: {  	_ =	shalt  }
0x76: {  	_ =	shalt  }
0x77: {  	_ =	shalt  }
0x78: {  	_ =	shalt  }
0x79: {  	_ =	shalt  }
0x7a: {  	_ =	shalt  }
0x7b: {  	_ =	shalt  }
0x7c: {  	_ =	shalt  }
0x7d: {  	_ =	shalt  }
0x7e: {  	_ =	shalt  }
0x7f: {  	_ =	shalt  }
0x80: {  	_ =	shalt  }
0x81: {  	_ =	shalt  }
0x82: {  	_ =	shalt  }
0x83: {  	_ =	shalt  }
0x84: {  	_ =	shalt  }
0x85: {  	_ =	shalt  }
0x86: {  	_ =	shalt  }
0x87: {  	_ =	shalt  }
.Lfunc_end0:
.L_simem_size_0:
called_computation.1_lowered:
.L_overlay_start_0:
0x88: {  	s2 =	sld [smem:$0x3FD9]  }
0x89: {  	s3 =	sld [smem:$0x3FFE];
	_ =	sdelay $0x1  }
0x8a: {  	s1 =	srdreg.scid  }
0x8b: {  	s0 =	sand.u32 $0x1, s1  }
0x8c: {  	s17 =	sshll.u32 s0, $0xA;
	s2 =	sadd.s32 s3, s2  }
0x8d: {  	s2 =	sadd.s32 s2, s17  }
0x8e: {  	[smem:$0x3FC0] =	sst s2  }
0x8f: {  	_ = 	snop  }
0x90: {  	s2 =	sld [smem:$0x3FD0];
	(tm) =	ssettm $0x1  }
0x91: {  	s18 =	sld [smem:$0x3FFB];
	_ =	sdelay $0x3  }
0x92: {  	_ =	strace s18  }
0x93: {  	s3 =	sld [smem:$0x3FFC];
	_ =	sdelay $0x3  }
0x94: {  	_ =	strace s3  }
0x95: {  	s3 =	sld [smem:$0x3FFD];
	_ =	sdelay $0x3  }
0x96: {  	_ =	strace s3  }
0x97: {  	_ =	strace $0x8FFFFFFF  }
0x98: {  	s19 =	sld [smem:$0x3FDB];
	_ =	sdelay $0x1  }
0x99: {  	s4 =	simm.s32 $_scs_section_size  }
0x9a: {  	s5 =	simm.s32 $_size__tile_overlayer_lowered;
	s6 =	simm.s32 $_tile_overlayer_lowered  }
0x9b: {  	s22 =	simm.s32 $0x1BFF;
	s21 =	sshll.u32 s6, $0x1;
	s3 =	sadd.s32 s4, s19  }
0x9c: {  	s7 =	simm.s32 $0x0;
	s20 =	sshll.u32 s5, $0x1;
	s5 =	sadd.s32 s21, s3  }
0x9d: {  	[timem:s7], [sflag:s22] =	dma.local [hbm:s5], s20  }
0x9e: {  	_ =	swait.ge [sflag:s22], s20  }
0x9f: {  	s4 =	ssub.s32 $0x0, s20;
	[sflag:s22] =	ssyncset.done $0x0  }
0xa0: {  	[sflag:s22] =	ssyncadd.s32 s4;
	_ =	sdelay $0x1  }
0xa1: {  	s23 =	simm.s32 $0x1B8B  }
0xa2: {  	_ =	swait.ge [sflag:s23], $0x1  }
0xa3: {  	[sflag:s23] =	ssyncset.done $0x0  }
0xa4: {  	s25 =	simm.s32 $0x1B8E;
	s24 =	sld [smem:$0x3FFE];
	[sflag:s23] =	ssyncadd.s32 $0xFFFFFFFF  }
0xa5: {  	s26 =	simm.s32 $execute0_lowered;
	[smem:$0x3FD2] =	sst s25  }
0xa6: {  	s5 =	sshll.u32 s26, $0x1;
	_ =	strace $0x80000049;
	[dreg:$0x1] =	wrdreg $0xFFFFFFFF  }
0xa7: {  	s28 =	simm.s32 $_size_execute0_lowered;
	s3 =	sadd.s32 s3, s5;
	[dreg:$0x0] =	wrdreg $0x0  }
0xa8: {  	s5 =	sshll.u32 s28, $0x1;
	[dreg:$0x2] =	wrdreg s3  }
0xa9: {  	[dreg:$0x3] =	wrdreg s5  }
0xaa: {  	[dreg:$0x4] =	wrdreg $0xC0  }
0xab: {  	_ =	task [dreg:s7], $0x5FFFF  }
0xac: {  	[dreg:$0x1] =	wrdreg $0xFFFFFFFF  }
0xad: {  	[dreg:$0x0] =	wrdreg $0x60  }
0xae: {  	[dreg:$0x2] =	wrdreg s24  }
0xaf: {  	[dreg:$0x3] =	wrdreg s2  }
0xb0: {  	[dreg:$0x4] =	wrdreg $0x53000  }
0xb1: {  	[dreg:$0x5] =	wrdreg $0x9  }
0xb2: {  	_ =	task.clear_ibuf [dreg:s7], $0x6FFFF;
	_ =	strace $0x90000049  }
0xb3: {  	s29 =	simm.s32 $0x9;
	_ =	strace $0x8000004B  }
0xb4: {  	_ =	swait.ge [sflag:s29], $0x1  }
0xb5: {  	[sflag:s29] =	ssyncadd.s32 $0xFFFFFFFF  }
0xb6: {  	_ =	strace $0x9000004B  }
0xb7: {  	_ =	sfence  }
0xb8: {  	s30 =	sld [smem:$0x0];
	_ =	sdelay $0x2  }
0xb9: {  	s31 =	sshll.u32 s1, $0xD;
	s1 =	sshrl.u32 s1, $0x2  }
0xba: {  	s3 =	sand.u32 $0x4000, s31;
	s1 =	sadd.s32 s1, s30  }
0xbb: {  	s0 =	sor.u32 s3, s0;
	s1 =	sshll.u32 s1, $0x11  }
0xbc: {  	s0 =	sor.u32 s1, s0  }
0xbd: {  	s0 =	sadd.s32 $0x8F2B, s0  }
0xbe: {  	[sflag:s0] =	ssyncadd.remote.s32 $0x1  }
0xbf: {  	_ =	sfence.sel $0xFFFF  }
0xc0: {  	[dreg:$0x0] =	wrdreg $0xFFFFFFFF;
	(pc) =	sbr.abs _section_cstart, $3  }
0xc1: {  	[dreg:$0x1] =	wrdreg $0xFFFFFFFF  }
0xc2: {  	_ =	task.clear_ibuf [dreg:s7], $0x2FFFF;
	_ =	strace $0x9FFFFFFF  }
0xc3: {  	(tm) =	ssettm $0x7FFFFFFF  }
tec
execute0_lowered:
.L_overlay_start_1:
0x0: {  	(tag) =	ssettag $0x1  }
0x1: {  	s0 =	rddreg [dreg:$0x0]  }
0x2: {  	s1 =	rddreg [dreg:$0x1]  }
0x3: {  	s2 =	rddreg [dreg:$0x2]  }
0x4: {  	s3 =	srdreg.scid;
	s4 =	simm.s32 $0x0;
	s6 =	stileid.u32  }
0x5: {  	s29 =	simm.s32 $0x300;
	s30 =	simm.s32 $0x4;
	s31 =	simm.s32 $0x1  }
0x6: {  	s3 =	sand.u32 $0x1, s3;
	[smem:$0x7FF] =	sst s4;
	s8 =	smul.u32 $0x13C00, s6  }
0x7: {  	s5 =	sadd.s32 $0xCC00, s0;
	s11 =	sadd.s32 $0x2800, s0;
	s10 =	smul.u32 $0x4F000, s6  }
0x8: {  	s23 =	sadd.s32 $0xC600, s0;
	s7 =	smul.u32 $0x13C000, s3;
	_ =	strace $0x8000004A  }
0x9: {  	[dreg:$0x4] =	wrdreg s23;
	s24 =	sshll.u32 s3, $0x4;
	s9 =	ssub.s32 $0x2, s3  }
0xa: {  	s3 =	smul.u32 $0x27100, s3;
	s25 =	sshrl.u32 s9, $0x1;
	s26 =	sshrl.u32 s10, $0x2  }
0xb: {  	s10 =	smul.u32 $0x2710, s6;
	s7 =	sadd.s32 s8, s7;
	s8 =	sor.u32 s6, s24  }
0xc: {  	s17 =	sadd.s32 s26, s2;
	s6 =	simm.s32 $0x0;
	s7 =	sshrl.u32 s7, $0x3  }
0xd: {  	s8 =	smul.u32 $0x2710, s8;
	s3 =	sadd.s32 s10, s3;
	[dreg:$0x5] =	wrdreg s17  }
0xe: {  	s0 =	sadd.s32 s7, s0;
	s7 =	ssub.s32 s9, s25;
	s9 =	sadd.s32 $0x280, s3  }
0xf: {  	s23 =	sadd.s32 $0x230, s3;
	s25 =	sadd.s32 $0x190, s3;
	s8 =	sshrl.u32 s8, $0x3  }
0x10: {  	s0 =	sadd.s32 $0x33E00, s0;
	s20 =	sshrl.u32 s9, $0x3;
	s21 =	smax.u32 s7, $0x1  }
0x11: {  	s24 =	sshrl.u32 s23, $0x3;
	s26 =	sshrl.u32 s25, $0x3;
	[dreg:$0xc] =	wrdreg s0  }
0x12: {  	s7 =	sadd.s32 $0x1E0, s3;
	s12 =	sadd.s32 s11, s8;
	[dreg:$0xd] =	wrdreg s21  }
0x13: {  	s13 =	sadd.s32 s1, s8;
	s14 =	sadd.s32 $0xA, s8;
	[dreg:$0x10] =	wrdreg s7  }
0x14: {  	s8 =	sadd.s32 $0x14, s8;
	s22 =	sadd.s32 s20, s1;
	[dreg:$0x6] =	wrdreg s12  }
0x15: {  	s0 =	sadd.s32 s20, s11;
	s20 =	sadd.s32 s24, s11;
	[dreg:$0x7] =	wrdreg s13  }
0x16: {  	s23 =	sadd.s32 s26, s11;
	s21 =	sadd.s32 $0x11800, s17;
	[dreg:$0xe] =	wrdreg s22  }
0x17: {  	s7 =	simm.s32 $0x3;
	s15 =	sadd.s32 s11, s14;
	[dreg:$0xf] =	wrdreg s0  }
0x18: {  	s16 =	sadd.s32 s1, s14;
	s18 =	sadd.s32 s11, s8;
	[dreg:$0x17] =	wrdreg s21  }
0x19: {  	s19 =	sadd.s32 s1, s8;
	s22 =	sadd.s32 s26, s1;
	[dreg:$0x8] =	wrdreg s15  }
0x1a: {  	s8 =	sadd.s32 $0x140, s3;
	s3 =	sadd.s32 $0xF0, s3;
	[dreg:$0x9] =	wrdreg s16  }
0x1b: {  	s12 =	sadd.s32 $0x5000, s17;
	s13 =	sadd.s32 $0x7800, s17;
	[dreg:$0xa] =	wrdreg s18  }
0x1c: {  	s14 =	sadd.s32 $0xA000, s17;
	s21 =	simm.s32 $0x50;
	[dreg:$0xb] =	wrdreg s19  }
0x1d: {  	s0 =	simm.s32 $0x5;
	s19 =	sadd.s32 s24, s1;
	[dreg:$0x12] =	wrdreg s12  }
0x1e: {  	s9 =	sshrl.u32 s8, $0x3;
	s10 =	sshrl.u32 s3, $0x3;
	[dreg:$0x13] =	wrdreg s13  }
0x1f: {  	s18 =	smov.u32 s11;
	[dreg:$0x14] =	wrdreg s14;
	s15 =	sadd.s32 $0xC800, s17  }
0x20: {  	s16 =	sadd.s32 $0xF000, s17;
	s12 =	simm.s32 $0x180;
	s13 =	simm.s32 $0x80  }
.Ltmp0:
0x21: {  	s14 =	simm.s32 $0x200;
	s3 =	simm.s32 $0x2;
	(pc) =	sbr.rel .LBB2_1-.Ltmp0, $4  }
0x22: {  	s24 =	sadd.s32 s9, s1;
	s25 =	sadd.s32 s9, s11;
	s26 =	sadd.s32 s10, s1  }
0x23: {  	s28 =	sadd.s32 s10, s11;
	s11 =	sadd.s32 $0x2800, s17;
	[dreg:$0x15] =	wrdreg s15  }
0x24: {  	[dreg:$0x16] =	wrdreg s16;
	s10 =	simm.s32 $0x2B00;
	s15 =	simm.s32 $0x100  }
0x25: {  	s16 =	simm.s32 $0x280;
	[dreg:$0x11] =	wrdreg s11;
	s11 =	simm.s32 $0x6  }
.LBB2_4:
0x26: {  	_ =	swait.ge [sflag:s31], $0x2800  }
0x27: {  	[sflag:s31] =	ssyncset.done $0x0  }
0x28: {  	[sflag:s31] =	ssyncadd.s32 $0xFFFFD800  }
0x29: {  	[spmem:s2] =	stream.indirect.scatter.add.f32 [tilespmem:s29], [sflag:$0x6], $0x80, s14, s21, $0xb8;
	[tilespmem:$0x18F00] =	vst v63  }
0x2a: {  	_ =	swait.ge [sflag:s11], $0x2800  }
0x2b: {  	[sflag:s11] =	ssyncset.done $0x0  }
0x2c: {  	[sflag:s11] =	ssyncadd.s32 $0xFFFFD800  }
0x2d: {  	s1 =	stileid.u32;
	[bflag:$0x0] =	sbarrier.arrive $0xFFFF  }
0x2e: {  	s1 =	sshll.u32 s1, $0x6;
	s17 =	rddreg [dreg:$0x5]  }
0x2f: {  	s1 =	sor.u32 $0x1C06, s1;
	s8 =	rddreg [dreg:$0xc];
	s6 =	sshrl.u32 s17, $0x3  }
0x30: {  	[hbm:s8], [sflag:s1] =	dma.local [spmem:s6], $0x2780  }
0x31: {  	_ =	swait.ge [sflag:s11], $0x2780  }
0x32: {  	s8 =	rddreg [dreg:$0x18]  }
0x33: {  	s9 =	rddreg [dreg:$0xd];
	s6 =	sadd.s32 $0x1, s8  }
0x34: {  	p0 =	sne.s32 s6, s9  }
.Ltmp1:
0x35: {  	_ = 	snop;
	(pc) =	sbr.rel @!p0 .LBB2_5-.Ltmp1, $3  }
0x36: {  	_ =	sdelay $0x1  }
0x37: {  	[sflag:s11] =	ssyncset.done $0x0  }
0x38: {  	[sflag:s11] =	ssyncadd.s32 $0xFFFFD880  }
.LBB2_1:
0x39: {  	[dreg:$0x18] =	wrdreg s6  }
0x3a: {  	s1 =	rddreg [dreg:$0x4]  }
0x3b: {  	[tilespmem:s10], [sflag:$0x6] =	stream.linear.gather [hbm4b:s1+s4], $0x2800, $0x38;
	[tilespmem:$0x18F00] =	vst v63  }
0x3c: {  	_ =	swait.ge [sflag:s11], $0x2800  }
0x3d: {  	[sflag:s11] =	ssyncset.done $0x0  }
0x3e: {  	[sflag:s11] =	ssyncadd.s32 $0xFFFFD800  }
0x3f: {  	[spmem:s17] =	stream.linear.scatter [tilespmem:s10], [sflag:$0x6], $0x2800, $0x38;
	[tilespmem:$0x18F00] =	vst v63  }
0x40: {  	_ =	swait.ge [sflag:s11], $0x2800  }
0x41: {  	[sflag:s11] =	ssyncset.done $0x0  }
0x42: {  	s17 =	rddreg [dreg:$0x11];
	[sflag:s11] =	ssyncadd.s32 $0xFFFFD800  }
0x43: {  	[spmem:s17] =	stream.linear.scatter [tilespmem:s10], [sflag:$0x6], $0x2800, $0x38;
	[tilespmem:$0x18F00] =	vst v63  }
0x44: {  	_ =	swait.ge [sflag:s11], $0x2800  }
0x45: {  	[sflag:s11] =	ssyncset.done $0x0  }
0x46: {  	s6 =	rddreg [dreg:$0x12];
	[sflag:s11] =	ssyncadd.s32 $0xFFFFD800  }
0x47: {  	[spmem:s6] =	stream.linear.scatter [tilespmem:s10], [sflag:$0x6], $0x2800, $0x38;
	[tilespmem:$0x18F00] =	vst v63  }
0x48: {  	_ =	swait.ge [sflag:s11], $0x2800  }
0x49: {  	[sflag:s11] =	ssyncset.done $0x0  }
0x4a: {  	s8 =	rddreg [dreg:$0x13];
	[sflag:s11] =	ssyncadd.s32 $0xFFFFD800  }
0x4b: {  	[spmem:s8] =	stream.linear.scatter [tilespmem:s10], [sflag:$0x6], $0x2800, $0x38;
	[tilespmem:$0x18F00] =	vst v63  }
0x4c: {  	_ =	swait.ge [sflag:s11], $0x2800  }
0x4d: {  	[sflag:s11] =	ssyncset.done $0x0  }
0x4e: {  	s9 =	rddreg [dreg:$0x14];
	[sflag:s11] =	ssyncadd.s32 $0xFFFFD800  }
0x4f: {  	[spmem:s9] =	stream.linear.scatter [tilespmem:s10], [sflag:$0x6], $0x2800, $0x38;
	[tilespmem:$0x18F00] =	vst v63  }
0x50: {  	_ =	swait.ge [sflag:s11], $0x2800  }
0x51: {  	[sflag:s11] =	ssyncset.done $0x0  }
0x52: {  	s17 =	rddreg [dreg:$0x15];
	[sflag:s11] =	ssyncadd.s32 $0xFFFFD800  }
0x53: {  	[spmem:s17] =	stream.linear.scatter [tilespmem:s10], [sflag:$0x6], $0x2800, $0x38;
	[tilespmem:$0x18F00] =	vst v63  }
0x54: {  	_ =	swait.ge [sflag:s11], $0x2800  }
0x55: {  	[sflag:s11] =	ssyncset.done $0x0  }
0x56: {  	s6 =	rddreg [dreg:$0x16];
	[sflag:s11] =	ssyncadd.s32 $0xFFFFD800  }
0x57: {  	[spmem:s6] =	stream.linear.scatter [tilespmem:s10], [sflag:$0x6], $0x2800, $0x38;
	[tilespmem:$0x18F00] =	vst v63  }
0x58: {  	_ =	swait.ge [sflag:s11], $0x2800  }
0x59: {  	[sflag:s11] =	ssyncset.done $0x0  }
0x5a: {  	s8 =	rddreg [dreg:$0x17];
	[sflag:s11] =	ssyncadd.s32 $0xFFFFD800  }
0x5b: {  	[spmem:s8] =	stream.linear.scatter [tilespmem:s10], [sflag:$0x6], $0x2400, $0x38;
	[tilespmem:$0x18F00] =	vst v63  }
0x5c: {  	_ =	swait.ge [sflag:s11], $0x2400  }
0x5d: {  	[sflag:s11] =	ssyncset.done $0x0  }
0x5e: {  	[sflag:s11] =	ssyncadd.s32 $0xFFFFDC00  }
0x5f: {  	[bflag:$0x0] =	sbarrier.arrive $0xFFFF  }
0x60: {  	s9 =	rddreg [dreg:$0x6]  }
0x61: {  	[tilespmem:s4], [sflag:$0x6] =	stream.linear.gather [hbm4b:s9+s4], $0x50, $0x38;
	[tilespmem:$0x18F00] =	vst v63  }
0x62: {  	_ =	swait.ge [sflag:s11], $0x50  }
0x63: {  	[sflag:s11] =	ssyncset.done $0x0  }
0x64: {  	s17 =	rddreg [dreg:$0x7];
	[sflag:s11] =	ssyncadd.s32 $0xFFFFFFB0  }
0x65: {  	[tilespmem:s12], [sflag:$0x6] =	stream.linear.gather [hbm4b:s17+s4], $0x50, $0x38;
	[tilespmem:$0x18F00] =	vst v63  }
0x66: {  	_ =	swait.ge [sflag:s11], $0x50  }
0x67: {  	[sflag:s11] =	ssyncset.done $0x0  }
0x68: {  	s6 =	rddreg [dreg:$0x8];
	[sflag:s11] =	ssyncadd.s32 $0xFFFFFFB0  }
0x69: {  	[tilespmem:s13], [sflag:$0x4] =	stream.linear.gather [hbm4b:s6+s4], $0x50, $0x38;
	[tilespmem:$0x18F00] =	vst v63  }
0x6a: {  	s8 =	rddreg [dreg:$0x9]  }
0x6b: {  	[tilespmem:s14], [sflag:$0x4] =	stream.linear.gather [hbm4b:s8+s4], $0x50, $0x38;
	[tilespmem:$0x18F00] =	vst v63  }
0x6c: {  	s9 =	rddreg [dreg:$0xa]  }
0x6d: {  	[tilespmem:s15], [sflag:$0x5] =	stream.linear.gather [hbm4b:s9+s4], $0x50, $0x38;
	[tilespmem:$0x18F00] =	vst v63  }
0x6e: {  	s17 =	rddreg [dreg:$0xb]  }
0x6f: {  	[tilespmem:s16], [sflag:$0x5] =	stream.linear.gather [hbm4b:s17+s4], $0x50, $0x38;
	[tilespmem:$0x18F00] =	vst v63  }
0x70: {  	s8 =	rddreg [dreg:$0x10];
	s9 =	simm.s32 $0x0  }
0x71: {  	[tilespmem:s29], [sflag:$0x1] =	stream.indirect.gather [hbm4b:s5+s21], $0x80, s4, s21, $0xb8;
	[tilespmem:$0x18F00] =	vst v63  }
.LBB2_2:
0x72: {  	_ =	swait.ge [sflag:s30], $0x50  }
0x73: {  	[sflag:s30] =	ssyncset.done $0x0  }
0x74: {  	[sflag:s30] =	ssyncadd.s32 $0xFFFFFFB0  }
0x75: {  	_ =	swait.ge [sflag:s30], $0x50  }
0x76: {  	[sflag:s30] =	ssyncset.done $0x0  }
0x77: {  	[sflag:s30] =	ssyncadd.s32 $0xFFFFFFB0  }
0x78: {  	[tilespmem:s10], [sflag:$0x2] =	stream.indirect.gather [hbm4b:s5+s21], $0x80, s13, s21, $0xb8;
	[tilespmem:$0x18F00] =	vst v63  }
0x79: {  	_ =	swait.ge [sflag:s31], $0x2800  }
0x7a: {  	[sflag:s31] =	ssyncset.done $0x0  }
0x7b: {  	[sflag:s31] =	ssyncadd.s32 $0xFFFFD800  }
0x7c: {  	[spmem:s2] =	stream.indirect.scatter.add.f32 [tilespmem:s29], [sflag:$0x6], $0x80, s12, s21, $0xb8;
	[tilespmem:$0x18F00] =	vst v63  }
0x7d: {  	_ =	swait.ge [sflag:s11], $0x2800  }
0x7e: {  	[sflag:s11] =	ssyncset.done $0x0  }
0x7f: {  	s1 =	sadd.s32 s9, s28;
	[sflag:s11] =	ssyncadd.s32 $0xFFFFD800  }
0x80: {  	[tilespmem:s4], [sflag:$0x3] =	stream.linear.gather [hbm4b:s1+s4], $0x50, $0x38;
	[tilespmem:$0x18F00] =	vst v63  }
0x81: {  	s17 =	sadd.s32 s9, s26  }
0x82: {  	[tilespmem:s12], [sflag:$0x3] =	stream.linear.gather [hbm4b:s17+s4], $0x50, $0x38;
	[tilespmem:$0x18F00] =	vst v63  }
0x83: {  	_ =	swait.ge [sflag:s0], $0x50  }
0x84: {  	[sflag:s0] =	ssyncset.done $0x0  }
0x85: {  	[sflag:s0] =	ssyncadd.s32 $0xFFFFFFB0  }
0x86: {  	_ =	swait.ge [sflag:s0], $0x50  }
0x87: {  	[sflag:s0] =	ssyncset.done $0x0  }
0x88: {  	[sflag:s0] =	ssyncadd.s32 $0xFFFFFFB0  }
0x89: {  	[tilespmem:s29], [sflag:$0x1] =	stream.indirect.gather [hbm4b:s5+s21], $0x80, s15, s21, $0xb8;
	[tilespmem:$0x18F00] =	vst v63  }
0x8a: {  	_ =	swait.ge [sflag:s3], $0x2800  }
0x8b: {  	[sflag:s3] =	ssyncset.done $0x0  }
0x8c: {  	[sflag:s3] =	ssyncadd.s32 $0xFFFFD800  }
0x8d: {  	[spmem:s2] =	stream.indirect.scatter.add.f32 [tilespmem:s10], [sflag:$0x6], $0x80, s14, s21, $0xb8;
	[tilespmem:$0x18F00] =	vst v63  }
0x8e: {  	_ =	swait.ge [sflag:s11], $0x2800  }
0x8f: {  	[sflag:s11] =	ssyncset.done $0x0  }
0x90: {  	s6 =	sadd.s32 s9, s25;
	[sflag:s11] =	ssyncadd.s32 $0xFFFFD800  }
0x91: {  	[tilespmem:s13], [sflag:$0x4] =	stream.linear.gather [hbm4b:s6+s4], $0x50, $0x38;
	[tilespmem:$0x18F00] =	vst v63  }
0x92: {  	s17 =	sadd.s32 s9, s24  }
0x93: {  	[tilespmem:s14], [sflag:$0x4] =	stream.linear.gather [hbm4b:s17+s4], $0x50, $0x38;
	[tilespmem:$0x18F00] =	vst v63  }
0x94: {  	_ =	swait.ge [sflag:s7], $0x50  }
0x95: {  	[sflag:s7] =	ssyncset.done $0x0  }
0x96: {  	[sflag:s7] =	ssyncadd.s32 $0xFFFFFFB0  }
0x97: {  	_ =	swait.ge [sflag:s7], $0x50  }
0x98: {  	[sflag:s7] =	ssyncset.done $0x0  }
0x99: {  	[sflag:s7] =	ssyncadd.s32 $0xFFFFFFB0  }
0x9a: {  	[tilespmem:s10], [sflag:$0x2] =	stream.indirect.gather [hbm4b:s5+s21], $0x80, s4, s21, $0xb8;
	[tilespmem:$0x18F00] =	vst v63  }
0x9b: {  	_ =	swait.ge [sflag:s31], $0x2800  }
0x9c: {  	[sflag:s31] =	ssyncset.done $0x0  }
0x9d: {  	[sflag:s31] =	ssyncadd.s32 $0xFFFFD800  }
0x9e: {  	[spmem:s2] =	stream.indirect.scatter.add.f32 [tilespmem:s29], [sflag:$0x6], $0x80, s16, s21, $0xb8;
	[tilespmem:$0x18F00] =	vst v63  }
0x9f: {  	p0 =	seq.s32 s9, $0x4B0;
	_ =	swait.ge [sflag:s11], $0x2800  }
0xa0: {  	s1 =	sadd.s32 @!p0 s9, s23;
	[sflag:s11] =	ssyncset.done $0x0  }
0xa1: {  	s6 =	simm.s32 @!p0 $0x0;
	s17 =	simm.s32 @!p0 $0x100;
	[sflag:s11] =	ssyncadd.s32 $0xFFFFD800  }
0xa2: {  	[tilespmem:s17], [sflag:$0x5] =	stream.linear.gather @!p0 [hbm4b:s1+s6], $0x50, $0x38;
	[tilespmem:$0x18F00] =	vst v63  }
0xa3: {  	s1 =	sadd.s32 @!p0 s9, s22;
	s17 =	simm.s32 @!p0 $0x280  }
0xa4: {  	[tilespmem:s17], [sflag:$0x5] =	stream.linear.gather @!p0 [hbm4b:s1+s6], $0x50, $0x38;
	[tilespmem:$0x18F00] =	vst v63  }
0xa5: {  	_ =	swait.ge [sflag:s30], $0x50  }
0xa6: {  	[sflag:s30] =	ssyncset.done $0x0  }
0xa7: {  	[sflag:s30] =	ssyncadd.s32 $0xFFFFFFB0  }
0xa8: {  	_ =	swait.ge [sflag:s30], $0x50  }
0xa9: {  	[sflag:s30] =	ssyncset.done $0x0  }
0xaa: {  	[sflag:s30] =	ssyncadd.s32 $0xFFFFFFB0  }
0xab: {  	[tilespmem:s29], [sflag:$0x1] =	stream.indirect.gather [hbm4b:s5+s21], $0x80, s13, s21, $0xb8;
	[tilespmem:$0x18F00] =	vst v63  }
0xac: {  	_ =	swait.ge [sflag:s3], $0x2800  }
0xad: {  	[sflag:s3] =	ssyncset.done $0x0  }
.Ltmp2:
0xae: {  	[sflag:s3] =	ssyncadd.s32 $0xFFFFD800;
	(pc) =	sbr.rel @p0 .LBB2_4-.Ltmp2, $4  }
0xaf: {  	[spmem:s2] =	stream.indirect.scatter.add.f32 [tilespmem:s10], [sflag:$0x6], $0x80, s12, s21, $0xb8;
	[tilespmem:$0x18F00] =	vst v63  }
0xb0: {  	_ =	swait.ge [sflag:s11], $0x2800  }
0xb1: {  	[sflag:s11] =	ssyncset.done $0x0  }
0xb2: {  	[sflag:s11] =	ssyncadd.s32 $0xFFFFD800  }
0xb3: {  	s1 =	sshrl.u32 s8, $0x3  }
0xb4: {  	s17 =	rddreg [dreg:$0x1];
	s6 =	sadd.s32 s18, s1  }
0xb5: {  	[tilespmem:s4], [sflag:$0x3] =	stream.linear.gather [hbm4b:s6+s4], $0x50, $0x38;
	[tilespmem:$0x18F00] =	vst v63  }
0xb6: {  	s1 =	sadd.s32 s17, s1  }
0xb7: {  	[tilespmem:s12], [sflag:$0x3] =	stream.linear.gather [hbm4b:s1+s4], $0x50, $0x38;
	[tilespmem:$0x18F00] =	vst v63  }
0xb8: {  	_ =	swait.ge [sflag:s0], $0x50  }
0xb9: {  	[sflag:s0] =	ssyncset.done $0x0  }
0xba: {  	[sflag:s0] =	ssyncadd.s32 $0xFFFFFFB0  }
0xbb: {  	_ =	swait.ge [sflag:s0], $0x50  }
0xbc: {  	[sflag:s0] =	ssyncset.done $0x0  }
0xbd: {  	[sflag:s0] =	ssyncadd.s32 $0xFFFFFFB0  }
0xbe: {  	[tilespmem:s10], [sflag:$0x2] =	stream.indirect.gather [hbm4b:s5+s21], $0x80, s15, s21, $0xb8;
	[tilespmem:$0x18F00] =	vst v63  }
0xbf: {  	_ =	swait.ge [sflag:s31], $0x2800  }
0xc0: {  	[sflag:s31] =	ssyncset.done $0x0  }
0xc1: {  	[sflag:s31] =	ssyncadd.s32 $0xFFFFD800  }
0xc2: {  	[spmem:s2] =	stream.indirect.scatter.add.f32 [tilespmem:s29], [sflag:$0x6], $0x80, s14, s21, $0xb8;
	[tilespmem:$0x18F00] =	vst v63  }
0xc3: {  	_ =	swait.ge [sflag:s11], $0x2800  }
0xc4: {  	[sflag:s11] =	ssyncset.done $0x0  }
0xc5: {  	s6 =	sadd.s32 s9, s20;
	[sflag:s11] =	ssyncadd.s32 $0xFFFFD800  }
0xc6: {  	[tilespmem:s13], [sflag:$0x4] =	stream.linear.gather [hbm4b:s6+s4], $0x50, $0x38;
	[tilespmem:$0x18F00] =	vst v63  }
0xc7: {  	s17 =	sadd.s32 s9, s19  }
0xc8: {  	[tilespmem:s14], [sflag:$0x4] =	stream.linear.gather [hbm4b:s17+s4], $0x50, $0x38;
	[tilespmem:$0x18F00] =	vst v63  }
0xc9: {  	_ =	swait.ge [sflag:s7], $0x50  }
0xca: {  	[sflag:s7] =	ssyncset.done $0x0  }
0xcb: {  	[sflag:s7] =	ssyncadd.s32 $0xFFFFFFB0  }
0xcc: {  	_ =	swait.ge [sflag:s7], $0x50  }
0xcd: {  	[sflag:s7] =	ssyncset.done $0x0  }
0xce: {  	[sflag:s7] =	ssyncadd.s32 $0xFFFFFFB0  }
0xcf: {  	[tilespmem:s29], [sflag:$0x1] =	stream.indirect.gather [hbm4b:s5+s21], $0x80, s4, s21, $0xb8;
	[tilespmem:$0x18F00] =	vst v63  }
0xd0: {  	_ =	swait.ge [sflag:s3], $0x2800  }
0xd1: {  	[sflag:s3] =	ssyncset.done $0x0  }
0xd2: {  	[sflag:s3] =	ssyncadd.s32 $0xFFFFD800  }
0xd3: {  	[spmem:s2] =	stream.indirect.scatter.add.f32 [tilespmem:s10], [sflag:$0x6], $0x80, s16, s21, $0xb8;
	[tilespmem:$0x18F00] =	vst v63  }
0xd4: {  	_ =	swait.ge [sflag:s11], $0x2800  }
.Ltmp3:
0xd5: {  	[sflag:s11] =	ssyncset.done $0x0;
	s6 =	rddreg [dreg:$0xf];
	(pc) =	sbr.rel .LBB2_2-.Ltmp3, $4  }
0xd6: {  	s17 =	rddreg [dreg:$0xe];
	[sflag:s11] =	ssyncadd.s32 $0xFFFFD800;
	s1 =	sadd.s32 s9, s6  }
0xd7: {  	[tilespmem:s15], [sflag:$0x5] =	stream.linear.gather [hbm4b:s1+s4], $0x50, $0x38;
	[tilespmem:$0x18F00] =	vst v63  }
0xd8: {  	s8 =	sadd.s32 $0x1E0, s8;
	s1 =	sadd.s32 s9, s17;
	s9 =	sadd.s32 $0x3C, s9  }
0xd9: {  	[tilespmem:s16], [sflag:$0x5] =	stream.linear.gather [hbm4b:s1+s4], $0x50, $0x38;
	[tilespmem:$0x18F00] =	vst v63  }
.LBB2_5:
0xda: {  	_ =	sfence.sel $0x180000  }
0xdb: {  	[bflag:$0x0] =	sbarrier.arrive $0xFFFF  }
0xdc: {  	_ =	strace $0x9000004A  }
0xdd: {  	s0 =	stileid.u32;
	[bflag:$0x2] =	sbarrier.arrive $0xFFFF  }
0xde: {  	p0 =	sne.s32 s0, $0x0;
	s0 =	rddreg [dreg:$0x3]  }
0xdf: {  	s0 =	sadd.s32 @!p0 $0x100000, s0  }
0xe0: {  	[sflag:s0] =	ssyncadd.tile.s32 @!p0 $0x1;
	_ =	shalt  }
.Lfunc_end2:
_tile_overlayer_lowered:
.L_overlay_start_2:
0xe1: {  	(tag) =	ssettag $0x2  }
0xe2: {  	s0 =	rddreg [dreg:$0x0];
	s2 =	stileid.u32  }
0xe3: {  	s1 =	rddreg [dreg:$0x1];
	p0 =	sne.s32 s2, $0x0  }
0xe4: {  	s3 =	rddreg [dreg:$0x2];
	[bflag:$0x3] =	sbarrier.arrive $0xFFFF;
	s2 =	simm.s32 @!p0 $0x1C06  }
0xe5: {  	[timem:s3], [sflag:s2] =	dma.local @!p0 [hbm:s0], s1  }
0xe6: {  	s0 =	simm.s32 @!p0 $0x6  }
0xe7: {  	_ =	swait.ge @!p0 [sflag:s0], s1  }
0xe8: {  	s1 =	ssub.s32 @!p0 $0x0, s1;
	[sflag:s0] =	ssyncset.done @!p0 $0x0  }
0xe9: {  	[sflag:s0] =	ssyncadd.s32 @!p0 s1  }
0xea: {  	[bflag:$0x3] =	sbarrier.arrive $0xFFFF  }
0xeb: {  	_ =	shalt  }

</sc_bundles>
